<compile_context>
chip_gen: v7x
topology: tpu7x:2x2x1
jax: 0.10.2.dev20260603
libtpu: 0.0.44.dev20260713+nightly
codegen_flags: <defaults>
</compile_context>

<pallas_src>
import functools

import jax
import jax.numpy as jnp
from jax import lax
from jax.experimental import pallas as pl
from jax.experimental.pallas import tpu as pltpu
from jax.experimental.pallas import tpu_sc as plsc

_EPS = 0.01


def _tree(vals, fn):
    vals = list(vals)
    while len(vals) > 1:
        nxt = [fn(vals[i], vals[i + 1]) for i in range(0, len(vals) - 1, 2)]
        if len(vals) % 2:
            nxt.append(vals[-1])
        vals = nxt
    return vals[0]


def _fold_vreg(a):
    a = a[:, 0:256] + a[:, 256:512]
    a = a[:, 0:128] + a[:, 128:256]
    rows = a.shape[0]
    while rows > 8:
        rows //= 2
        a = a[0:rows] + a[rows:2 * rows]
    return a


def _tc_body(x_ref, t_ref, out_ref, acc_ref, *, n_classes):
    g = pl.program_id(0)
    c8 = n_classes * 8

    @pl.when(g == 0)
    def _init():
        acc_ref[...] = jnp.zeros_like(acc_ref)

    x = x_ref[0]
    t = t_ref[0]
    xs = [x[i] for i in range(n_classes)]

    m = _tree(xs, jnp.maximum)
    s_pow = _tree(
        [jnp.where(xs[i] == m, 2.0 ** (-i), 0.0) for i in range(n_classes)],
        jnp.add,
    )
    sbits = jax.lax.bitcast_convert_type(s_pow, jnp.int32)
    pred_biased = sbits >> 23
    mism = (pred_biased != 127 - t).astype(jnp.float32)

    se = _tree([jnp.exp(xs[i]) for i in range(n_classes)], jnp.add)
    lse = jnp.log(se)

    for i in range(n_classes):
        maski = t == i
        gt_i = jnp.where(maski, 1.0, 0.0)
        fn_i = jnp.where(maski, mism, 0.0)
        ce_i = jnp.where(maski, lse - xs[i], 0.0)
        acc_ref[i * 8:i * 8 + 8, :] += _fold_vreg(gt_i)
        acc_ref[c8 + i * 8:c8 + i * 8 + 8, :] += _fold_vreg(fn_i)
        acc_ref[2 * c8 + i * 8:2 * c8 + i * 8 + 8, :] += _fold_vreg(ce_i)

    @pl.when(g == pl.num_programs(0) - 1)
    def _finish():
        cols = []
        for q in range(3):
            blk = acc_ref[q * c8:(q + 1) * c8, :].reshape(n_classes, 8, 128)
            cols.append(jnp.sum(blk, axis=(1, 2), keepdims=True)[:, :, 0])
        tr = jax.lax.transpose(jnp.concatenate(cols, axis=1), (1, 0))
        pad = jnp.zeros((3, 32 - n_classes), jnp.float32)
        out_ref[...] = jnp.concatenate([tr, pad], axis=1)


def _tc_partials(logits, targets):
    b, c, h, w = logits.shape
    r = 64
    kr = h // r
    g = b * kr

    return pl.pallas_call(
        functools.partial(_tc_body, n_classes=c),
        grid=(g,),
        in_specs=[
            pl.BlockSpec((1, c, r, w), lambda i: (i // kr, 0, i % kr, 0)),
            pl.BlockSpec((1, r, w), lambda i: (i // kr, i % kr, 0)),
        ],
        out_specs=pl.BlockSpec((3, 32), lambda i: (0, 0)),
        out_shape=jax.ShapeDtypeStruct((3, 32), jnp.float32),
        scratch_shapes=[pltpu.VMEM((3 * c * 8, 128), jnp.float32)],
        compiler_params=pltpu.CompilerParams(
            dimension_semantics=("arbitrary",),
        ),
    )(logits, targets)


def _sc_weighted_loss(partials, total_n):
    mesh = plsc.VectorSubcoreMesh(core_axis_name="c", subcore_axis_name="s")

    @functools.partial(
        pl.kernel,
        mesh=mesh,
        out_type=jax.ShapeDtypeStruct((16,), jnp.float32),
        scratch_types=[
            pltpu.VMEM((3, 32), jnp.float32),
            pltpu.VMEM((16,), jnp.float32),
        ],
    )
    def k(part_hbm, out_hbm, part_v, out_v):
        @pl.when((lax.axis_index("c") == 0) & (lax.axis_index("s") == 0))
        def _():
            pltpu.sync_copy(part_hbm, part_v)
            acc = jnp.zeros((16,), jnp.float32)
            for h in range(2):
                gt = part_v[0, pl.ds(h * 16, 16)]
                fn = part_v[1, pl.ds(h * 16, 16)]
                ce = part_v[2, pl.ds(h * 16, 16)]
                gtc = jnp.where(gt > 0.0, gt, 1.0)
                fnc = jnp.where(fn > 0.0, fn, 1.0)
                acc = acc + (fnc / gtc) * ce
            lane = lax.iota(jnp.int32, 16)
            for step in (8, 4, 2, 1):
                perm = jnp.bitwise_xor(lane, step)
                acc = acc + acc.at[perm].get(mode="promise_in_bounds")
            out_v[...] = acc / total_n + _EPS
            pltpu.sync_copy(out_v, out_hbm)

    return k(partials)


def kernel(logits, targets):
    b, c, h, w = logits.shape
    partials = _tc_partials(logits, targets)
    out = _sc_weighted_loss(partials, float(b * h * w))
    return out[0]

# --- scband reference (transcript-rebuilt; emitter-appended) ---
"""Pipeline reference for scband-recall-cross-entropy-20761871909332 (READ-ONLY COPY).

The authoritative reference and input builder live on the scoring server;
editing this copy changes nothing except your own understanding.
"""

import jax, jax.numpy as jnp
import numpy as np

N_CLASSES = 19
EPS = 0.01


def setup_inputs(seed: int = 0) -> dict:
    key = jax.random.key(seed)
    k1, k2 = jax.random.split(key)
    logits = jax.random.normal(k1, (16, N_CLASSES, 512, 512), dtype=jnp.float32)
    targets = jax.random.randint(k2, (16, 512, 512), 0, N_CLASSES, dtype=jnp.int32)
    return {"logits": logits, "targets": targets}


def reference(logits, targets):
    # pred = logits.argmax(dim=1)
    pred = jnp.argmax(logits, axis=1)
    idex = (pred != targets).reshape(-1)
    tflat = targets.reshape(-1)

    # gt_counter: ones, overwritten by counts of present classes
    gt_count = jnp.bincount(tflat, length=N_CLASSES).astype(jnp.float32)
    gt_counter = jnp.where(gt_count > 0, gt_count, jnp.ones_like(gt_count))

    # fn_counter: ones, overwritten by counts of misclassified pixels per class
    fn_count = jnp.bincount(tflat, weights=idex.astype(jnp.float32), length=N_CLASSES)
    fn_counter = jnp.where(fn_count > 0, fn_count, jnp.ones_like(fn_count))

    weight = fn_counter / gt_counter

    # per-element cross entropy (reduction='none'), no ignored labels present
    logp = jax.nn.log_softmax(logits, axis=1)
    CE = -jnp.take_along_axis(logp, targets[:, None, :, :], axis=1)[:, 0]

    loss = weight[targets] * CE
    return loss.mean() + EPS

if __name__ == "__main__":
    import jax
    _d = setup_inputs()
    print(jax.jit(kernel)(*tuple(_d.values())))

</pallas_src>

<mosaic_0001>
#map = affine_map<(d0, d1) -> (0, 0)>
#map1 = affine_map<(d0, d1) -> (0)>
module attributes {stable_mosaic.version = 14 : i64} {
  func.func @k(%arg0: i32, %arg1: i32, %arg2: memref<3x32xf32, #tpu.memory_space<hbm>>, %arg3: memref<16xf32, #tpu.memory_space<hbm>>, %arg4: memref<3x32xf32, #tpu.memory_space<vmem>>, %arg5: memref<16xf32, #tpu.memory_space<vmem>>) attributes {dimension_semantics = [#tpu.dimension_semantics<core_parallel>, #tpu.dimension_semantics<subcore_parallel>], iteration_bounds = array<i64: 2, 16>, scalar_prefetch = 0 : i64, scratch_operands = 2 : i64, tpu.core_type = #tpu.core_type<sc_vector_subcore>, window_params = [{transform_indices = #map}, {transform_indices = #map1}]} {
    %eq3A = arith.constant 0 : i32
    %eq3A_0 = arith.cmpi eq, %arg0, %eq3A : i32
    %eq3A_1 = arith.constant 0 : i32
    %eq3A_2 = arith.cmpi eq, %arg1, %eq3A_1 : i32
    %and3A = arith.andi %eq3A_0, %eq3A_2 : i1
    %convert_element_type3A = arith.extui %and3A : i1 to i32
    %cond3A = arith.constant 0 : i32
    %cond3A_3 = arith.cmpi ne, %convert_element_type3A, %cond3A : i32
    scf.if %cond3A_3 {
      "tpu.region"() ({
        %run_scoped3A = tpu.sem_alloc : memref<!tpu.dma_semaphore, #tpu.memory_space<semaphore_mem>>
        tpu.enqueue_dma source(%arg2 : memref<3x32xf32, #tpu.memory_space<hbm>>) target(%arg4 : memref<3x32xf32, #tpu.memory_space<vmem>>) target_semaphore(%run_scoped3A : memref<!tpu.dma_semaphore, #tpu.memory_space<semaphore_mem>>)
        tpu.wait_dma2 semaphore(%run_scoped3A : memref<!tpu.dma_semaphore, #tpu.memory_space<semaphore_mem>>) src(%arg2 : memref<3x32xf32, #tpu.memory_space<hbm>>) dst(%arg4 : memref<3x32xf32, #tpu.memory_space<vmem>>)
        tpu.yield
      }) : () -> ()
      %broadcast_in_dim3A = arith.constant 0.000000e+00 : f32
      %broadcast_in_dim3A_4 = vector.broadcast %broadcast_in_dim3A : f32 to vector<16xf32>
      %get3A = arith.constant 0 : i32
      %get3A_5 = arith.index_cast %get3A : i32 to index
      %get3A_6 = arith.constant 0 : index
      %get3A_7 = tpu.vector_load %arg4[%get3A_5, %get3A_6] {strides = array<i32>} : memref<3x32xf32, #tpu.memory_space<vmem>>, vector<1x16xf32>,
      %get3A_8 = vector.shape_cast %get3A_7 : vector<1x16xf32> to vector<16xf32>
      %get3A_9 = arith.constant 1 : i32
      %get3A_10 = arith.index_cast %get3A_9 : i32 to index
      %get3A_11 = arith.constant 0 : index
      %get3A_12 = tpu.vector_load %arg4[%get3A_10, %get3A_11] {strides = array<i32>} : memref<3x32xf32, #tpu.memory_space<vmem>>, vector<1x16xf32>,
      %get3A_13 = vector.shape_cast %get3A_12 : vector<1x16xf32> to vector<16xf32>
      %get3A_14 = arith.constant 2 : i32
      %get3A_15 = arith.index_cast %get3A_14 : i32 to index
      %get3A_16 = arith.constant 0 : index
      %get3A_17 = tpu.vector_load %arg4[%get3A_15, %get3A_16] {strides = array<i32>} : memref<3x32xf32, #tpu.memory_space<vmem>>, vector<1x16xf32>,
      %get3A_18 = vector.shape_cast %get3A_17 : vector<1x16xf32> to vector<16xf32>
      %gt3A = arith.constant 0.000000e+00 : f32
      %gt3A_19 = vector.broadcast %gt3A : f32 to vector<16xf32>
      %gt3A_20 = arith.cmpf ogt, %get3A_8, %gt3A_19 : vector<16xf32>
      %jit3A = arith.constant 1.000000e+00 : f32
      %broadcast_in_dim3A_21 = vector.broadcast %jit3A : f32 to vector<16xf32>
      %select_n3A = arith.select %gt3A_20, %get3A_8, %broadcast_in_dim3A_21 : vector<16xi1>, vector<16xf32>
      %gt3A_22 = arith.constant 0.000000e+00 : f32
      %gt3A_23 = vector.broadcast %gt3A_22 : f32 to vector<16xf32>
      %gt3A_24 = arith.cmpf ogt, %get3A_13, %gt3A_23 : vector<16xf32>
      %jit3A_25 = arith.constant 1.000000e+00 : f32
      %broadcast_in_dim3A_26 = vector.broadcast %jit3A_25 : f32 to vector<16xf32>
      %select_n3A_27 = arith.select %gt3A_24, %get3A_13, %broadcast_in_dim3A_26 : vector<16xi1>, vector<16xf32>
      %div3A = arith.divf %select_n3A_27, %select_n3A : vector<16xf32>
      %mul3A = arith.mulf %div3A, %get3A_18 : vector<16xf32>
      %add3A = arith.addf %broadcast_in_dim3A_4, %mul3A : vector<16xf32>
      %get3A_28 = arith.constant 0 : i32
      %get3A_29 = arith.index_cast %get3A_28 : i32 to index
      %get3A_30 = arith.constant 16 : index
      %get3A_31 = tpu.vector_load %arg4[%get3A_29, %get3A_30] {strides = array<i32>} : memref<3x32xf32, #tpu.memory_space<vmem>>, vector<1x16xf32>,
      %get3A_32 = vector.shape_cast %get3A_31 : vector<1x16xf32> to vector<16xf32>
      %get3A_33 = arith.constant 1 : i32
      %get3A_34 = arith.index_cast %get3A_33 : i32 to index
      %get3A_35 = arith.constant 16 : index
      %get3A_36 = tpu.vector_load %arg4[%get3A_34, %get3A_35] {strides = array<i32>} : memref<3x32xf32, #tpu.memory_space<vmem>>, vector<1x16xf32>,
      %get3A_37 = vector.shape_cast %get3A_36 : vector<1x16xf32> to vector<16xf32>
      %get3A_38 = arith.constant 2 : i32
      %get3A_39 = arith.index_cast %get3A_38 : i32 to index
      %get3A_40 = arith.constant 16 : index
      %get3A_41 = tpu.vector_load %arg4[%get3A_39, %get3A_40] {strides = array<i32>} : memref<3x32xf32, #tpu.memory_space<vmem>>, vector<1x16xf32>,
      %get3A_42 = vector.shape_cast %get3A_41 : vector<1x16xf32> to vector<16xf32>
      %gt3A_43 = arith.constant 0.000000e+00 : f32
      %gt3A_44 = vector.broadcast %gt3A_43 : f32 to vector<16xf32>
      %gt3A_45 = arith.cmpf ogt, %get3A_32, %gt3A_44 : vector<16xf32>
      %jit3A_46 = arith.constant 1.000000e+00 : f32
      %broadcast_in_dim3A_47 = vector.broadcast %jit3A_46 : f32 to vector<16xf32>
      %select_n3A_48 = arith.select %gt3A_45, %get3A_32, %broadcast_in_dim3A_47 : vector<16xi1>, vector<16xf32>
      %gt3A_49 = arith.constant 0.000000e+00 : f32
      %gt3A_50 = vector.broadcast %gt3A_49 : f32 to vector<16xf32>
      %gt3A_51 = arith.cmpf ogt, %get3A_37, %gt3A_50 : vector<16xf32>
      %jit3A_52 = arith.constant 1.000000e+00 : f32
      %broadcast_in_dim3A_53 = vector.broadcast %jit3A_52 : f32 to vector<16xf32>
      %select_n3A_54 = arith.select %gt3A_51, %get3A_37, %broadcast_in_dim3A_53 : vector<16xi1>, vector<16xf32>
      %div3A_55 = arith.divf %select_n3A_54, %select_n3A_48 : vector<16xf32>
      %mul3A_56 = arith.mulf %div3A_55, %get3A_42 : vector<16xf32>
      %add3A_57 = arith.addf %add3A, %mul3A_56 : vector<16xf32>
      %iota3A = tpu.iota {dimensions = array<i32: 0>} : vector<16xi32>
      %xor3A = arith.constant 8 : i32
      %xor3A_58 = vector.broadcast %xor3A : i32 to vector<16xi32>
      %xor3A_59 = arith.xori %iota3A, %xor3A_58 : vector<16xi32>
      %lt3A = arith.constant 0 : i32
      %lt3A_60 = vector.broadcast %lt3A : i32 to vector<16xi32>
      %lt3A_61 = arith.cmpi slt, %xor3A_59, %lt3A_60 : vector<16xi32>
      %add3A_62 = arith.constant 16 : i32
      %add3A_63 = vector.broadcast %add3A_62 : i32 to vector<16xi32>
      %add3A_64 = arith.addi %xor3A_59, %add3A_63 : vector<16xi32>
      %select_n3A_65 = arith.select %lt3A_61, %add3A_64, %xor3A_59 : vector<16xi1>, vector<16xi32>
      %broadcast_in_dim3A_66 = vector.shape_cast %select_n3A_65 : vector<16xi32> to vector<16x1xi32>
      %gather3A = vector.shape_cast %broadcast_in_dim3A_66 : vector<16x1xi32> to vector<16xi32>
      %gather3A_67 = tpu.dynamic_gather %add3A_57[%gather3A] in [0] : vector<16xf32>, vector<16xi32> -> vector<16xf32>
      %add3A_68 = arith.addf %add3A_57, %gather3A_67 : vector<16xf32>
      %xor3A_69 = arith.constant 4 : i32
      %xor3A_70 = vector.broadcast %xor3A_69 : i32 to vector<16xi32>
      %xor3A_71 = arith.xori %iota3A, %xor3A_70 : vector<16xi32>
      %lt3A_72 = arith.constant 0 : i32
      %lt3A_73 = vector.broadcast %lt3A_72 : i32 to vector<16xi32>
      %lt3A_74 = arith.cmpi slt, %xor3A_71, %lt3A_73 : vector<16xi32>
      %add3A_75 = arith.constant 16 : i32
      %add3A_76 = vector.broadcast %add3A_75 : i32 to vector<16xi32>
      %add3A_77 = arith.addi %xor3A_71, %add3A_76 : vector<16xi32>
      %select_n3A_78 = arith.select %lt3A_74, %add3A_77, %xor3A_71 : vector<16xi1>, vector<16xi32>
      %broadcast_in_dim3A_79 = vector.shape_cast %select_n3A_78 : vector<16xi32> to vector<16x1xi32>
      %gather3A_80 = vector.shape_cast %broadcast_in_dim3A_79 : vector<16x1xi32> to vector<16xi32>
      %gather3A_81 = tpu.dynamic_gather %add3A_68[%gather3A_80] in [0] : vector<16xf32>, vector<16xi32> -> vector<16xf32>
      %add3A_82 = arith.addf %add3A_68, %gather3A_81 : vector<16xf32>
      %xor3A_83 = arith.constant 2 : i32
      %xor3A_84 = vector.broadcast %xor3A_83 : i32 to vector<16xi32>
      %xor3A_85 = arith.xori %iota3A, %xor3A_84 : vector<16xi32>
      %lt3A_86 = arith.constant 0 : i32
      %lt3A_87 = vector.broadcast %lt3A_86 : i32 to vector<16xi32>
      %lt3A_88 = arith.cmpi slt, %xor3A_85, %lt3A_87 : vector<16xi32>
      %add3A_89 = arith.constant 16 : i32
      %add3A_90 = vector.broadcast %add3A_89 : i32 to vector<16xi32>
      %add3A_91 = arith.addi %xor3A_85, %add3A_90 : vector<16xi32>
      %select_n3A_92 = arith.select %lt3A_88, %add3A_91, %xor3A_85 : vector<16xi1>, vector<16xi32>
      %broadcast_in_dim3A_93 = vector.shape_cast %select_n3A_92 : vector<16xi32> to vector<16x1xi32>
      %gather3A_94 = vector.shape_cast %broadcast_in_dim3A_93 : vector<16x1xi32> to vector<16xi32>
      %gather3A_95 = tpu.dynamic_gather %add3A_82[%gather3A_94] in [0] : vector<16xf32>, vector<16xi32> -> vector<16xf32>
      %add3A_96 = arith.addf %add3A_82, %gather3A_95 : vector<16xf32>
      %xor3A_97 = arith.constant 1 : i32
      %xor3A_98 = vector.broadcast %xor3A_97 : i32 to vector<16xi32>
      %xor3A_99 = arith.xori %iota3A, %xor3A_98 : vector<16xi32>
      %lt3A_100 = arith.constant 0 : i32
      %lt3A_101 = vector.broadcast %lt3A_100 : i32 to vector<16xi32>
      %lt3A_102 = arith.cmpi slt, %xor3A_99, %lt3A_101 : vector<16xi32>
      %add3A_103 = arith.constant 16 : i32
      %add3A_104 = vector.broadcast %add3A_103 : i32 to vector<16xi32>
      %add3A_105 = arith.addi %xor3A_99, %add3A_104 : vector<16xi32>
      %select_n3A_106 = arith.select %lt3A_102, %add3A_105, %xor3A_99 : vector<16xi1>, vector<16xi32>
      %broadcast_in_dim3A_107 = vector.shape_cast %select_n3A_106 : vector<16xi32> to vector<16x1xi32>
      %gather3A_108 = vector.shape_cast %broadcast_in_dim3A_107 : vector<16x1xi32> to vector<16xi32>
      %gather3A_109 = tpu.dynamic_gather %add3A_96[%gather3A_108] in [0] : vector<16xf32>, vector<16xi32> -> vector<16xf32>
      %add3A_110 = arith.addf %add3A_96, %gather3A_109 : vector<16xf32>
      %div3A_111 = arith.constant 0x4A800000 : f32
      %div3A_112 = vector.broadcast %div3A_111 : f32 to vector<16xf32>
      %div3A_113 = arith.divf %add3A_110, %div3A_112 : vector<16xf32>
      %add3A_114 = arith.constant 0.00999999977 : f32
      %add3A_115 = vector.broadcast %add3A_114 : f32 to vector<16xf32>
      %add3A_116 = arith.addf %div3A_113, %add3A_115 : vector<16xf32>
      %swap3A = arith.constant 0 : index
      %swap3A_117 = tpu.vector_load %arg5[%swap3A] {strides = array<i32>} : memref<16xf32, #tpu.memory_space<vmem>>, vector<16xf32>,
      %swap3A_118 = vector.shape_cast %swap3A_117 : vector<16xf32> to vector<16xf32>
      %swap3A_119 = vector.shape_cast %add3A_116 : vector<16xf32> to vector<16xf32>
      tpu.vector_store %arg5[%swap3A], %swap3A_119 {strides = array<i32>} : memref<16xf32, #tpu.memory_space<vmem>>, vector<16xf32>,
      "tpu.region"() ({
        %run_scoped3A = tpu.sem_alloc : memref<!tpu.dma_semaphore, #tpu.memory_space<semaphore_mem>>
        tpu.enqueue_dma source(%arg5 : memref<16xf32, #tpu.memory_space<vmem>>) target(%arg3 : memref<16xf32, #tpu.memory_space<hbm>>) target_semaphore(%run_scoped3A : memref<!tpu.dma_semaphore, #tpu.memory_space<semaphore_mem>>)
        tpu.wait_dma2 semaphore(%run_scoped3A : memref<!tpu.dma_semaphore, #tpu.memory_space<semaphore_mem>>) src(%arg5 : memref<16xf32, #tpu.memory_space<vmem>>) dst(%arg3 : memref<16xf32, #tpu.memory_space<hbm>>)
        tpu.yield
      }) : () -> ()
    } else {
    }
    return
  }
}

module attributes {stable_mosaic.version = 14 : i64} {
  func.func @_tc_body(%arg0: i32, %arg1: memref<1x19x64x512xf32, #tpu.memory_space<vmem>>, %arg2: memref<1x64x512xi32, #tpu.memory_space<vmem>>, %arg3: memref<3x32xf32, #tpu.memory_space<vmem>>, %arg4: memref<456x128xf32, #tpu.memory_space<vmem>>) attributes {dimension_semantics = [#tpu.dimension_semantics<arbitrary>], iteration_bounds = array<i64: 128>, scalar_prefetch = 0 : i64, scratch_operands = 1 : i64, tpu.core_type = #tpu.core_type<tc>, window_params = [{transform_indices = @transform_0, window_bounds = array<i64: 1, 19, 64, 512>}, {transform_indices = @transform_1, window_bounds = array<i64: 1, 64, 512>}, {pipeline_mode = #tpu.pipeline_mode<synchronous>, transform_indices = @transform_2, window_bounds = array<i64: 3, 32>}]} {
    %eq3A = arith.constant 0 : i32
    %eq3A_0 = arith.cmpi eq, %arg0, %eq3A : i32
    %convert_element_type3A = arith.extui %eq3A_0 : i1 to i32
    %cond3A = arith.constant 0 : i32
    %cond3A_1 = arith.cmpi ne, %convert_element_type3A, %cond3A : i32
    scf.if %cond3A_1 {
      %broadcast_in_dim3A_1778 = arith.constant 0.000000e+00 : f32
      %broadcast_in_dim3A_1779 = vector.broadcast %broadcast_in_dim3A_1778 : f32 to vector<456x128xf32>
      %swap3A_1780 = arith.constant 0 : index
      %swap3A_1781 = arith.constant 0 : index
      %swap3A_1782 = vector.load %arg4[%swap3A_1780, %swap3A_1781] : memref<456x128xf32, #tpu.memory_space<vmem>>, vector<456x128xf32>
      tpu.vector_store %arg4[%swap3A_1780, %swap3A_1781], %broadcast_in_dim3A_1779 {strides = array<i32>} : memref<456x128xf32, #tpu.memory_space<vmem>>, vector<456x128xf32>,
    } else {
    }
    %get3A = arith.constant 0 : index
    %get3A_2 = arith.constant 0 : index
    %get3A_3 = arith.constant 0 : index
    %get3A_4 = arith.constant 0 : index
    %get3A_5 = vector.load %arg1[%get3A, %get3A_2, %get3A_3, %get3A_4] : memref<1x19x64x512xf32, #tpu.memory_space<vmem>>, vector<1x19x64x512xf32>
    %get3A_6 = vector.shape_cast %get3A_5 : vector<1x19x64x512xf32> to vector<19x64x512xf32>
    %get3A_7 = arith.constant 0 : index
    %get3A_8 = arith.constant 0 : index
    %get3A_9 = arith.constant 0 : index
    %get3A_10 = vector.load %arg2[%get3A_7, %get3A_8, %get3A_9] : memref<1x64x512xi32, #tpu.memory_space<vmem>>, vector<1x64x512xi32>
    %get3A_11 = vector.shape_cast %get3A_10 : vector<1x64x512xi32> to vector<64x512xi32>
    %slice3A = vector.extract_strided_slice %get3A_6 {offsets = [0, 0, 0], sizes = [1, 64, 512], strides = [1, 1, 1]} : vector<19x64x512xf32> to vector<1x64x512xf32>
    %squeeze3A = vector.shape_cast %slice3A : vector<1x64x512xf32> to vector<64x512xf32>
    %slice3A_12 = vector.extract_strided_slice %get3A_6 {offsets = [1, 0, 0], sizes = [1, 64, 512], strides = [1, 1, 1]} : vector<19x64x512xf32> to vector<1x64x512xf32>
    %squeeze3A_13 = vector.shape_cast %slice3A_12 : vector<1x64x512xf32> to vector<64x512xf32>
    %slice3A_14 = vector.extract_strided_slice %get3A_6 {offsets = [2, 0, 0], sizes = [1, 64, 512], strides = [1, 1, 1]} : vector<19x64x512xf32> to vector<1x64x512xf32>
    %squeeze3A_15 = vector.shape_cast %slice3A_14 : vector<1x64x512xf32> to vector<64x512xf32>
    %slice3A_16 = vector.extract_strided_slice %get3A_6 {offsets = [3, 0, 0], sizes = [1, 64, 512], strides = [1, 1, 1]} : vector<19x64x512xf32> to vector<1x64x512xf32>
    %squeeze3A_17 = vector.shape_cast %slice3A_16 : vector<1x64x512xf32> to vector<64x512xf32>
    %slice3A_18 = vector.extract_strided_slice %get3A_6 {offsets = [4, 0, 0], sizes = [1, 64, 512], strides = [1, 1, 1]} : vector<19x64x512xf32> to vector<1x64x512xf32>
    %squeeze3A_19 = vector.shape_cast %slice3A_18 : vector<1x64x512xf32> to vector<64x512xf32>
    %slice3A_20 = vector.extract_strided_slice %get3A_6 {offsets = [5, 0, 0], sizes = [1, 64, 512], strides = [1, 1, 1]} : vector<19x64x512xf32> to vector<1x64x512xf32>
    %squeeze3A_21 = vector.shape_cast %slice3A_20 : vector<1x64x512xf32> to vector<64x512xf32>
    %slice3A_22 = vector.extract_strided_slice %get3A_6 {offsets = [6, 0, 0], sizes = [1, 64, 512], strides = [1, 1, 1]} : vector<19x64x512xf32> to vector<1x64x512xf32>
    %squeeze3A_23 = vector.shape_cast %slice3A_22 : vector<1x64x512xf32> to vector<64x512xf32>
    %slice3A_24 = vector.extract_strided_slice %get3A_6 {offsets = [7, 0, 0], sizes = [1, 64, 512], strides = [1, 1, 1]} : vector<19x64x512xf32> to vector<1x64x512xf32>
    %squeeze3A_25 = vector.shape_cast %slice3A_24 : vector<1x64x512xf32> to vector<64x512xf32>
    %slice3A_26 = vector.extract_strided_slice %get3A_6 {offsets = [8, 0, 0], sizes = [1, 64, 512], strides = [1, 1, 1]} : vector<19x64x512xf32> to vector<1x64x512xf32>
    %squeeze3A_27 = vector.shape_cast %slice3A_26 : vector<1x64x512xf32> to vector<64x512xf32>
    %slice3A_28 = vector.extract_strided_slice %get3A_6 {offsets = [9, 0, 0], sizes = [1, 64, 512], strides = [1, 1, 1]} : vector<19x64x512xf32> to vector<1x64x512xf32>
    %squeeze3A_29 = vector.shape_cast %slice3A_28 : vector<1x64x512xf32> to vector<64x512xf32>
    %slice3A_30 = vector.extract_strided_slice %get3A_6 {offsets = [10, 0, 0], sizes = [1, 64, 512], strides = [1, 1, 1]} : vector<19x64x512xf32> to vector<1x64x512xf32>
    %squeeze3A_31 = vector.shape_cast %slice3A_30 : vector<1x64x512xf32> to vector<64x512xf32>
    %slice3A_32 = vector.extract_strided_slice %get3A_6 {offsets = [11, 0, 0], sizes = [1, 64, 512], strides = [1, 1, 1]} : vector<19x64x512xf32> to vector<1x64x512xf32>
    %squeeze3A_33 = vector.shape_cast %slice3A_32 : vector<1x64x512xf32> to vector<64x512xf32>
    %slice3A_34 = vector.extract_strided_slice %get3A_6 {offsets = [12, 0, 0], sizes = [1, 64, 512], strides = [1, 1, 1]} : vector<19x64x512xf32> to vector<1x64x512xf32>
    %squeeze3A_35 = vector.shape_cast %slice3A_34 : vector<1x64x512xf32> to vector<64x512xf32>
    %slice3A_36 = vector.extract_strided_slice %get3A_6 {offsets = [13, 0, 0], sizes = [1, 64, 512], strides = [1, 1, 1]} : vector<19x64x512xf32> to vector<1x64x512xf32>
    %squeeze3A_37 = vector.shape_cast %slice3A_36 : vector<1x64x512xf32> to vector<64x512xf32>
    %slice3A_38 = vector.extract_strided_slice %get3A_6 {offsets = [14, 0, 0], sizes = [1, 64, 512], strides = [1, 1, 1]} : vector<19x64x512xf32> to vector<1x64x512xf32>
    %squeeze3A_39 = vector.shape_cast %slice3A_38 : vector<1x64x512xf32> to vector<64x512xf32>
    %slice3A_40 = vector.extract_strided_slice %get3A_6 {offsets = [15, 0, 0], sizes = [1, 64, 512], strides = [1, 1, 1]} : vector<19x64x512xf32> to vector<1x64x512xf32>
    %squeeze3A_41 = vector.shape_cast %slice3A_40 : vector<1x64x512xf32> to vector<64x512xf32>
    %slice3A_42 = vector.extract_strided_slice %get3A_6 {offsets = [16, 0, 0], sizes = [1, 64, 512], strides = [1, 1, 1]} : vector<19x64x512xf32> to vector<1x64x512xf32>
    %squeeze3A_43 = vector.shape_cast %slice3A_42 : vector<1x64x512xf32> to vector<64x512xf32>
    %slice3A_44 = vector.extract_strided_slice %get3A_6 {offsets = [17, 0, 0], sizes = [1, 64, 512], strides = [1, 1, 1]} : vector<19x64x512xf32> to vector<1x64x512xf32>
    %squeeze3A_45 = vector.shape_cast %slice3A_44 : vector<1x64x512xf32> to vector<64x512xf32>
    %slice3A_46 = vector.extract_strided_slice %get3A_6 {offsets = [18, 0, 0], sizes = [1, 64, 512], strides = [1, 1, 1]} : vector<19x64x512xf32> to vector<1x64x512xf32>
    %squeeze3A_47 = vector.shape_cast %slice3A_46 : vector<1x64x512xf32> to vector<64x512xf32>
    %max3A = arith.maximumf %squeeze3A, %squeeze3A_13 : vector<64x512xf32>
    %max3A_48 = arith.maximumf %squeeze3A_15, %squeeze3A_17 : vector<64x512xf32>
    %max3A_49 = arith.maximumf %squeeze3A_19, %squeeze3A_21 : vector<64x512xf32>
    %max3A_50 = arith.maximumf %squeeze3A_23, %squeeze3A_25 : vector<64x512xf32>
    %max3A_51 = arith.maximumf %squeeze3A_27, %squeeze3A_29 : vector<64x512xf32>
    %max3A_52 = arith.maximumf %squeeze3A_31, %squeeze3A_33 : vector<64x512xf32>
    %max3A_53 = arith.maximumf %squeeze3A_35, %squeeze3A_37 : vector<64x512xf32>
    %max3A_54 = arith.maximumf %squeeze3A_39, %squeeze3A_41 : vector<64x512xf32>
    %max3A_55 = arith.maximumf %squeeze3A_43, %squeeze3A_45 : vector<64x512xf32>
    %max3A_56 = arith.maximumf %max3A, %max3A_48 : vector<64x512xf32>
    %max3A_57 = arith.maximumf %max3A_49, %max3A_50 : vector<64x512xf32>
    %max3A_58 = arith.maximumf %max3A_51, %max3A_52 : vector<64x512xf32>
    %max3A_59 = arith.maximumf %max3A_53, %max3A_54 : vector<64x512xf32>
    %max3A_60 = arith.maximumf %max3A_55, %squeeze3A_47 : vector<64x512xf32>
    %max3A_61 = arith.maximumf %max3A_56, %max3A_57 : vector<64x512xf32>
    %max3A_62 = arith.maximumf %max3A_58, %max3A_59 : vector<64x512xf32>
    %max3A_63 = arith.maximumf %max3A_61, %max3A_62 : vector<64x512xf32>
    %max3A_64 = arith.maximumf %max3A_63, %max3A_60 : vector<64x512xf32>
    %eq3A_65 = arith.cmpf oeq, %squeeze3A, %max3A_64 : vector<64x512xf32>
    %jit3A = arith.constant 1.000000e+00 : f32
    %jit3A_66 = arith.constant 0.000000e+00 : f32
    %broadcast_in_dim3A = vector.broadcast %jit3A : f32 to vector<64x512xf32>
    %broadcast_in_dim3A_67 = vector.broadcast %jit3A_66 : f32 to vector<64x512xf32>
    %select_n3A = arith.select %eq3A_65, %broadcast_in_dim3A, %broadcast_in_dim3A_67 : vector<64x512xi1>, vector<64x512xf32>
    %eq3A_68 = arith.cmpf oeq, %squeeze3A_13, %max3A_64 : vector<64x512xf32>
    %jit3A_69 = arith.constant 5.000000e-01 : f32
    %jit3A_70 = arith.constant 0.000000e+00 : f32
    %broadcast_in_dim3A_71 = vector.broadcast %jit3A_69 : f32 to vector<64x512xf32>
    %broadcast_in_dim3A_72 = vector.broadcast %jit3A_70 : f32 to vector<64x512xf32>
    %select_n3A_73 = arith.select %eq3A_68, %broadcast_in_dim3A_71, %broadcast_in_dim3A_72 : vector<64x512xi1>, vector<64x512xf32>
    %eq3A_74 = arith.cmpf oeq, %squeeze3A_15, %max3A_64 : vector<64x512xf32>
    %jit3A_75 = arith.constant 2.500000e-01 : f32
    %jit3A_76 = arith.constant 0.000000e+00 : f32
    %broadcast_in_dim3A_77 = vector.broadcast %jit3A_75 : f32 to vector<64x512xf32>
    %broadcast_in_dim3A_78 = vector.broadcast %jit3A_76 : f32 to vector<64x512xf32>
    %select_n3A_79 = arith.select %eq3A_74, %broadcast_in_dim3A_77, %broadcast_in_dim3A_78 : vector<64x512xi1>, vector<64x512xf32>
    %eq3A_80 = arith.cmpf oeq, %squeeze3A_17, %max3A_64 : vector<64x512xf32>
    %jit3A_81 = arith.constant 1.250000e-01 : f32
    %jit3A_82 = arith.constant 0.000000e+00 : f32
    %broadcast_in_dim3A_83 = vector.broadcast %jit3A_81 : f32 to vector<64x512xf32>
    %broadcast_in_dim3A_84 = vector.broadcast %jit3A_82 : f32 to vector<64x512xf32>
    %select_n3A_85 = arith.select %eq3A_80, %broadcast_in_dim3A_83, %broadcast_in_dim3A_84 : vector<64x512xi1>, vector<64x512xf32>
    %eq3A_86 = arith.cmpf oeq, %squeeze3A_19, %max3A_64 : vector<64x512xf32>
    %jit3A_87 = arith.constant 6.250000e-02 : f32
    %jit3A_88 = arith.constant 0.000000e+00 : f32
    %broadcast_in_dim3A_89 = vector.broadcast %jit3A_87 : f32 to vector<64x512xf32>
    %broadcast_in_dim3A_90 = vector.broadcast %jit3A_88 : f32 to vector<64x512xf32>
    %select_n3A_91 = arith.select %eq3A_86, %broadcast_in_dim3A_89, %broadcast_in_dim3A_90 : vector<64x512xi1>, vector<64x512xf32>
    %eq3A_92 = arith.cmpf oeq, %squeeze3A_21, %max3A_64 : vector<64x512xf32>
    %jit3A_93 = arith.constant 3.125000e-02 : f32
    %jit3A_94 = arith.constant 0.000000e+00 : f32
    %broadcast_in_dim3A_95 = vector.broadcast %jit3A_93 : f32 to vector<64x512xf32>
    %broadcast_in_dim3A_96 = vector.broadcast %jit3A_94 : f32 to vector<64x512xf32>
    %select_n3A_97 = arith.select %eq3A_92, %broadcast_in_dim3A_95, %broadcast_in_dim3A_96 : vector<64x512xi1>, vector<64x512xf32>
    %eq3A_98 = arith.cmpf oeq, %squeeze3A_23, %max3A_64 : vector<64x512xf32>
    %jit3A_99 = arith.constant 1.562500e-02 : f32
    %jit3A_100 = arith.constant 0.000000e+00 : f32
    %broadcast_in_dim3A_101 = vector.broadcast %jit3A_99 : f32 to vector<64x512xf32>
    %broadcast_in_dim3A_102 = vector.broadcast %jit3A_100 : f32 to vector<64x512xf32>
    %select_n3A_103 = arith.select %eq3A_98, %broadcast_in_dim3A_101, %broadcast_in_dim3A_102 : vector<64x512xi1>, vector<64x512xf32>
    %eq3A_104 = arith.cmpf oeq, %squeeze3A_25, %max3A_64 : vector<64x512xf32>
    %jit3A_105 = arith.constant 7.812500e-03 : f32
    %jit3A_106 = arith.constant 0.000000e+00 : f32
    %broadcast_in_dim3A_107 = vector.broadcast %jit3A_105 : f32 to vector<64x512xf32>
    %broadcast_in_dim3A_108 = vector.broadcast %jit3A_106 : f32 to vector<64x512xf32>
    %select_n3A_109 = arith.select %eq3A_104, %broadcast_in_dim3A_107, %broadcast_in_dim3A_108 : vector<64x512xi1>, vector<64x512xf32>
    %eq3A_110 = arith.cmpf oeq, %squeeze3A_27, %max3A_64 : vector<64x512xf32>
    %jit3A_111 = arith.constant 3.906250e-03 : f32
    %jit3A_112 = arith.constant 0.000000e+00 : f32
    %broadcast_in_dim3A_113 = vector.broadcast %jit3A_111 : f32 to vector<64x512xf32>
    %broadcast_in_dim3A_114 = vector.broadcast %jit3A_112 : f32 to vector<64x512xf32>
    %select_n3A_115 = arith.select %eq3A_110, %broadcast_in_dim3A_113, %broadcast_in_dim3A_114 : vector<64x512xi1>, vector<64x512xf32>
    %eq3A_116 = arith.cmpf oeq, %squeeze3A_29, %max3A_64 : vector<64x512xf32>
    %jit3A_117 = arith.constant 0.001953125 : f32
    %jit3A_118 = arith.constant 0.000000e+00 : f32
    %broadcast_in_dim3A_119 = vector.broadcast %jit3A_117 : f32 to vector<64x512xf32>
    %broadcast_in_dim3A_120 = vector.broadcast %jit3A_118 : f32 to vector<64x512xf32>
    %select_n3A_121 = arith.select %eq3A_116, %broadcast_in_dim3A_119, %broadcast_in_dim3A_120 : vector<64x512xi1>, vector<64x512xf32>
    %eq3A_122 = arith.cmpf oeq, %squeeze3A_31, %max3A_64 : vector<64x512xf32>
    %jit3A_123 = arith.constant 9.765625E-4 : f32
    %jit3A_124 = arith.constant 0.000000e+00 : f32
    %broadcast_in_dim3A_125 = vector.broadcast %jit3A_123 : f32 to vector<64x512xf32>
    %broadcast_in_dim3A_126 = vector.broadcast %jit3A_124 : f32 to vector<64x512xf32>
    %select_n3A_127 = arith.select %eq3A_122, %broadcast_in_dim3A_125, %broadcast_in_dim3A_126 : vector<64x512xi1>, vector<64x512xf32>
    %eq3A_128 = arith.cmpf oeq, %squeeze3A_33, %max3A_64 : vector<64x512xf32>
    %jit3A_129 = arith.constant 4.8828125E-4 : f32
    %jit3A_130 = arith.constant 0.000000e+00 : f32
    %broadcast_in_dim3A_131 = vector.broadcast %jit3A_129 : f32 to vector<64x512xf32>
    %broadcast_in_dim3A_132 = vector.broadcast %jit3A_130 : f32 to vector<64x512xf32>
    %select_n3A_133 = arith.select %eq3A_128, %broadcast_in_dim3A_131, %broadcast_in_dim3A_132 : vector<64x512xi1>, vector<64x512xf32>
    %eq3A_134 = arith.cmpf oeq, %squeeze3A_35, %max3A_64 : vector<64x512xf32>
    %jit3A_135 = arith.constant 2.44140625E-4 : f32
    %jit3A_136 = arith.constant 0.000000e+00 : f32
    %broadcast_in_dim3A_137 = vector.broadcast %jit3A_135 : f32 to vector<64x512xf32>
    %broadcast_in_dim3A_138 = vector.broadcast %jit3A_136 : f32 to vector<64x512xf32>
    %select_n3A_139 = arith.select %eq3A_134, %broadcast_in_dim3A_137, %broadcast_in_dim3A_138 : vector<64x512xi1>, vector<64x512xf32>
    %eq3A_140 = arith.cmpf oeq, %squeeze3A_37, %max3A_64 : vector<64x512xf32>
    %jit3A_141 = arith.constant 1.22070313E-4 : f32
    %jit3A_142 = arith.constant 0.000000e+00 : f32
    %broadcast_in_dim3A_143 = vector.broadcast %jit3A_141 : f32 to vector<64x512xf32>
    %broadcast_in_dim3A_144 = vector.broadcast %jit3A_142 : f32 to vector<64x512xf32>
    %select_n3A_145 = arith.select %eq3A_140, %broadcast_in_dim3A_143, %broadcast_in_dim3A_144 : vector<64x512xi1>, vector<64x512xf32>
    %eq3A_146 = arith.cmpf oeq, %squeeze3A_39, %max3A_64 : vector<64x512xf32>
    %jit3A_147 = arith.constant 6.10351563E-5 : f32
    %jit3A_148 = arith.constant 0.000000e+00 : f32
    %broadcast_in_dim3A_149 = vector.broadcast %jit3A_147 : f32 to vector<64x512xf32>
    %broadcast_in_dim3A_150 = vector.broadcast %jit3A_148 : f32 to vector<64x512xf32>
    %select_n3A_151 = arith.select %eq3A_146, %broadcast_in_dim3A_149, %broadcast_in_dim3A_150 : vector<64x512xi1>, vector<64x512xf32>
    %eq3A_152 = arith.cmpf oeq, %squeeze3A_41, %max3A_64 : vector<64x512xf32>
    %jit3A_153 = arith.constant 3.05175781E-5 : f32
    %jit3A_154 = arith.constant 0.000000e+00 : f32
    %broadcast_in_dim3A_155 = vector.broadcast %jit3A_153 : f32 to vector<64x512xf32>
    %broadcast_in_dim3A_156 = vector.broadcast %jit3A_154 : f32 to vector<64x512xf32>
    %select_n3A_157 = arith.select %eq3A_152, %broadcast_in_dim3A_155, %broadcast_in_dim3A_156 : vector<64x512xi1>, vector<64x512xf32>
    %eq3A_158 = arith.cmpf oeq, %squeeze3A_43, %max3A_64 : vector<64x512xf32>
    %jit3A_159 = arith.constant 1.52587891E-5 : f32
    %jit3A_160 = arith.constant 0.000000e+00 : f32
    %broadcast_in_dim3A_161 = vector.broadcast %jit3A_159 : f32 to vector<64x512xf32>
    %broadcast_in_dim3A_162 = vector.broadcast %jit3A_160 : f32 to vector<64x512xf32>
    %select_n3A_163 = arith.select %eq3A_158, %broadcast_in_dim3A_161, %broadcast_in_dim3A_162 : vector<64x512xi1>, vector<64x512xf32>
    %eq3A_164 = arith.cmpf oeq, %squeeze3A_45, %max3A_64 : vector<64x512xf32>
    %jit3A_165 = arith.constant 7.62939453E-6 : f32
    %jit3A_166 = arith.constant 0.000000e+00 : f32
    %broadcast_in_dim3A_167 = vector.broadcast %jit3A_165 : f32 to vector<64x512xf32>
    %broadcast_in_dim3A_168 = vector.broadcast %jit3A_166 : f32 to vector<64x512xf32>
    %select_n3A_169 = arith.select %eq3A_164, %broadcast_in_dim3A_167, %broadcast_in_dim3A_168 : vector<64x512xi1>, vector<64x512xf32>
    %eq3A_170 = arith.cmpf oeq, %squeeze3A_47, %max3A_64 : vector<64x512xf32>
    %jit3A_171 = arith.constant 3.81469727E-6 : f32
    %jit3A_172 = arith.constant 0.000000e+00 : f32
    %broadcast_in_dim3A_173 = vector.broadcast %jit3A_171 : f32 to vector<64x512xf32>
    %broadcast_in_dim3A_174 = vector.broadcast %jit3A_172 : f32 to vector<64x512xf32>
    %select_n3A_175 = arith.select %eq3A_170, %broadcast_in_dim3A_173, %broadcast_in_dim3A_174 : vector<64x512xi1>, vector<64x512xf32>
    %add3A = arith.addf %select_n3A, %select_n3A_73 : vector<64x512xf32>
    %add3A_176 = arith.addf %select_n3A_79, %select_n3A_85 : vector<64x512xf32>
    %add3A_177 = arith.addf %select_n3A_91, %select_n3A_97 : vector<64x512xf32>
    %add3A_178 = arith.addf %select_n3A_103, %select_n3A_109 : vector<64x512xf32>
    %add3A_179 = arith.addf %select_n3A_115, %select_n3A_121 : vector<64x512xf32>
    %add3A_180 = arith.addf %select_n3A_127, %select_n3A_133 : vector<64x512xf32>
    %add3A_181 = arith.addf %select_n3A_139, %select_n3A_145 : vector<64x512xf32>
    %add3A_182 = arith.addf %select_n3A_151, %select_n3A_157 : vector<64x512xf32>
    %add3A_183 = arith.addf %select_n3A_163, %select_n3A_169 : vector<64x512xf32>
    %add3A_184 = arith.addf %add3A, %add3A_176 : vector<64x512xf32>
    %add3A_185 = arith.addf %add3A_177, %add3A_178 : vector<64x512xf32>
    %add3A_186 = arith.addf %add3A_179, %add3A_180 : vector<64x512xf32>
    %add3A_187 = arith.addf %add3A_181, %add3A_182 : vector<64x512xf32>
    %add3A_188 = arith.addf %add3A_183, %select_n3A_175 : vector<64x512xf32>
    %add3A_189 = arith.addf %add3A_184, %add3A_185 : vector<64x512xf32>
    %add3A_190 = arith.addf %add3A_186, %add3A_187 : vector<64x512xf32>
    %add3A_191 = arith.addf %add3A_189, %add3A_190 : vector<64x512xf32>
    %add3A_192 = arith.addf %add3A_191, %add3A_188 : vector<64x512xf32>
    %bitcast_convert_type3A = tpu.bitcast %add3A_192 : vector<64x512xf32> -> vector<64x512xi32>
    %shift_right_arithmetic3A = arith.constant 23 : i32
    %shift_right_arithmetic3A_193 = vector.broadcast %shift_right_arithmetic3A : i32 to vector<64x512xi32>
    %shift_right_arithmetic3A_194 = arith.shrsi %bitcast_convert_type3A, %shift_right_arithmetic3A_193 : vector<64x512xi32>
    %sub3A = arith.constant 127 : i32
    %sub3A_195 = vector.broadcast %sub3A : i32 to vector<64x512xi32>
    %sub3A_196 = arith.subi %sub3A_195, %get3A_11 : vector<64x512xi32>
    %ne3A = arith.cmpi ne, %shift_right_arithmetic3A_194, %sub3A_196 : vector<64x512xi32>
    %convert_element_type3A_197 = arith.extui %ne3A : vector<64x512xi1> to vector<64x512xi32>
    %convert_element_type3A_198 = arith.sitofp %convert_element_type3A_197 : vector<64x512xi32> to vector<64x512xf32>
    %exp3A = math.exp %squeeze3A : vector<64x512xf32>
    %exp3A_199 = math.exp %squeeze3A_13 : vector<64x512xf32>
    %exp3A_200 = math.exp %squeeze3A_15 : vector<64x512xf32>
    %exp3A_201 = math.exp %squeeze3A_17 : vector<64x512xf32>
    %exp3A_202 = math.exp %squeeze3A_19 : vector<64x512xf32>
    %exp3A_203 = math.exp %squeeze3A_21 : vector<64x512xf32>
    %exp3A_204 = math.exp %squeeze3A_23 : vector<64x512xf32>
    %exp3A_205 = math.exp %squeeze3A_25 : vector<64x512xf32>
    %exp3A_206 = math.exp %squeeze3A_27 : vector<64x512xf32>
    %exp3A_207 = math.exp %squeeze3A_29 : vector<64x512xf32>
    %exp3A_208 = math.exp %squeeze3A_31 : vector<64x512xf32>
    %exp3A_209 = math.exp %squeeze3A_33 : vector<64x512xf32>
    %exp3A_210 = math.exp %squeeze3A_35 : vector<64x512xf32>
    %exp3A_211 = math.exp %squeeze3A_37 : vector<64x512xf32>
    %exp3A_212 = math.exp %squeeze3A_39 : vector<64x512xf32>
    %exp3A_213 = math.exp %squeeze3A_41 : vector<64x512xf32>
    %exp3A_214 = math.exp %squeeze3A_43 : vector<64x512xf32>
    %exp3A_215 = math.exp %squeeze3A_45 : vector<64x512xf32>
    %exp3A_216 = math.exp %squeeze3A_47 : vector<64x512xf32>
    %add3A_217 = arith.addf %exp3A, %exp3A_199 : vector<64x512xf32>
    %add3A_218 = arith.addf %exp3A_200, %exp3A_201 : vector<64x512xf32>
    %add3A_219 = arith.addf %exp3A_202, %exp3A_203 : vector<64x512xf32>
    %add3A_220 = arith.addf %exp3A_204, %exp3A_205 : vector<64x512xf32>
    %add3A_221 = arith.addf %exp3A_206, %exp3A_207 : vector<64x512xf32>
    %add3A_222 = arith.addf %exp3A_208, %exp3A_209 : vector<64x512xf32>
    %add3A_223 = arith.addf %exp3A_210, %exp3A_211 : vector<64x512xf32>
    %add3A_224 = arith.addf %exp3A_212, %exp3A_213 : vector<64x512xf32>
    %add3A_225 = arith.addf %exp3A_214, %exp3A_215 : vector<64x512xf32>
    %add3A_226 = arith.addf %add3A_217, %add3A_218 : vector<64x512xf32>
    %add3A_227 = arith.addf %add3A_219, %add3A_220 : vector<64x512xf32>
    %add3A_228 = arith.addf %add3A_221, %add3A_222 : vector<64x512xf32>
    %add3A_229 = arith.addf %add3A_223, %add3A_224 : vector<64x512xf32>
    %add3A_230 = arith.addf %add3A_225, %exp3A_216 : vector<64x512xf32>
    %add3A_231 = arith.addf %add3A_226, %add3A_227 : vector<64x512xf32>
    %add3A_232 = arith.addf %add3A_228, %add3A_229 : vector<64x512xf32>
    %add3A_233 = arith.addf %add3A_231, %add3A_232 : vector<64x512xf32>
    %add3A_234 = arith.addf %add3A_233, %add3A_230 : vector<64x512xf32>
    %log3A = math.log %add3A_234 : vector<64x512xf32>
    %eq3A_235 = arith.constant 0 : i32
    %eq3A_236 = vector.broadcast %eq3A_235 : i32 to vector<64x512xi32>
    %eq3A_237 = arith.cmpi eq, %get3A_11, %eq3A_236 : vector<64x512xi32>
    %jit3A_238 = arith.constant 1.000000e+00 : f32
    %jit3A_239 = arith.constant 0.000000e+00 : f32
    %broadcast_in_dim3A_240 = vector.broadcast %jit3A_238 : f32 to vector<64x512xf32>
    %broadcast_in_dim3A_241 = vector.broadcast %jit3A_239 : f32 to vector<64x512xf32>
    %select_n3A_242 = arith.select %eq3A_237, %broadcast_in_dim3A_240, %broadcast_in_dim3A_241 : vector<64x512xi1>, vector<64x512xf32>
    %jit3A_243 = arith.constant 0.000000e+00 : f32
    %broadcast_in_dim3A_244 = vector.broadcast %jit3A_243 : f32 to vector<64x512xf32>
    %select_n3A_245 = arith.select %eq3A_237, %convert_element_type3A_198, %broadcast_in_dim3A_244 : vector<64x512xi1>, vector<64x512xf32>
    %sub3A_246 = arith.subf %log3A, %squeeze3A : vector<64x512xf32>
    %jit3A_247 = arith.constant 0.000000e+00 : f32
    %broadcast_in_dim3A_248 = vector.broadcast %jit3A_247 : f32 to vector<64x512xf32>
    %select_n3A_249 = arith.select %eq3A_237, %sub3A_246, %broadcast_in_dim3A_248 : vector<64x512xi1>, vector<64x512xf32>
    %get3A_250 = arith.constant 0 : index
    %get3A_251 = arith.constant 0 : index
    %get3A_252 = vector.load %arg4[%get3A_250, %get3A_251] : memref<456x128xf32, #tpu.memory_space<vmem>>, vector<8x128xf32>
    %slice3A_253 = vector.extract_strided_slice %select_n3A_242 {offsets = [0, 0], sizes = [64, 256], strides = [1, 1]} : vector<64x512xf32> to vector<64x256xf32>
    %slice3A_254 = vector.extract_strided_slice %select_n3A_242 {offsets = [0, 256], sizes = [64, 256], strides = [1, 1]} : vector<64x512xf32> to vector<64x256xf32>
    %add3A_255 = arith.addf %slice3A_253, %slice3A_254 : vector<64x256xf32>
    %slice3A_256 = vector.extract_strided_slice %add3A_255 {offsets = [0, 0], sizes = [64, 128], strides = [1, 1]} : vector<64x256xf32> to vector<64x128xf32>
    %slice3A_257 = vector.extract_strided_slice %add3A_255 {offsets = [0, 128], sizes = [64, 128], strides = [1, 1]} : vector<64x256xf32> to vector<64x128xf32>
    %add3A_258 = arith.addf %slice3A_256, %slice3A_257 : vector<64x128xf32>
    %slice3A_259 = vector.extract_strided_slice %add3A_258 {offsets = [0, 0], sizes = [32, 128], strides = [1, 1]} : vector<64x128xf32> to vector<32x128xf32>
    %slice3A_260 = vector.extract_strided_slice %add3A_258 {offsets = [32, 0], sizes = [32, 128], strides = [1, 1]} : vector<64x128xf32> to vector<32x128xf32>
    %add3A_261 = arith.addf %slice3A_259, %slice3A_260 : vector<32x128xf32>
    %slice3A_262 = vector.extract_strided_slice %add3A_261 {offsets = [0, 0], sizes = [16, 128], strides = [1, 1]} : vector<32x128xf32> to vector<16x128xf32>
    %slice3A_263 = vector.extract_strided_slice %add3A_261 {offsets = [16, 0], sizes = [16, 128], strides = [1, 1]} : vector<32x128xf32> to vector<16x128xf32>
    %add3A_264 = arith.addf %slice3A_262, %slice3A_263 : vector<16x128xf32>
    %slice3A_265 = vector.extract_strided_slice %add3A_264 {offsets = [0, 0], sizes = [8, 128], strides = [1, 1]} : vector<16x128xf32> to vector<8x128xf32>
    %slice3A_266 = vector.extract_strided_slice %add3A_264 {offsets = [8, 0], sizes = [8, 128], strides = [1, 1]} : vector<16x128xf32> to vector<8x128xf32>
    %add3A_267 = arith.addf %slice3A_265, %slice3A_266 : vector<8x128xf32>
    %add3A_268 = arith.addf %get3A_252, %add3A_267 : vector<8x128xf32>
    %swap3A = arith.constant 0 : index
    %swap3A_269 = arith.constant 0 : index
    %swap3A_270 = vector.load %arg4[%swap3A, %swap3A_269] : memref<456x128xf32, #tpu.memory_space<vmem>>, vector<8x128xf32>
    tpu.vector_store %arg4[%swap3A, %swap3A_269], %add3A_268 {strides = array<i32>} : memref<456x128xf32, #tpu.memory_space<vmem>>, vector<8x128xf32>,
    %get3A_271 = arith.constant 152 : index
    %get3A_272 = arith.constant 0 : index
    %get3A_273 = vector.load %arg4[%get3A_271, %get3A_272] : memref<456x128xf32, #tpu.memory_space<vmem>>, vector<8x128xf32>
    %slice3A_274 = vector.extract_strided_slice %select_n3A_245 {offsets = [0, 0], sizes = [64, 256], strides = [1, 1]} : vector<64x512xf32> to vector<64x256xf32>
    %slice3A_275 = vector.extract_strided_slice %select_n3A_245 {offsets = [0, 256], sizes = [64, 256], strides = [1, 1]} : vector<64x512xf32> to vector<64x256xf32>
    %add3A_276 = arith.addf %slice3A_274, %slice3A_275 : vector<64x256xf32>
    %slice3A_277 = vector.extract_strided_slice %add3A_276 {offsets = [0, 0], sizes = [64, 128], strides = [1, 1]} : vector<64x256xf32> to vector<64x128xf32>
    %slice3A_278 = vector.extract_strided_slice %add3A_276 {offsets = [0, 128], sizes = [64, 128], strides = [1, 1]} : vector<64x256xf32> to vector<64x128xf32>
    %add3A_279 = arith.addf %slice3A_277, %slice3A_278 : vector<64x128xf32>
    %slice3A_280 = vector.extract_strided_slice %add3A_279 {offsets = [0, 0], sizes = [32, 128], strides = [1, 1]} : vector<64x128xf32> to vector<32x128xf32>
    %slice3A_281 = vector.extract_strided_slice %add3A_279 {offsets = [32, 0], sizes = [32, 128], strides = [1, 1]} : vector<64x128xf32> to vector<32x128xf32>
    %add3A_282 = arith.addf %slice3A_280, %slice3A_281 : vector<32x128xf32>
    %slice3A_283 = vector.extract_strided_slice %add3A_282 {offsets = [0, 0], sizes = [16, 128], strides = [1, 1]} : vector<32x128xf32> to vector<16x128xf32>
    %slice3A_284 = vector.extract_strided_slice %add3A_282 {offsets = [16, 0], sizes = [16, 128], strides = [1, 1]} : vector<32x128xf32> to vector<16x128xf32>
    %add3A_285 = arith.addf %slice3A_283, %slice3A_284 : vector<16x128xf32>
    %slice3A_286 = vector.extract_strided_slice %add3A_285 {offsets = [0, 0], sizes = [8, 128], strides = [1, 1]} : vector<16x128xf32> to vector<8x128xf32>
    %slice3A_287 = vector.extract_strided_slice %add3A_285 {offsets = [8, 0], sizes = [8, 128], strides = [1, 1]} : vector<16x128xf32> to vector<8x128xf32>
    %add3A_288 = arith.addf %slice3A_286, %slice3A_287 : vector<8x128xf32>
    %add3A_289 = arith.addf %get3A_273, %add3A_288 : vector<8x128xf32>
    %swap3A_290 = arith.constant 152 : index
    %swap3A_291 = arith.constant 0 : index
    %swap3A_292 = vector.load %arg4[%swap3A_290, %swap3A_291] : memref<456x128xf32, #tpu.memory_space<vmem>>, vector<8x128xf32>
    tpu.vector_store %arg4[%swap3A_290, %swap3A_291], %add3A_289 {strides = array<i32>} : memref<456x128xf32, #tpu.memory_space<vmem>>, vector<8x128xf32>,
    %get3A_293 = arith.constant 304 : index
    %get3A_294 = arith.constant 0 : index
    %get3A_295 = vector.load %arg4[%get3A_293, %get3A_294] : memref<456x128xf32, #tpu.memory_space<vmem>>, vector<8x128xf32>
    %slice3A_296 = vector.extract_strided_slice %select_n3A_249 {offsets = [0, 0], sizes = [64, 256], strides = [1, 1]} : vector<64x512xf32> to vector<64x256xf32>
    %slice3A_297 = vector.extract_strided_slice %select_n3A_249 {offsets = [0, 256], sizes = [64, 256], strides = [1, 1]} : vector<64x512xf32> to vector<64x256xf32>
    %add3A_298 = arith.addf %slice3A_296, %slice3A_297 : vector<64x256xf32>
    %slice3A_299 = vector.extract_strided_slice %add3A_298 {offsets = [0, 0], sizes = [64, 128], strides = [1, 1]} : vector<64x256xf32> to vector<64x128xf32>
    %slice3A_300 = vector.extract_strided_slice %add3A_298 {offsets = [0, 128], sizes = [64, 128], strides = [1, 1]} : vector<64x256xf32> to vector<64x128xf32>
    %add3A_301 = arith.addf %slice3A_299, %slice3A_300 : vector<64x128xf32>
    %slice3A_302 = vector.extract_strided_slice %add3A_301 {offsets = [0, 0], sizes = [32, 128], strides = [1, 1]} : vector<64x128xf32> to vector<32x128xf32>
    %slice3A_303 = vector.extract_strided_slice %add3A_301 {offsets = [32, 0], sizes = [32, 128], strides = [1, 1]} : vector<64x128xf32> to vector<32x128xf32>
    %add3A_304 = arith.addf %slice3A_302, %slice3A_303 : vector<32x128xf32>
    %slice3A_305 = vector.extract_strided_slice %add3A_304 {offsets = [0, 0], sizes = [16, 128], strides = [1, 1]} : vector<32x128xf32> to vector<16x128xf32>
    %slice3A_306 = vector.extract_strided_slice %add3A_304 {offsets = [16, 0], sizes = [16, 128], strides = [1, 1]} : vector<32x128xf32> to vector<16x128xf32>
    %add3A_307 = arith.addf %slice3A_305, %slice3A_306 : vector<16x128xf32>
    %slice3A_308 = vector.extract_strided_slice %add3A_307 {offsets = [0, 0], sizes = [8, 128], strides = [1, 1]} : vector<16x128xf32> to vector<8x128xf32>
    %slice3A_309 = vector.extract_strided_slice %add3A_307 {offsets = [8, 0], sizes = [8, 128], strides = [1, 1]} : vector<16x128xf32> to vector<8x128xf32>
    %add3A_310 = arith.addf %slice3A_308, %slice3A_309 : vector<8x128xf32>
    %add3A_311 = arith.addf %get3A_295, %add3A_310 : vector<8x128xf32>
    %swap3A_312 = arith.constant 304 : index
    %swap3A_313 = arith.constant 0 : index
    %swap3A_314 = vector.load %arg4[%swap3A_312, %swap3A_313] : memref<456x128xf32, #tpu.memory_space<vmem>>, vector<8x128xf32>
    tpu.vector_store %arg4[%swap3A_312, %swap3A_313], %add3A_311 {strides = array<i32>} : memref<456x128xf32, #tpu.memory_space<vmem>>, vector<8x128xf32>,
    %eq3A_315 = arith.constant 1 : i32
    %eq3A_316 = vector.broadcast %eq3A_315 : i32 to vector<64x512xi32>
    %eq3A_317 = arith.cmpi eq, %get3A_11, %eq3A_316 : vector<64x512xi32>
    %jit3A_318 = arith.constant 1.000000e+00 : f32
    %jit3A_319 = arith.constant 0.000000e+00 : f32
    %broadcast_in_dim3A_320 = vector.broadcast %jit3A_318 : f32 to vector<64x512xf32>
    %broadcast_in_dim3A_321 = vector.broadcast %jit3A_319 : f32 to vector<64x512xf32>
    %select_n3A_322 = arith.select %eq3A_317, %broadcast_in_dim3A_320, %broadcast_in_dim3A_321 : vector<64x512xi1>, vector<64x512xf32>
    %jit3A_323 = arith.constant 0.000000e+00 : f32
    %broadcast_in_dim3A_324 = vector.broadcast %jit3A_323 : f32 to vector<64x512xf32>
    %select_n3A_325 = arith.select %eq3A_317, %convert_element_type3A_198, %broadcast_in_dim3A_324 : vector<64x512xi1>, vector<64x512xf32>
    %sub3A_326 = arith.subf %log3A, %squeeze3A_13 : vector<64x512xf32>
    %jit3A_327 = arith.constant 0.000000e+00 : f32
    %broadcast_in_dim3A_328 = vector.broadcast %jit3A_327 : f32 to vector<64x512xf32>
    %select_n3A_329 = arith.select %eq3A_317, %sub3A_326, %broadcast_in_dim3A_328 : vector<64x512xi1>, vector<64x512xf32>
    %get3A_330 = arith.constant 8 : index
    %get3A_331 = arith.constant 0 : index
    %get3A_332 = vector.load %arg4[%get3A_330, %get3A_331] : memref<456x128xf32, #tpu.memory_space<vmem>>, vector<8x128xf32>
    %slice3A_333 = vector.extract_strided_slice %select_n3A_322 {offsets = [0, 0], sizes = [64, 256], strides = [1, 1]} : vector<64x512xf32> to vector<64x256xf32>
    %slice3A_334 = vector.extract_strided_slice %select_n3A_322 {offsets = [0, 256], sizes = [64, 256], strides = [1, 1]} : vector<64x512xf32> to vector<64x256xf32>
    %add3A_335 = arith.addf %slice3A_333, %slice3A_334 : vector<64x256xf32>
    %slice3A_336 = vector.extract_strided_slice %add3A_335 {offsets = [0, 0], sizes = [64, 128], strides = [1, 1]} : vector<64x256xf32> to vector<64x128xf32>
    %slice3A_337 = vector.extract_strided_slice %add3A_335 {offsets = [0, 128], sizes = [64, 128], strides = [1, 1]} : vector<64x256xf32> to vector<64x128xf32>
    %add3A_338 = arith.addf %slice3A_336, %slice3A_337 : vector<64x128xf32>
    %slice3A_339 = vector.extract_strided_slice %add3A_338 {offsets = [0, 0], sizes = [32, 128], strides = [1, 1]} : vector<64x128xf32> to vector<32x128xf32>
    %slice3A_340 = vector.extract_strided_slice %add3A_338 {offsets = [32, 0], sizes = [32, 128], strides = [1, 1]} : vector<64x128xf32> to vector<32x128xf32>
    %add3A_341 = arith.addf %slice3A_339, %slice3A_340 : vector<32x128xf32>
    %slice3A_342 = vector.extract_strided_slice %add3A_341 {offsets = [0, 0], sizes = [16, 128], strides = [1, 1]} : vector<32x128xf32> to vector<16x128xf32>
    %slice3A_343 = vector.extract_strided_slice %add3A_341 {offsets = [16, 0], sizes = [16, 128], strides = [1, 1]} : vector<32x128xf32> to vector<16x128xf32>
    %add3A_344 = arith.addf %slice3A_342, %slice3A_343 : vector<16x128xf32>
    %slice3A_345 = vector.extract_strided_slice %add3A_344 {offsets = [0, 0], sizes = [8, 128], strides = [1, 1]} : vector<16x128xf32> to vector<8x128xf32>
    %slice3A_346 = vector.extract_strided_slice %add3A_344 {offsets = [8, 0], sizes = [8, 128], strides = [1, 1]} : vector<16x128xf32> to vector<8x128xf32>
    %add3A_347 = arith.addf %slice3A_345, %slice3A_346 : vector<8x128xf32>
    %add3A_348 = arith.addf %get3A_332, %add3A_347 : vector<8x128xf32>
    %swap3A_349 = arith.constant 8 : index
    %swap3A_350 = arith.constant 0 : index
    %swap3A_351 = vector.load %arg4[%swap3A_349, %swap3A_350] : memref<456x128xf32, #tpu.memory_space<vmem>>, vector<8x128xf32>
    tpu.vector_store %arg4[%swap3A_349, %swap3A_350], %add3A_348 {strides = array<i32>} : memref<456x128xf32, #tpu.memory_space<vmem>>, vector<8x128xf32>,
    %get3A_352 = arith.constant 160 : index
    %get3A_353 = arith.constant 0 : index
    %get3A_354 = vector.load %arg4[%get3A_352, %get3A_353] : memref<456x128xf32, #tpu.memory_space<vmem>>, vector<8x128xf32>
    %slice3A_355 = vector.extract_strided_slice %select_n3A_325 {offsets = [0, 0], sizes = [64, 256], strides = [1, 1]} : vector<64x512xf32> to vector<64x256xf32>
    %slice3A_356 = vector.extract_strided_slice %select_n3A_325 {offsets = [0, 256], sizes = [64, 256], strides = [1, 1]} : vector<64x512xf32> to vector<64x256xf32>
    %add3A_357 = arith.addf %slice3A_355, %slice3A_356 : vector<64x256xf32>
    %slice3A_358 = vector.extract_strided_slice %add3A_357 {offsets = [0, 0], sizes = [64, 128], strides = [1, 1]} : vector<64x256xf32> to vector<64x128xf32>
    %slice3A_359 = vector.extract_strided_slice %add3A_357 {offsets = [0, 128], sizes = [64, 128], strides = [1, 1]} : vector<64x256xf32> to vector<64x128xf32>
    %add3A_360 = arith.addf %slice3A_358, %slice3A_359 : vector<64x128xf32>
    %slice3A_361 = vector.extract_strided_slice %add3A_360 {offsets = [0, 0], sizes = [32, 128], strides = [1, 1]} : vector<64x128xf32> to vector<32x128xf32>
    %slice3A_362 = vector.extract_strided_slice %add3A_360 {offsets = [32, 0], sizes = [32, 128], strides = [1, 1]} : vector<64x128xf32> to vector<32x128xf32>
    %add3A_363 = arith.addf %slice3A_361, %slice3A_362 : vector<32x128xf32>
    %slice3A_364 = vector.extract_strided_slice %add3A_363 {offsets = [0, 0], sizes = [16, 128], strides = [1, 1]} : vector<32x128xf32> to vector<16x128xf32>
    %slice3A_365 = vector.extract_strided_slice %add3A_363 {offsets = [16, 0], sizes = [16, 128], strides = [1, 1]} : vector<32x128xf32> to vector<16x128xf32>
    %add3A_366 = arith.addf %slice3A_364, %slice3A_365 : vector<16x128xf32>
    %slice3A_367 = vector.extract_strided_slice %add3A_366 {offsets = [0, 0], sizes = [8, 128], strides = [1, 1]} : vector<16x128xf32> to vector<8x128xf32>
    %slice3A_368 = vector.extract_strided_slice %add3A_366 {offsets = [8, 0], sizes = [8, 128], strides = [1, 1]} : vector<16x128xf32> to vector<8x128xf32>
    %add3A_369 = arith.addf %slice3A_367, %slice3A_368 : vector<8x128xf32>
    %add3A_370 = arith.addf %get3A_354, %add3A_369 : vector<8x128xf32>
    %swap3A_371 = arith.constant 160 : index
    %swap3A_372 = arith.constant 0 : index
    %swap3A_373 = vector.load %arg4[%swap3A_371, %swap3A_372] : memref<456x128xf32, #tpu.memory_space<vmem>>, vector<8x128xf32>
    tpu.vector_store %arg4[%swap3A_371, %swap3A_372], %add3A_370 {strides = array<i32>} : memref<456x128xf32, #tpu.memory_space<vmem>>, vector<8x128xf32>,
    %get3A_374 = arith.constant 312 : index
    %get3A_375 = arith.constant 0 : index
    %get3A_376 = vector.load %arg4[%get3A_374, %get3A_375] : memref<456x128xf32, #tpu.memory_space<vmem>>, vector<8x128xf32>
    %slice3A_377 = vector.extract_strided_slice %select_n3A_329 {offsets = [0, 0], sizes = [64, 256], strides = [1, 1]} : vector<64x512xf32> to vector<64x256xf32>
    %slice3A_378 = vector.extract_strided_slice %select_n3A_329 {offsets = [0, 256], sizes = [64, 256], strides = [1, 1]} : vector<64x512xf32> to vector<64x256xf32>
    %add3A_379 = arith.addf %slice3A_377, %slice3A_378 : vector<64x256xf32>
    %slice3A_380 = vector.extract_strided_slice %add3A_379 {offsets = [0, 0], sizes = [64, 128], strides = [1, 1]} : vector<64x256xf32> to vector<64x128xf32>
    %slice3A_381 = vector.extract_strided_slice %add3A_379 {offsets = [0, 128], sizes = [64, 128], strides = [1, 1]} : vector<64x256xf32> to vector<64x128xf32>
    %add3A_382 = arith.addf %slice3A_380, %slice3A_381 : vector<64x128xf32>
    %slice3A_383 = vector.extract_strided_slice %add3A_382 {offsets = [0, 0], sizes = [32, 128], strides = [1, 1]} : vector<64x128xf32> to vector<32x128xf32>
    %slice3A_384 = vector.extract_strided_slice %add3A_382 {offsets = [32, 0], sizes = [32, 128], strides = [1, 1]} : vector<64x128xf32> to vector<32x128xf32>
    %add3A_385 = arith.addf %slice3A_383, %slice3A_384 : vector<32x128xf32>
    %slice3A_386 = vector.extract_strided_slice %add3A_385 {offsets = [0, 0], sizes = [16, 128], strides = [1, 1]} : vector<32x128xf32> to vector<16x128xf32>
    %slice3A_387 = vector.extract_strided_slice %add3A_385 {offsets = [16, 0], sizes = [16, 128], strides = [1, 1]} : vector<32x128xf32> to vector<16x128xf32>
    %add3A_388 = arith.addf %slice3A_386, %slice3A_387 : vector<16x128xf32>
    %slice3A_389 = vector.extract_strided_slice %add3A_388 {offsets = [0, 0], sizes = [8, 128], strides = [1, 1]} : vector<16x128xf32> to vector<8x128xf32>
    %slice3A_390 = vector.extract_strided_slice %add3A_388 {offsets = [8, 0], sizes = [8, 128], strides = [1, 1]} : vector<16x128xf32> to vector<8x128xf32>
    %add3A_391 = arith.addf %slice3A_389, %slice3A_390 : vector<8x128xf32>
    %add3A_392 = arith.addf %get3A_376, %add3A_391 : vector<8x128xf32>
    %swap3A_393 = arith.constant 312 : index
    %swap3A_394 = arith.constant 0 : index
    %swap3A_395 = vector.load %arg4[%swap3A_393, %swap3A_394] : memref<456x128xf32, #tpu.memory_space<vmem>>, vector<8x128xf32>
    tpu.vector_store %arg4[%swap3A_393, %swap3A_394], %add3A_392 {strides = array<i32>} : memref<456x128xf32, #tpu.memory_space<vmem>>, vector<8x128xf32>,
    %eq3A_396 = arith.constant 2 : i32
    %eq3A_397 = vector.broadcast %eq3A_396 : i32 to vector<64x512xi32>
    %eq3A_398 = arith.cmpi eq, %get3A_11, %eq3A_397 : vector<64x512xi32>
    %jit3A_399 = arith.constant 1.000000e+00 : f32
    %jit3A_400 = arith.constant 0.000000e+00 : f32
    %broadcast_in_dim3A_401 = vector.broadcast %jit3A_399 : f32 to vector<64x512xf32>
    %broadcast_in_dim3A_402 = vector.broadcast %jit3A_400 : f32 to vector<64x512xf32>
    %select_n3A_403 = arith.select %eq3A_398, %broadcast_in_dim3A_401, %broadcast_in_dim3A_402 : vector<64x512xi1>, vector<64x512xf32>
    %jit3A_404 = arith.constant 0.000000e+00 : f32
    %broadcast_in_dim3A_405 = vector.broadcast %jit3A_404 : f32 to vector<64x512xf32>
    %select_n3A_406 = arith.select %eq3A_398, %convert_element_type3A_198, %broadcast_in_dim3A_405 : vector<64x512xi1>, vector<64x512xf32>
    %sub3A_407 = arith.subf %log3A, %squeeze3A_15 : vector<64x512xf32>
    %jit3A_408 = arith.constant 0.000000e+00 : f32
    %broadcast_in_dim3A_409 = vector.broadcast %jit3A_408 : f32 to vector<64x512xf32>
    %select_n3A_410 = arith.select %eq3A_398, %sub3A_407, %broadcast_in_dim3A_409 : vector<64x512xi1>, vector<64x512xf32>
    %get3A_411 = arith.constant 16 : index
    %get3A_412 = arith.constant 0 : index
    %get3A_413 = vector.load %arg4[%get3A_411, %get3A_412] : memref<456x128xf32, #tpu.memory_space<vmem>>, vector<8x128xf32>
    %slice3A_414 = vector.extract_strided_slice %select_n3A_403 {offsets = [0, 0], sizes = [64, 256], strides = [1, 1]} : vector<64x512xf32> to vector<64x256xf32>
    %slice3A_415 = vector.extract_strided_slice %select_n3A_403 {offsets = [0, 256], sizes = [64, 256], strides = [1, 1]} : vector<64x512xf32> to vector<64x256xf32>
    %add3A_416 = arith.addf %slice3A_414, %slice3A_415 : vector<64x256xf32>
    %slice3A_417 = vector.extract_strided_slice %add3A_416 {offsets = [0, 0], sizes = [64, 128], strides = [1, 1]} : vector<64x256xf32> to vector<64x128xf32>
    %slice3A_418 = vector.extract_strided_slice %add3A_416 {offsets = [0, 128], sizes = [64, 128], strides = [1, 1]} : vector<64x256xf32> to vector<64x128xf32>
    %add3A_419 = arith.addf %slice3A_417, %slice3A_418 : vector<64x128xf32>
    %slice3A_420 = vector.extract_strided_slice %add3A_419 {offsets = [0, 0], sizes = [32, 128], strides = [1, 1]} : vector<64x128xf32> to vector<32x128xf32>
    %slice3A_421 = vector.extract_strided_slice %add3A_419 {offsets = [32, 0], sizes = [32, 128], strides = [1, 1]} : vector<64x128xf32> to vector<32x128xf32>
    %add3A_422 = arith.addf %slice3A_420, %slice3A_421 : vector<32x128xf32>
    %slice3A_423 = vector.extract_strided_slice %add3A_422 {offsets = [0, 0], sizes = [16, 128], strides = [1, 1]} : vector<32x128xf32> to vector<16x128xf32>
    %slice3A_424 = vector.extract_strided_slice %add3A_422 {offsets = [16, 0], sizes = [16, 128], strides = [1, 1]} : vector<32x128xf32> to vector<16x128xf32>
    %add3A_425 = arith.addf %slice3A_423, %slice3A_424 : vector<16x128xf32>
    %slice3A_426 = vector.extract_strided_slice %add3A_425 {offsets = [0, 0], sizes = [8, 128], strides = [1, 1]} : vector<16x128xf32> to vector<8x128xf32>
    %slice3A_427 = vector.extract_strided_slice %add3A_425 {offsets = [8, 0], sizes = [8, 128], strides = [1, 1]} : vector<16x128xf32> to vector<8x128xf32>
    %add3A_428 = arith.addf %slice3A_426, %slice3A_427 : vector<8x128xf32>
    %add3A_429 = arith.addf %get3A_413, %add3A_428 : vector<8x128xf32>
    %swap3A_430 = arith.constant 16 : index
    %swap3A_431 = arith.constant 0 : index
    %swap3A_432 = vector.load %arg4[%swap3A_430, %swap3A_431] : memref<456x128xf32, #tpu.memory_space<vmem>>, vector<8x128xf32>
    tpu.vector_store %arg4[%swap3A_430, %swap3A_431], %add3A_429 {strides = array<i32>} : memref<456x128xf32, #tpu.memory_space<vmem>>, vector<8x128xf32>,
    %get3A_433 = arith.constant 168 : index
    %get3A_434 = arith.constant 0 : index
    %get3A_435 = vector.load %arg4[%get3A_433, %get3A_434] : memref<456x128xf32, #tpu.memory_space<vmem>>, vector<8x128xf32>
    %slice3A_436 = vector.extract_strided_slice %select_n3A_406 {offsets = [0, 0], sizes = [64, 256], strides = [1, 1]} : vector<64x512xf32> to vector<64x256xf32>
    %slice3A_437 = vector.extract_strided_slice %select_n3A_406 {offsets = [0, 256], sizes = [64, 256], strides = [1, 1]} : vector<64x512xf32> to vector<64x256xf32>
    %add3A_438 = arith.addf %slice3A_436, %slice3A_437 : vector<64x256xf32>
    %slice3A_439 = vector.extract_strided_slice %add3A_438 {offsets = [0, 0], sizes = [64, 128], strides = [1, 1]} : vector<64x256xf32> to vector<64x128xf32>
    %slice3A_440 = vector.extract_strided_slice %add3A_438 {offsets = [0, 128], sizes = [64, 128], strides = [1, 1]} : vector<64x256xf32> to vector<64x128xf32>
    %add3A_441 = arith.addf %slice3A_439, %slice3A_440 : vector<64x128xf32>
    %slice3A_442 = vector.extract_strided_slice %add3A_441 {offsets = [0, 0], sizes = [32, 128], strides = [1, 1]} : vector<64x128xf32> to vector<32x128xf32>
    %slice3A_443 = vector.extract_strided_slice %add3A_441 {offsets = [32, 0], sizes = [32, 128], strides = [1, 1]} : vector<64x128xf32> to vector<32x128xf32>
    %add3A_444 = arith.addf %slice3A_442, %slice3A_443 : vector<32x128xf32>
    %slice3A_445 = vector.extract_strided_slice %add3A_444 {offsets = [0, 0], sizes = [16, 128], strides = [1, 1]} : vector<32x128xf32> to vector<16x128xf32>
    %slice3A_446 = vector.extract_strided_slice %add3A_444 {offsets = [16, 0], sizes = [16, 128], strides = [1, 1]} : vector<32x128xf32> to vector<16x128xf32>
    %add3A_447 = arith.addf %slice3A_445, %slice3A_446 : vector<16x128xf32>
    %slice3A_448 = vector.extract_strided_slice %add3A_447 {offsets = [0, 0], sizes = [8, 128], strides = [1, 1]} : vector<16x128xf32> to vector<8x128xf32>
    %slice3A_449 = vector.extract_strided_slice %add3A_447 {offsets = [8, 0], sizes = [8, 128], strides = [1, 1]} : vector<16x128xf32> to vector<8x128xf32>
    %add3A_450 = arith.addf %slice3A_448, %slice3A_449 : vector<8x128xf32>
    %add3A_451 = arith.addf %get3A_435, %add3A_450 : vector<8x128xf32>
    %swap3A_452 = arith.constant 168 : index
    %swap3A_453 = arith.constant 0 : index
    %swap3A_454 = vector.load %arg4[%swap3A_452, %swap3A_453] : memref<456x128xf32, #tpu.memory_space<vmem>>, vector<8x128xf32>
    tpu.vector_store %arg4[%swap3A_452, %swap3A_453], %add3A_451 {strides = array<i32>} : memref<456x128xf32, #tpu.memory_space<vmem>>, vector<8x128xf32>,
    %get3A_455 = arith.constant 320 : index
    %get3A_456 = arith.constant 0 : index
    %get3A_457 = vector.load %arg4[%get3A_455, %get3A_456] : memref<456x128xf32, #tpu.memory_space<vmem>>, vector<8x128xf32>
    %slice3A_458 = vector.extract_strided_slice %select_n3A_410 {offsets = [0, 0], sizes = [64, 256], strides = [1, 1]} : vector<64x512xf32> to vector<64x256xf32>
    %slice3A_459 = vector.extract_strided_slice %select_n3A_410 {offsets = [0, 256], sizes = [64, 256], strides = [1, 1]} : vector<64x512xf32> to vector<64x256xf32>
    %add3A_460 = arith.addf %slice3A_458, %slice3A_459 : vector<64x256xf32>
    %slice3A_461 = vector.extract_strided_slice %add3A_460 {offsets = [0, 0], sizes = [64, 128], strides = [1, 1]} : vector<64x256xf32> to vector<64x128xf32>
    %slice3A_462 = vector.extract_strided_slice %add3A_460 {offsets = [0, 128], sizes = [64, 128], strides = [1, 1]} : vector<64x256xf32> to vector<64x128xf32>
    %add3A_463 = arith.addf %slice3A_461, %slice3A_462 : vector<64x128xf32>
    %slice3A_464 = vector.extract_strided_slice %add3A_463 {offsets = [0, 0], sizes = [32, 128], strides = [1, 1]} : vector<64x128xf32> to vector<32x128xf32>
    %slice3A_465 = vector.extract_strided_slice %add3A_463 {offsets = [32, 0], sizes = [32, 128], strides = [1, 1]} : vector<64x128xf32> to vector<32x128xf32>
    %add3A_466 = arith.addf %slice3A_464, %slice3A_465 : vector<32x128xf32>
    %slice3A_467 = vector.extract_strided_slice %add3A_466 {offsets = [0, 0], sizes = [16, 128], strides = [1, 1]} : vector<32x128xf32> to vector<16x128xf32>
    %slice3A_468 = vector.extract_strided_slice %add3A_466 {offsets = [16, 0], sizes = [16, 128], strides = [1, 1]} : vector<32x128xf32> to vector<16x128xf32>
    %add3A_469 = arith.addf %slice3A_467, %slice3A_468 : vector<16x128xf32>
    %slice3A_470 = vector.extract_strided_slice %add3A_469 {offsets = [0, 0], sizes = [8, 128], strides = [1, 1]} : vector<16x128xf32> to vector<8x128xf32>
    %slice3A_471 = vector.extract_strided_slice %add3A_469 {offsets = [8, 0], sizes = [8, 128], strides = [1, 1]} : vector<16x128xf32> to vector<8x128xf32>
    %add3A_472 = arith.addf %slice3A_470, %slice3A_471 : vector<8x128xf32>
    %add3A_473 = arith.addf %get3A_457, %add3A_472 : vector<8x128xf32>
    %swap3A_474 = arith.constant 320 : index
    %swap3A_475 = arith.constant 0 : index
    %swap3A_476 = vector.load %arg4[%swap3A_474, %swap3A_475] : memref<456x128xf32, #tpu.memory_space<vmem>>, vector<8x128xf32>
    tpu.vector_store %arg4[%swap3A_474, %swap3A_475], %add3A_473 {strides = array<i32>} : memref<456x128xf32, #tpu.memory_space<vmem>>, vector<8x128xf32>,
    %eq3A_477 = arith.constant 3 : i32
    %eq3A_478 = vector.broadcast %eq3A_477 : i32 to vector<64x512xi32>
    %eq3A_479 = arith.cmpi eq, %get3A_11, %eq3A_478 : vector<64x512xi32>
    %jit3A_480 = arith.constant 1.000000e+00 : f32
    %jit3A_481 = arith.constant 0.000000e+00 : f32
    %broadcast_in_dim3A_482 = vector.broadcast %jit3A_480 : f32 to vector<64x512xf32>
    %broadcast_in_dim3A_483 = vector.broadcast %jit3A_481 : f32 to vector<64x512xf32>
    %select_n3A_484 = arith.select %eq3A_479, %broadcast_in_dim3A_482, %broadcast_in_dim3A_483 : vector<64x512xi1>, vector<64x512xf32>
    %jit3A_485 = arith.constant 0.000000e+00 : f32
    %broadcast_in_dim3A_486 = vector.broadcast %jit3A_485 : f32 to vector<64x512xf32>
    %select_n3A_487 = arith.select %eq3A_479, %convert_element_type3A_198, %broadcast_in_dim3A_486 : vector<64x512xi1>, vector<64x512xf32>
    %sub3A_488 = arith.subf %log3A, %squeeze3A_17 : vector<64x512xf32>
    %jit3A_489 = arith.constant 0.000000e+00 : f32
    %broadcast_in_dim3A_490 = vector.broadcast %jit3A_489 : f32 to vector<64x512xf32>
    %select_n3A_491 = arith.select %eq3A_479, %sub3A_488, %broadcast_in_dim3A_490 : vector<64x512xi1>, vector<64x512xf32>
    %get3A_492 = arith.constant 24 : index
    %get3A_493 = arith.constant 0 : index
    %get3A_494 = vector.load %arg4[%get3A_492, %get3A_493] : memref<456x128xf32, #tpu.memory_space<vmem>>, vector<8x128xf32>
    %slice3A_495 = vector.extract_strided_slice %select_n3A_484 {offsets = [0, 0], sizes = [64, 256], strides = [1, 1]} : vector<64x512xf32> to vector<64x256xf32>
    %slice3A_496 = vector.extract_strided_slice %select_n3A_484 {offsets = [0, 256], sizes = [64, 256], strides = [1, 1]} : vector<64x512xf32> to vector<64x256xf32>
    %add3A_497 = arith.addf %slice3A_495, %slice3A_496 : vector<64x256xf32>
    %slice3A_498 = vector.extract_strided_slice %add3A_497 {offsets = [0, 0], sizes = [64, 128], strides = [1, 1]} : vector<64x256xf32> to vector<64x128xf32>
    %slice3A_499 = vector.extract_strided_slice %add3A_497 {offsets = [0, 128], sizes = [64, 128], strides = [1, 1]} : vector<64x256xf32> to vector<64x128xf32>
    %add3A_500 = arith.addf %slice3A_498, %slice3A_499 : vector<64x128xf32>
    %slice3A_501 = vector.extract_strided_slice %add3A_500 {offsets = [0, 0], sizes = [32, 128], strides = [1, 1]} : vector<64x128xf32> to vector<32x128xf32>
    %slice3A_502 = vector.extract_strided_slice %add3A_500 {offsets = [32, 0], sizes = [32, 128], strides = [1, 1]} : vector<64x128xf32> to vector<32x128xf32>
    %add3A_503 = arith.addf %slice3A_501, %slice3A_502 : vector<32x128xf32>
    %slice3A_504 = vector.extract_strided_slice %add3A_503 {offsets = [0, 0], sizes = [16, 128], strides = [1, 1]} : vector<32x128xf32> to vector<16x128xf32>
    %slice3A_505 = vector.extract_strided_slice %add3A_503 {offsets = [16, 0], sizes = [16, 128], strides = [1, 1]} : vector<32x128xf32> to vector<16x128xf32>
    %add3A_506 = arith.addf %slice3A_504, %slice3A_505 : vector<16x128xf32>
    %slice3A_507 = vector.extract_strided_slice %add3A_506 {offsets = [0, 0], sizes = [8, 128], strides = [1, 1]} : vector<16x128xf32> to vector<8x128xf32>
    %slice3A_508 = vector.extract_strided_slice %add3A_506 {offsets = [8, 0], sizes = [8, 128], strides = [1, 1]} : vector<16x128xf32> to vector<8x128xf32>
    %add3A_509 = arith.addf %slice3A_507, %slice3A_508 : vector<8x128xf32>
    %add3A_510 = arith.addf %get3A_494, %add3A_509 : vector<8x128xf32>
    %swap3A_511 = arith.constant 24 : index
    %swap3A_512 = arith.constant 0 : index
    %swap3A_513 = vector.load %arg4[%swap3A_511, %swap3A_512] : memref<456x128xf32, #tpu.memory_space<vmem>>, vector<8x128xf32>
    tpu.vector_store %arg4[%swap3A_511, %swap3A_512], %add3A_510 {strides = array<i32>} : memref<456x128xf32, #tpu.memory_space<vmem>>, vector<8x128xf32>,
    %get3A_514 = arith.constant 176 : index
    %get3A_515 = arith.constant 0 : index
    %get3A_516 = vector.load %arg4[%get3A_514, %get3A_515] : memref<456x128xf32, #tpu.memory_space<vmem>>, vector<8x128xf32>
    %slice3A_517 = vector.extract_strided_slice %select_n3A_487 {offsets = [0, 0], sizes = [64, 256], strides = [1, 1]} : vector<64x512xf32> to vector<64x256xf32>
    %slice3A_518 = vector.extract_strided_slice %select_n3A_487 {offsets = [0, 256], sizes = [64, 256], strides = [1, 1]} : vector<64x512xf32> to vector<64x256xf32>
    %add3A_519 = arith.addf %slice3A_517, %slice3A_518 : vector<64x256xf32>
    %slice3A_520 = vector.extract_strided_slice %add3A_519 {offsets = [0, 0], sizes = [64, 128], strides = [1, 1]} : vector<64x256xf32> to vector<64x128xf32>
    %slice3A_521 = vector.extract_strided_slice %add3A_519 {offsets = [0, 128], sizes = [64, 128], strides = [1, 1]} : vector<64x256xf32> to vector<64x128xf32>
    %add3A_522 = arith.addf %slice3A_520, %slice3A_521 : vector<64x128xf32>
    %slice3A_523 = vector.extract_strided_slice %add3A_522 {offsets = [0, 0], sizes = [32, 128], strides = [1, 1]} : vector<64x128xf32> to vector<32x128xf32>
    %slice3A_524 = vector.extract_strided_slice %add3A_522 {offsets = [32, 0], sizes = [32, 128], strides = [1, 1]} : vector<64x128xf32> to vector<32x128xf32>
    %add3A_525 = arith.addf %slice3A_523, %slice3A_524 : vector<32x128xf32>
    %slice3A_526 = vector.extract_strided_slice %add3A_525 {offsets = [0, 0], sizes = [16, 128], strides = [1, 1]} : vector<32x128xf32> to vector<16x128xf32>
    %slice3A_527 = vector.extract_strided_slice %add3A_525 {offsets = [16, 0], sizes = [16, 128], strides = [1, 1]} : vector<32x128xf32> to vector<16x128xf32>
    %add3A_528 = arith.addf %slice3A_526, %slice3A_527 : vector<16x128xf32>
    %slice3A_529 = vector.extract_strided_slice %add3A_528 {offsets = [0, 0], sizes = [8, 128], strides = [1, 1]} : vector<16x128xf32> to vector<8x128xf32>
    %slice3A_530 = vector.extract_strided_slice %add3A_528 {offsets = [8, 0], sizes = [8, 128], strides = [1, 1]} : vector<16x128xf32> to vector<8x128xf32>
    %add3A_531 = arith.addf %slice3A_529, %slice3A_530 : vector<8x128xf32>
    %add3A_532 = arith.addf %get3A_516, %add3A_531 : vector<8x128xf32>
    %swap3A_533 = arith.constant 176 : index
    %swap3A_534 = arith.constant 0 : index
    %swap3A_535 = vector.load %arg4[%swap3A_533, %swap3A_534] : memref<456x128xf32, #tpu.memory_space<vmem>>, vector<8x128xf32>
    tpu.vector_store %arg4[%swap3A_533, %swap3A_534], %add3A_532 {strides = array<i32>} : memref<456x128xf32, #tpu.memory_space<vmem>>, vector<8x128xf32>,
    %get3A_536 = arith.constant 328 : index
    %get3A_537 = arith.constant 0 : index
    %get3A_538 = vector.load %arg4[%get3A_536, %get3A_537] : memref<456x128xf32, #tpu.memory_space<vmem>>, vector<8x128xf32>
    %slice3A_539 = vector.extract_strided_slice %select_n3A_491 {offsets = [0, 0], sizes = [64, 256], strides = [1, 1]} : vector<64x512xf32> to vector<64x256xf32>
    %slice3A_540 = vector.extract_strided_slice %select_n3A_491 {offsets = [0, 256], sizes = [64, 256], strides = [1, 1]} : vector<64x512xf32> to vector<64x256xf32>
    %add3A_541 = arith.addf %slice3A_539, %slice3A_540 : vector<64x256xf32>
    %slice3A_542 = vector.extract_strided_slice %add3A_541 {offsets = [0, 0], sizes = [64, 128], strides = [1, 1]} : vector<64x256xf32> to vector<64x128xf32>
    %slice3A_543 = vector.extract_strided_slice %add3A_541 {offsets = [0, 128], sizes = [64, 128], strides = [1, 1]} : vector<64x256xf32> to vector<64x128xf32>
    %add3A_544 = arith.addf %slice3A_542, %slice3A_543 : vector<64x128xf32>
    %slice3A_545 = vector.extract_strided_slice %add3A_544 {offsets = [0, 0], sizes = [32, 128], strides = [1, 1]} : vector<64x128xf32> to vector<32x128xf32>
    %slice3A_546 = vector.extract_strided_slice %add3A_544 {offsets = [32, 0], sizes = [32, 128], strides = [1, 1]} : vector<64x128xf32> to vector<32x128xf32>
    %add3A_547 = arith.addf %slice3A_545, %slice3A_546 : vector<32x128xf32>
    %slice3A_548 = vector.extract_strided_slice %add3A_547 {offsets = [0, 0], sizes = [16, 128], strides = [1, 1]} : vector<32x128xf32> to vector<16x128xf32>
    %slice3A_549 = vector.extract_strided_slice %add3A_547 {offsets = [16, 0], sizes = [16, 128], strides = [1, 1]} : vector<32x128xf32> to vector<16x128xf32>
    %add3A_550 = arith.addf %slice3A_548, %slice3A_549 : vector<16x128xf32>
    %slice3A_551 = vector.extract_strided_slice %add3A_550 {offsets = [0, 0], sizes = [8, 128], strides = [1, 1]} : vector<16x128xf32> to vector<8x128xf32>
    %slice3A_552 = vector.extract_strided_slice %add3A_550 {offsets = [8, 0], sizes = [8, 128], strides = [1, 1]} : vector<16x128xf32> to vector<8x128xf32>
    %add3A_553 = arith.addf %slice3A_551, %slice3A_552 : vector<8x128xf32>
    %add3A_554 = arith.addf %get3A_538, %add3A_553 : vector<8x128xf32>
    %swap3A_555 = arith.constant 328 : index
    %swap3A_556 = arith.constant 0 : index
    %swap3A_557 = vector.load %arg4[%swap3A_555, %swap3A_556] : memref<456x128xf32, #tpu.memory_space<vmem>>, vector<8x128xf32>
    tpu.vector_store %arg4[%swap3A_555, %swap3A_556], %add3A_554 {strides = array<i32>} : memref<456x128xf32, #tpu.memory_space<vmem>>, vector<8x128xf32>,
    %eq3A_558 = arith.constant 4 : i32
    %eq3A_559 = vector.broadcast %eq3A_558 : i32 to vector<64x512xi32>
    %eq3A_560 = arith.cmpi eq, %get3A_11, %eq3A_559 : vector<64x512xi32>
    %jit3A_561 = arith.constant 1.000000e+00 : f32
    %jit3A_562 = arith.constant 0.000000e+00 : f32
    %broadcast_in_dim3A_563 = vector.broadcast %jit3A_561 : f32 to vector<64x512xf32>
    %broadcast_in_dim3A_564 = vector.broadcast %jit3A_562 : f32 to vector<64x512xf32>
    %select_n3A_565 = arith.select %eq3A_560, %broadcast_in_dim3A_563, %broadcast_in_dim3A_564 : vector<64x512xi1>, vector<64x512xf32>
    %jit3A_566 = arith.constant 0.000000e+00 : f32
    %broadcast_in_dim3A_567 = vector.broadcast %jit3A_566 : f32 to vector<64x512xf32>
    %select_n3A_568 = arith.select %eq3A_560, %convert_element_type3A_198, %broadcast_in_dim3A_567 : vector<64x512xi1>, vector<64x512xf32>
    %sub3A_569 = arith.subf %log3A, %squeeze3A_19 : vector<64x512xf32>
    %jit3A_570 = arith.constant 0.000000e+00 : f32
    %broadcast_in_dim3A_571 = vector.broadcast %jit3A_570 : f32 to vector<64x512xf32>
    %select_n3A_572 = arith.select %eq3A_560, %sub3A_569, %broadcast_in_dim3A_571 : vector<64x512xi1>, vector<64x512xf32>
    %get3A_573 = arith.constant 32 : index
    %get3A_574 = arith.constant 0 : index
    %get3A_575 = vector.load %arg4[%get3A_573, %get3A_574] : memref<456x128xf32, #tpu.memory_space<vmem>>, vector<8x128xf32>
    %slice3A_576 = vector.extract_strided_slice %select_n3A_565 {offsets = [0, 0], sizes = [64, 256], strides = [1, 1]} : vector<64x512xf32> to vector<64x256xf32>
    %slice3A_577 = vector.extract_strided_slice %select_n3A_565 {offsets = [0, 256], sizes = [64, 256], strides = [1, 1]} : vector<64x512xf32> to vector<64x256xf32>
    %add3A_578 = arith.addf %slice3A_576, %slice3A_577 : vector<64x256xf32>
    %slice3A_579 = vector.extract_strided_slice %add3A_578 {offsets = [0, 0], sizes = [64, 128], strides = [1, 1]} : vector<64x256xf32> to vector<64x128xf32>
    %slice3A_580 = vector.extract_strided_slice %add3A_578 {offsets = [0, 128], sizes = [64, 128], strides = [1, 1]} : vector<64x256xf32> to vector<64x128xf32>
    %add3A_581 = arith.addf %slice3A_579, %slice3A_580 : vector<64x128xf32>
    %slice3A_582 = vector.extract_strided_slice %add3A_581 {offsets = [0, 0], sizes = [32, 128], strides = [1, 1]} : vector<64x128xf32> to vector<32x128xf32>
    %slice3A_583 = vector.extract_strided_slice %add3A_581 {offsets = [32, 0], sizes = [32, 128], strides = [1, 1]} : vector<64x128xf32> to vector<32x128xf32>
    %add3A_584 = arith.addf %slice3A_582, %slice3A_583 : vector<32x128xf32>
    %slice3A_585 = vector.extract_strided_slice %add3A_584 {offsets = [0, 0], sizes = [16, 128], strides = [1, 1]} : vector<32x128xf32> to vector<16x128xf32>
    %slice3A_586 = vector.extract_strided_slice %add3A_584 {offsets = [16, 0], sizes = [16, 128], strides = [1, 1]} : vector<32x128xf32> to vector<16x128xf32>
    %add3A_587 = arith.addf %slice3A_585, %slice3A_586 : vector<16x128xf32>
    %slice3A_588 = vector.extract_strided_slice %add3A_587 {offsets = [0, 0], sizes = [8, 128], strides = [1, 1]} : vector<16x128xf32> to vector<8x128xf32>
    %slice3A_589 = vector.extract_strided_slice %add3A_587 {offsets = [8, 0], sizes = [8, 128], strides = [1, 1]} : vector<16x128xf32> to vector<8x128xf32>
    %add3A_590 = arith.addf %slice3A_588, %slice3A_589 : vector<8x128xf32>
    %add3A_591 = arith.addf %get3A_575, %add3A_590 : vector<8x128xf32>
    %swap3A_592 = arith.constant 32 : index
    %swap3A_593 = arith.constant 0 : index
    %swap3A_594 = vector.load %arg4[%swap3A_592, %swap3A_593] : memref<456x128xf32, #tpu.memory_space<vmem>>, vector<8x128xf32>
    tpu.vector_store %arg4[%swap3A_592, %swap3A_593], %add3A_591 {strides = array<i32>} : memref<456x128xf32, #tpu.memory_space<vmem>>, vector<8x128xf32>,
    %get3A_595 = arith.constant 184 : index
    %get3A_596 = arith.constant 0 : index
    %get3A_597 = vector.load %arg4[%get3A_595, %get3A_596] : memref<456x128xf32, #tpu.memory_space<vmem>>, vector<8x128xf32>
    %slice3A_598 = vector.extract_strided_slice %select_n3A_568 {offsets = [0, 0], sizes = [64, 256], strides = [1, 1]} : vector<64x512xf32> to vector<64x256xf32>
    %slice3A_599 = vector.extract_strided_slice %select_n3A_568 {offsets = [0, 256], sizes = [64, 256], strides = [1, 1]} : vector<64x512xf32> to vector<64x256xf32>
    %add3A_600 = arith.addf %slice3A_598, %slice3A_599 : vector<64x256xf32>
    %slice3A_601 = vector.extract_strided_slice %add3A_600 {offsets = [0, 0], sizes = [64, 128], strides = [1, 1]} : vector<64x256xf32> to vector<64x128xf32>
    %slice3A_602 = vector.extract_strided_slice %add3A_600 {offsets = [0, 128], sizes = [64, 128], strides = [1, 1]} : vector<64x256xf32> to vector<64x128xf32>
    %add3A_603 = arith.addf %slice3A_601, %slice3A_602 : vector<64x128xf32>
    %slice3A_604 = vector.extract_strided_slice %add3A_603 {offsets = [0, 0], sizes = [32, 128], strides = [1, 1]} : vector<64x128xf32> to vector<32x128xf32>
    %slice3A_605 = vector.extract_strided_slice %add3A_603 {offsets = [32, 0], sizes = [32, 128], strides = [1, 1]} : vector<64x128xf32> to vector<32x128xf32>
    %add3A_606 = arith.addf %slice3A_604, %slice3A_605 : vector<32x128xf32>
    %slice3A_607 = vector.extract_strided_slice %add3A_606 {offsets = [0, 0], sizes = [16, 128], strides = [1, 1]} : vector<32x128xf32> to vector<16x128xf32>
    %slice3A_608 = vector.extract_strided_slice %add3A_606 {offsets = [16, 0], sizes = [16, 128], strides = [1, 1]} : vector<32x128xf32> to vector<16x128xf32>
    %add3A_609 = arith.addf %slice3A_607, %slice3A_608 : vector<16x128xf32>
    %slice3A_610 = vector.extract_strided_slice %add3A_609 {offsets = [0, 0], sizes = [8, 128], strides = [1, 1]} : vector<16x128xf32> to vector<8x128xf32>
    %slice3A_611 = vector.extract_strided_slice %add3A_609 {offsets = [8, 0], sizes = [8, 128], strides = [1, 1]} : vector<16x128xf32> to vector<8x128xf32>
    %add3A_612 = arith.addf %slice3A_610, %slice3A_611 : vector<8x128xf32>
    %add3A_613 = arith.addf %get3A_597, %add3A_612 : vector<8x128xf32>
    %swap3A_614 = arith.constant 184 : index
    %swap3A_615 = arith.constant 0 : index
    %swap3A_616 = vector.load %arg4[%swap3A_614, %swap3A_615] : memref<456x128xf32, #tpu.memory_space<vmem>>, vector<8x128xf32>
    tpu.vector_store %arg4[%swap3A_614, %swap3A_615], %add3A_613 {strides = array<i32>} : memref<456x128xf32, #tpu.memory_space<vmem>>, vector<8x128xf32>,
    %get3A_617 = arith.constant 336 : index
    %get3A_618 = arith.constant 0 : index
    %get3A_619 = vector.load %arg4[%get3A_617, %get3A_618] : memref<456x128xf32, #tpu.memory_space<vmem>>, vector<8x128xf32>
    %slice3A_620 = vector.extract_strided_slice %select_n3A_572 {offsets = [0, 0], sizes = [64, 256], strides = [1, 1]} : vector<64x512xf32> to vector<64x256xf32>
    %slice3A_621 = vector.extract_strided_slice %select_n3A_572 {offsets = [0, 256], sizes = [64, 256], strides = [1, 1]} : vector<64x512xf32> to vector<64x256xf32>
    %add3A_622 = arith.addf %slice3A_620, %slice3A_621 : vector<64x256xf32>
    %slice3A_623 = vector.extract_strided_slice %add3A_622 {offsets = [0, 0], sizes = [64, 128], strides = [1, 1]} : vector<64x256xf32> to vector<64x128xf32>
    %slice3A_624 = vector.extract_strided_slice %add3A_622 {offsets = [0, 128], sizes = [64, 128], strides = [1, 1]} : vector<64x256xf32> to vector<64x128xf32>
    %add3A_625 = arith.addf %slice3A_623, %slice3A_624 : vector<64x128xf32>
    %slice3A_626 = vector.extract_strided_slice %add3A_625 {offsets = [0, 0], sizes = [32, 128], strides = [1, 1]} : vector<64x128xf32> to vector<32x128xf32>
    %slice3A_627 = vector.extract_strided_slice %add3A_625 {offsets = [32, 0], sizes = [32, 128], strides = [1, 1]} : vector<64x128xf32> to vector<32x128xf32>
    %add3A_628 = arith.addf %slice3A_626, %slice3A_627 : vector<32x128xf32>
    %slice3A_629 = vector.extract_strided_slice %add3A_628 {offsets = [0, 0], sizes = [16, 128], strides = [1, 1]} : vector<32x128xf32> to vector<16x128xf32>
    %slice3A_630 = vector.extract_strided_slice %add3A_628 {offsets = [16, 0], sizes = [16, 128], strides = [1, 1]} : vector<32x128xf32> to vector<16x128xf32>
    %add3A_631 = arith.addf %slice3A_629, %slice3A_630 : vector<16x128xf32>
    %slice3A_632 = vector.extract_strided_slice %add3A_631 {offsets = [0, 0], sizes = [8, 128], strides = [1, 1]} : vector<16x128xf32> to vector<8x128xf32>
    %slice3A_633 = vector.extract_strided_slice %add3A_631 {offsets = [8, 0], sizes = [8, 128], strides = [1, 1]} : vector<16x128xf32> to vector<8x128xf32>
    %add3A_634 = arith.addf %slice3A_632, %slice3A_633 : vector<8x128xf32>
    %add3A_635 = arith.addf %get3A_619, %add3A_634 : vector<8x128xf32>
    %swap3A_636 = arith.constant 336 : index
    %swap3A_637 = arith.constant 0 : index
    %swap3A_638 = vector.load %arg4[%swap3A_636, %swap3A_637] : memref<456x128xf32, #tpu.memory_space<vmem>>, vector<8x128xf32>
    tpu.vector_store %arg4[%swap3A_636, %swap3A_637], %add3A_635 {strides = array<i32>} : memref<456x128xf32, #tpu.memory_space<vmem>>, vector<8x128xf32>,
    %eq3A_639 = arith.constant 5 : i32
    %eq3A_640 = vector.broadcast %eq3A_639 : i32 to vector<64x512xi32>
    %eq3A_641 = arith.cmpi eq, %get3A_11, %eq3A_640 : vector<64x512xi32>
    %jit3A_642 = arith.constant 1.000000e+00 : f32
    %jit3A_643 = arith.constant 0.000000e+00 : f32
    %broadcast_in_dim3A_644 = vector.broadcast %jit3A_642 : f32 to vector<64x512xf32>
    %broadcast_in_dim3A_645 = vector.broadcast %jit3A_643 : f32 to vector<64x512xf32>
    %select_n3A_646 = arith.select %eq3A_641, %broadcast_in_dim3A_644, %broadcast_in_dim3A_645 : vector<64x512xi1>, vector<64x512xf32>
    %jit3A_647 = arith.constant 0.000000e+00 : f32
    %broadcast_in_dim3A_648 = vector.broadcast %jit3A_647 : f32 to vector<64x512xf32>
    %select_n3A_649 = arith.select %eq3A_641, %convert_element_type3A_198, %broadcast_in_dim3A_648 : vector<64x512xi1>, vector<64x512xf32>
    %sub3A_650 = arith.subf %log3A, %squeeze3A_21 : vector<64x512xf32>
    %jit3A_651 = arith.constant 0.000000e+00 : f32
    %broadcast_in_dim3A_652 = vector.broadcast %jit3A_651 : f32 to vector<64x512xf32>
    %select_n3A_653 = arith.select %eq3A_641, %sub3A_650, %broadcast_in_dim3A_652 : vector<64x512xi1>, vector<64x512xf32>
    %get3A_654 = arith.constant 40 : index
    %get3A_655 = arith.constant 0 : index
    %get3A_656 = vector.load %arg4[%get3A_654, %get3A_655] : memref<456x128xf32, #tpu.memory_space<vmem>>, vector<8x128xf32>
    %slice3A_657 = vector.extract_strided_slice %select_n3A_646 {offsets = [0, 0], sizes = [64, 256], strides = [1, 1]} : vector<64x512xf32> to vector<64x256xf32>
    %slice3A_658 = vector.extract_strided_slice %select_n3A_646 {offsets = [0, 256], sizes = [64, 256], strides = [1, 1]} : vector<64x512xf32> to vector<64x256xf32>
    %add3A_659 = arith.addf %slice3A_657, %slice3A_658 : vector<64x256xf32>
    %slice3A_660 = vector.extract_strided_slice %add3A_659 {offsets = [0, 0], sizes = [64, 128], strides = [1, 1]} : vector<64x256xf32> to vector<64x128xf32>
    %slice3A_661 = vector.extract_strided_slice %add3A_659 {offsets = [0, 128], sizes = [64, 128], strides = [1, 1]} : vector<64x256xf32> to vector<64x128xf32>
    %add3A_662 = arith.addf %slice3A_660, %slice3A_661 : vector<64x128xf32>
    %slice3A_663 = vector.extract_strided_slice %add3A_662 {offsets = [0, 0], sizes = [32, 128], strides = [1, 1]} : vector<64x128xf32> to vector<32x128xf32>
    %slice3A_664 = vector.extract_strided_slice %add3A_662 {offsets = [32, 0], sizes = [32, 128], strides = [1, 1]} : vector<64x128xf32> to vector<32x128xf32>
    %add3A_665 = arith.addf %slice3A_663, %slice3A_664 : vector<32x128xf32>
    %slice3A_666 = vector.extract_strided_slice %add3A_665 {offsets = [0, 0], sizes = [16, 128], strides = [1, 1]} : vector<32x128xf32> to vector<16x128xf32>
    %slice3A_667 = vector.extract_strided_slice %add3A_665 {offsets = [16, 0], sizes = [16, 128], strides = [1, 1]} : vector<32x128xf32> to vector<16x128xf32>
    %add3A_668 = arith.addf %slice3A_666, %slice3A_667 : vector<16x128xf32>
    %slice3A_669 = vector.extract_strided_slice %add3A_668 {offsets = [0, 0], sizes = [8, 128], strides = [1, 1]} : vector<16x128xf32> to vector<8x128xf32>
    %slice3A_670 = vector.extract_strided_slice %add3A_668 {offsets = [8, 0], sizes = [8, 128], strides = [1, 1]} : vector<16x128xf32> to vector<8x128xf32>
    %add3A_671 = arith.addf %slice3A_669, %slice3A_670 : vector<8x128xf32>
    %add3A_672 = arith.addf %get3A_656, %add3A_671 : vector<8x128xf32>
    %swap3A_673 = arith.constant 40 : index
    %swap3A_674 = arith.constant 0 : index
    %swap3A_675 = vector.load %arg4[%swap3A_673, %swap3A_674] : memref<456x128xf32, #tpu.memory_space<vmem>>, vector<8x128xf32>
    tpu.vector_store %arg4[%swap3A_673, %swap3A_674], %add3A_672 {strides = array<i32>} : memref<456x128xf32, #tpu.memory_space<vmem>>, vector<8x128xf32>,
    %get3A_676 = arith.constant 192 : index
    %get3A_677 = arith.constant 0 : index
    %get3A_678 = vector.load %arg4[%get3A_676, %get3A_677] : memref<456x128xf32, #tpu.memory_space<vmem>>, vector<8x128xf32>
    %slice3A_679 = vector.extract_strided_slice %select_n3A_649 {offsets = [0, 0], sizes = [64, 256], strides = [1, 1]} : vector<64x512xf32> to vector<64x256xf32>
    %slice3A_680 = vector.extract_strided_slice %select_n3A_649 {offsets = [0, 256], sizes = [64, 256], strides = [1, 1]} : vector<64x512xf32> to vector<64x256xf32>
    %add3A_681 = arith.addf %slice3A_679, %slice3A_680 : vector<64x256xf32>
    %slice3A_682 = vector.extract_strided_slice %add3A_681 {offsets = [0, 0], sizes = [64, 128], strides = [1, 1]} : vector<64x256xf32> to vector<64x128xf32>
    %slice3A_683 = vector.extract_strided_slice %add3A_681 {offsets = [0, 128], sizes = [64, 128], strides = [1, 1]} : vector<64x256xf32> to vector<64x128xf32>
    %add3A_684 = arith.addf %slice3A_682, %slice3A_683 : vector<64x128xf32>
    %slice3A_685 = vector.extract_strided_slice %add3A_684 {offsets = [0, 0], sizes = [32, 128], strides = [1, 1]} : vector<64x128xf32> to vector<32x128xf32>
    %slice3A_686 = vector.extract_strided_slice %add3A_684 {offsets = [32, 0], sizes = [32, 128], strides = [1, 1]} : vector<64x128xf32> to vector<32x128xf32>
    %add3A_687 = arith.addf %slice3A_685, %slice3A_686 : vector<32x128xf32>
    %slice3A_688 = vector.extract_strided_slice %add3A_687 {offsets = [0, 0], sizes = [16, 128], strides = [1, 1]} : vector<32x128xf32> to vector<16x128xf32>
    %slice3A_689 = vector.extract_strided_slice %add3A_687 {offsets = [16, 0], sizes = [16, 128], strides = [1, 1]} : vector<32x128xf32> to vector<16x128xf32>
    %add3A_690 = arith.addf %slice3A_688, %slice3A_689 : vector<16x128xf32>
    %slice3A_691 = vector.extract_strided_slice %add3A_690 {offsets = [0, 0], sizes = [8, 128], strides = [1, 1]} : vector<16x128xf32> to vector<8x128xf32>
    %slice3A_692 = vector.extract_strided_slice %add3A_690 {offsets = [8, 0], sizes = [8, 128], strides = [1, 1]} : vector<16x128xf32> to vector<8x128xf32>
    %add3A_693 = arith.addf %slice3A_691, %slice3A_692 : vector<8x128xf32>
    %add3A_694 = arith.addf %get3A_678, %add3A_693 : vector<8x128xf32>
    %swap3A_695 = arith.constant 192 : index
    %swap3A_696 = arith.constant 0 : index
    %swap3A_697 = vector.load %arg4[%swap3A_695, %swap3A_696] : memref<456x128xf32, #tpu.memory_space<vmem>>, vector<8x128xf32>
    tpu.vector_store %arg4[%swap3A_695, %swap3A_696], %add3A_694 {strides = array<i32>} : memref<456x128xf32, #tpu.memory_space<vmem>>, vector<8x128xf32>,
    %get3A_698 = arith.constant 344 : index
    %get3A_699 = arith.constant 0 : index
    %get3A_700 = vector.load %arg4[%get3A_698, %get3A_699] : memref<456x128xf32, #tpu.memory_space<vmem>>, vector<8x128xf32>
    %slice3A_701 = vector.extract_strided_slice %select_n3A_653 {offsets = [0, 0], sizes = [64, 256], strides = [1, 1]} : vector<64x512xf32> to vector<64x256xf32>
    %slice3A_702 = vector.extract_strided_slice %select_n3A_653 {offsets = [0, 256], sizes = [64, 256], strides = [1, 1]} : vector<64x512xf32> to vector<64x256xf32>
    %add3A_703 = arith.addf %slice3A_701, %slice3A_702 : vector<64x256xf32>
    %slice3A_704 = vector.extract_strided_slice %add3A_703 {offsets = [0, 0], sizes = [64, 128], strides = [1, 1]} : vector<64x256xf32> to vector<64x128xf32>
    %slice3A_705 = vector.extract_strided_slice %add3A_703 {offsets = [0, 128], sizes = [64, 128], strides = [1, 1]} : vector<64x256xf32> to vector<64x128xf32>
    %add3A_706 = arith.addf %slice3A_704, %slice3A_705 : vector<64x128xf32>
    %slice3A_707 = vector.extract_strided_slice %add3A_706 {offsets = [0, 0], sizes = [32, 128], strides = [1, 1]} : vector<64x128xf32> to vector<32x128xf32>
    %slice3A_708 = vector.extract_strided_slice %add3A_706 {offsets = [32, 0], sizes = [32, 128], strides = [1, 1]} : vector<64x128xf32> to vector<32x128xf32>
    %add3A_709 = arith.addf %slice3A_707, %slice3A_708 : vector<32x128xf32>
    %slice3A_710 = vector.extract_strided_slice %add3A_709 {offsets = [0, 0], sizes = [16, 128], strides = [1, 1]} : vector<32x128xf32> to vector<16x128xf32>
    %slice3A_711 = vector.extract_strided_slice %add3A_709 {offsets = [16, 0], sizes = [16, 128], strides = [1, 1]} : vector<32x128xf32> to vector<16x128xf32>
    %add3A_712 = arith.addf %slice3A_710, %slice3A_711 : vector<16x128xf32>
    %slice3A_713 = vector.extract_strided_slice %add3A_712 {offsets = [0, 0], sizes = [8, 128], strides = [1, 1]} : vector<16x128xf32> to vector<8x128xf32>
    %slice3A_714 = vector.extract_strided_slice %add3A_712 {offsets = [8, 0], sizes = [8, 128], strides = [1, 1]} : vector<16x128xf32> to vector<8x128xf32>
    %add3A_715 = arith.addf %slice3A_713, %slice3A_714 : vector<8x128xf32>
    %add3A_716 = arith.addf %get3A_700, %add3A_715 : vector<8x128xf32>
    %swap3A_717 = arith.constant 344 : index
    %swap3A_718 = arith.constant 0 : index
    %swap3A_719 = vector.load %arg4[%swap3A_717, %swap3A_718] : memref<456x128xf32, #tpu.memory_space<vmem>>, vector<8x128xf32>
    tpu.vector_store %arg4[%swap3A_717, %swap3A_718], %add3A_716 {strides = array<i32>} : memref<456x128xf32, #tpu.memory_space<vmem>>, vector<8x128xf32>,
    %eq3A_720 = arith.constant 6 : i32
    %eq3A_721 = vector.broadcast %eq3A_720 : i32 to vector<64x512xi32>
    %eq3A_722 = arith.cmpi eq, %get3A_11, %eq3A_721 : vector<64x512xi32>
    %jit3A_723 = arith.constant 1.000000e+00 : f32
    %jit3A_724 = arith.constant 0.000000e+00 : f32
    %broadcast_in_dim3A_725 = vector.broadcast %jit3A_723 : f32 to vector<64x512xf32>
    %broadcast_in_dim3A_726 = vector.broadcast %jit3A_724 : f32 to vector<64x512xf32>
    %select_n3A_727 = arith.select %eq3A_722, %broadcast_in_dim3A_725, %broadcast_in_dim3A_726 : vector<64x512xi1>, vector<64x512xf32>
    %jit3A_728 = arith.constant 0.000000e+00 : f32
    %broadcast_in_dim3A_729 = vector.broadcast %jit3A_728 : f32 to vector<64x512xf32>
    %select_n3A_730 = arith.select %eq3A_722, %convert_element_type3A_198, %broadcast_in_dim3A_729 : vector<64x512xi1>, vector<64x512xf32>
    %sub3A_731 = arith.subf %log3A, %squeeze3A_23 : vector<64x512xf32>
    %jit3A_732 = arith.constant 0.000000e+00 : f32
    %broadcast_in_dim3A_733 = vector.broadcast %jit3A_732 : f32 to vector<64x512xf32>
    %select_n3A_734 = arith.select %eq3A_722, %sub3A_731, %broadcast_in_dim3A_733 : vector<64x512xi1>, vector<64x512xf32>
    %get3A_735 = arith.constant 48 : index
    %get3A_736 = arith.constant 0 : index
    %get3A_737 = vector.load %arg4[%get3A_735, %get3A_736] : memref<456x128xf32, #tpu.memory_space<vmem>>, vector<8x128xf32>
    %slice3A_738 = vector.extract_strided_slice %select_n3A_727 {offsets = [0, 0], sizes = [64, 256], strides = [1, 1]} : vector<64x512xf32> to vector<64x256xf32>
    %slice3A_739 = vector.extract_strided_slice %select_n3A_727 {offsets = [0, 256], sizes = [64, 256], strides = [1, 1]} : vector<64x512xf32> to vector<64x256xf32>
    %add3A_740 = arith.addf %slice3A_738, %slice3A_739 : vector<64x256xf32>
    %slice3A_741 = vector.extract_strided_slice %add3A_740 {offsets = [0, 0], sizes = [64, 128], strides = [1, 1]} : vector<64x256xf32> to vector<64x128xf32>
    %slice3A_742 = vector.extract_strided_slice %add3A_740 {offsets = [0, 128], sizes = [64, 128], strides = [1, 1]} : vector<64x256xf32> to vector<64x128xf32>
    %add3A_743 = arith.addf %slice3A_741, %slice3A_742 : vector<64x128xf32>
    %slice3A_744 = vector.extract_strided_slice %add3A_743 {offsets = [0, 0], sizes = [32, 128], strides = [1, 1]} : vector<64x128xf32> to vector<32x128xf32>
    %slice3A_745 = vector.extract_strided_slice %add3A_743 {offsets = [32, 0], sizes = [32, 128], strides = [1, 1]} : vector<64x128xf32> to vector<32x128xf32>
    %add3A_746 = arith.addf %slice3A_744, %slice3A_745 : vector<32x128xf32>
    %slice3A_747 = vector.extract_strided_slice %add3A_746 {offsets = [0, 0], sizes = [16, 128], strides = [1, 1]} : vector<32x128xf32> to vector<16x128xf32>
    %slice3A_748 = vector.extract_strided_slice %add3A_746 {offsets = [16, 0], sizes = [16, 128], strides = [1, 1]} : vector<32x128xf32> to vector<16x128xf32>
    %add3A_749 = arith.addf %slice3A_747, %slice3A_748 : vector<16x128xf32>
    %slice3A_750 = vector.extract_strided_slice %add3A_749 {offsets = [0, 0], sizes = [8, 128], strides = [1, 1]} : vector<16x128xf32> to vector<8x128xf32>
    %slice3A_751 = vector.extract_strided_slice %add3A_749 {offsets = [8, 0], sizes = [8, 128], strides = [1, 1]} : vector<16x128xf32> to vector<8x128xf32>
    %add3A_752 = arith.addf %slice3A_750, %slice3A_751 : vector<8x128xf32>
    %add3A_753 = arith.addf %get3A_737, %add3A_752 : vector<8x128xf32>
    %swap3A_754 = arith.constant 48 : index
    %swap3A_755 = arith.constant 0 : index
    %swap3A_756 = vector.load %arg4[%swap3A_754, %swap3A_755] : memref<456x128xf32, #tpu.memory_space<vmem>>, vector<8x128xf32>
    tpu.vector_store %arg4[%swap3A_754, %swap3A_755], %add3A_753 {strides = array<i32>} : memref<456x128xf32, #tpu.memory_space<vmem>>, vector<8x128xf32>,
    %get3A_757 = arith.constant 200 : index
    %get3A_758 = arith.constant 0 : index
    %get3A_759 = vector.load %arg4[%get3A_757, %get3A_758] : memref<456x128xf32, #tpu.memory_space<vmem>>, vector<8x128xf32>
    %slice3A_760 = vector.extract_strided_slice %select_n3A_730 {offsets = [0, 0], sizes = [64, 256], strides = [1, 1]} : vector<64x512xf32> to vector<64x256xf32>
    %slice3A_761 = vector.extract_strided_slice %select_n3A_730 {offsets = [0, 256], sizes = [64, 256], strides = [1, 1]} : vector<64x512xf32> to vector<64x256xf32>
    %add3A_762 = arith.addf %slice3A_760, %slice3A_761 : vector<64x256xf32>
    %slice3A_763 = vector.extract_strided_slice %add3A_762 {offsets = [0, 0], sizes = [64, 128], strides = [1, 1]} : vector<64x256xf32> to vector<64x128xf32>
    %slice3A_764 = vector.extract_strided_slice %add3A_762 {offsets = [0, 128], sizes = [64, 128], strides = [1, 1]} : vector<64x256xf32> to vector<64x128xf32>
    %add3A_765 = arith.addf %slice3A_763, %slice3A_764 : vector<64x128xf32>
    %slice3A_766 = vector.extract_strided_slice %add3A_765 {offsets = [0, 0], sizes = [32, 128], strides = [1, 1]} : vector<64x128xf32> to vector<32x128xf32>
    %slice3A_767 = vector.extract_strided_slice %add3A_765 {offsets = [32, 0], sizes = [32, 128], strides = [1, 1]} : vector<64x128xf32> to vector<32x128xf32>
    %add3A_768 = arith.addf %slice3A_766, %slice3A_767 : vector<32x128xf32>
    %slice3A_769 = vector.extract_strided_slice %add3A_768 {offsets = [0, 0], sizes = [16, 128], strides = [1, 1]} : vector<32x128xf32> to vector<16x128xf32>
    %slice3A_770 = vector.extract_strided_slice %add3A_768 {offsets = [16, 0], sizes = [16, 128], strides = [1, 1]} : vector<32x128xf32> to vector<16x128xf32>
    %add3A_771 = arith.addf %slice3A_769, %slice3A_770 : vector<16x128xf32>
    %slice3A_772 = vector.extract_strided_slice %add3A_771 {offsets = [0, 0], sizes = [8, 128], strides = [1, 1]} : vector<16x128xf32> to vector<8x128xf32>
    %slice3A_773 = vector.extract_strided_slice %add3A_771 {offsets = [8, 0], sizes = [8, 128], strides = [1, 1]} : vector<16x128xf32> to vector<8x128xf32>
    %add3A_774 = arith.addf %slice3A_772, %slice3A_773 : vector<8x128xf32>
    %add3A_775 = arith.addf %get3A_759, %add3A_774 : vector<8x128xf32>
    %swap3A_776 = arith.constant 200 : index
    %swap3A_777 = arith.constant 0 : index
    %swap3A_778 = vector.load %arg4[%swap3A_776, %swap3A_777] : memref<456x128xf32, #tpu.memory_space<vmem>>, vector<8x128xf32>
    tpu.vector_store %arg4[%swap3A_776, %swap3A_777], %add3A_775 {strides = array<i32>} : memref<456x128xf32, #tpu.memory_space<vmem>>, vector<8x128xf32>,
    %get3A_779 = arith.constant 352 : index
    %get3A_780 = arith.constant 0 : index
    %get3A_781 = vector.load %arg4[%get3A_779, %get3A_780] : memref<456x128xf32, #tpu.memory_space<vmem>>, vector<8x128xf32>
    %slice3A_782 = vector.extract_strided_slice %select_n3A_734 {offsets = [0, 0], sizes = [64, 256], strides = [1, 1]} : vector<64x512xf32> to vector<64x256xf32>
    %slice3A_783 = vector.extract_strided_slice %select_n3A_734 {offsets = [0, 256], sizes = [64, 256], strides = [1, 1]} : vector<64x512xf32> to vector<64x256xf32>
    %add3A_784 = arith.addf %slice3A_782, %slice3A_783 : vector<64x256xf32>
    %slice3A_785 = vector.extract_strided_slice %add3A_784 {offsets = [0, 0], sizes = [64, 128], strides = [1, 1]} : vector<64x256xf32> to vector<64x128xf32>
    %slice3A_786 = vector.extract_strided_slice %add3A_784 {offsets = [0, 128], sizes = [64, 128], strides = [1, 1]} : vector<64x256xf32> to vector<64x128xf32>
    %add3A_787 = arith.addf %slice3A_785, %slice3A_786 : vector<64x128xf32>
    %slice3A_788 = vector.extract_strided_slice %add3A_787 {offsets = [0, 0], sizes = [32, 128], strides = [1, 1]} : vector<64x128xf32> to vector<32x128xf32>
    %slice3A_789 = vector.extract_strided_slice %add3A_787 {offsets = [32, 0], sizes = [32, 128], strides = [1, 1]} : vector<64x128xf32> to vector<32x128xf32>
    %add3A_790 = arith.addf %slice3A_788, %slice3A_789 : vector<32x128xf32>
    %slice3A_791 = vector.extract_strided_slice %add3A_790 {offsets = [0, 0], sizes = [16, 128], strides = [1, 1]} : vector<32x128xf32> to vector<16x128xf32>
    %slice3A_792 = vector.extract_strided_slice %add3A_790 {offsets = [16, 0], sizes = [16, 128], strides = [1, 1]} : vector<32x128xf32> to vector<16x128xf32>
    %add3A_793 = arith.addf %slice3A_791, %slice3A_792 : vector<16x128xf32>
    %slice3A_794 = vector.extract_strided_slice %add3A_793 {offsets = [0, 0], sizes = [8, 128], strides = [1, 1]} : vector<16x128xf32> to vector<8x128xf32>
    %slice3A_795 = vector.extract_strided_slice %add3A_793 {offsets = [8, 0], sizes = [8, 128], strides = [1, 1]} : vector<16x128xf32> to vector<8x128xf32>
    %add3A_796 = arith.addf %slice3A_794, %slice3A_795 : vector<8x128xf32>
    %add3A_797 = arith.addf %get3A_781, %add3A_796 : vector<8x128xf32>
    %swap3A_798 = arith.constant 352 : index
    %swap3A_799 = arith.constant 0 : index
    %swap3A_800 = vector.load %arg4[%swap3A_798, %swap3A_799] : memref<456x128xf32, #tpu.memory_space<vmem>>, vector<8x128xf32>
    tpu.vector_store %arg4[%swap3A_798, %swap3A_799], %add3A_797 {strides = array<i32>} : memref<456x128xf32, #tpu.memory_space<vmem>>, vector<8x128xf32>,
    %eq3A_801 = arith.constant 7 : i32
    %eq3A_802 = vector.broadcast %eq3A_801 : i32 to vector<64x512xi32>
    %eq3A_803 = arith.cmpi eq, %get3A_11, %eq3A_802 : vector<64x512xi32>
    %jit3A_804 = arith.constant 1.000000e+00 : f32
    %jit3A_805 = arith.constant 0.000000e+00 : f32
    %broadcast_in_dim3A_806 = vector.broadcast %jit3A_804 : f32 to vector<64x512xf32>
    %broadcast_in_dim3A_807 = vector.broadcast %jit3A_805 : f32 to vector<64x512xf32>
    %select_n3A_808 = arith.select %eq3A_803, %broadcast_in_dim3A_806, %broadcast_in_dim3A_807 : vector<64x512xi1>, vector<64x512xf32>
    %jit3A_809 = arith.constant 0.000000e+00 : f32
    %broadcast_in_dim3A_810 = vector.broadcast %jit3A_809 : f32 to vector<64x512xf32>
    %select_n3A_811 = arith.select %eq3A_803, %convert_element_type3A_198, %broadcast_in_dim3A_810 : vector<64x512xi1>, vector<64x512xf32>
    %sub3A_812 = arith.subf %log3A, %squeeze3A_25 : vector<64x512xf32>
    %jit3A_813 = arith.constant 0.000000e+00 : f32
    %broadcast_in_dim3A_814 = vector.broadcast %jit3A_813 : f32 to vector<64x512xf32>
    %select_n3A_815 = arith.select %eq3A_803, %sub3A_812, %broadcast_in_dim3A_814 : vector<64x512xi1>, vector<64x512xf32>
    %get3A_816 = arith.constant 56 : index
    %get3A_817 = arith.constant 0 : index
    %get3A_818 = vector.load %arg4[%get3A_816, %get3A_817] : memref<456x128xf32, #tpu.memory_space<vmem>>, vector<8x128xf32>
    %slice3A_819 = vector.extract_strided_slice %select_n3A_808 {offsets = [0, 0], sizes = [64, 256], strides = [1, 1]} : vector<64x512xf32> to vector<64x256xf32>
    %slice3A_820 = vector.extract_strided_slice %select_n3A_808 {offsets = [0, 256], sizes = [64, 256], strides = [1, 1]} : vector<64x512xf32> to vector<64x256xf32>
    %add3A_821 = arith.addf %slice3A_819, %slice3A_820 : vector<64x256xf32>
    %slice3A_822 = vector.extract_strided_slice %add3A_821 {offsets = [0, 0], sizes = [64, 128], strides = [1, 1]} : vector<64x256xf32> to vector<64x128xf32>
    %slice3A_823 = vector.extract_strided_slice %add3A_821 {offsets = [0, 128], sizes = [64, 128], strides = [1, 1]} : vector<64x256xf32> to vector<64x128xf32>
    %add3A_824 = arith.addf %slice3A_822, %slice3A_823 : vector<64x128xf32>
    %slice3A_825 = vector.extract_strided_slice %add3A_824 {offsets = [0, 0], sizes = [32, 128], strides = [1, 1]} : vector<64x128xf32> to vector<32x128xf32>
    %slice3A_826 = vector.extract_strided_slice %add3A_824 {offsets = [32, 0], sizes = [32, 128], strides = [1, 1]} : vector<64x128xf32> to vector<32x128xf32>
    %add3A_827 = arith.addf %slice3A_825, %slice3A_826 : vector<32x128xf32>
    %slice3A_828 = vector.extract_strided_slice %add3A_827 {offsets = [0, 0], sizes = [16, 128], strides = [1, 1]} : vector<32x128xf32> to vector<16x128xf32>
    %slice3A_829 = vector.extract_strided_slice %add3A_827 {offsets = [16, 0], sizes = [16, 128], strides = [1, 1]} : vector<32x128xf32> to vector<16x128xf32>
    %add3A_830 = arith.addf %slice3A_828, %slice3A_829 : vector<16x128xf32>
    %slice3A_831 = vector.extract_strided_slice %add3A_830 {offsets = [0, 0], sizes = [8, 128], strides = [1, 1]} : vector<16x128xf32> to vector<8x128xf32>
    %slice3A_832 = vector.extract_strided_slice %add3A_830 {offsets = [8, 0], sizes = [8, 128], strides = [1, 1]} : vector<16x128xf32> to vector<8x128xf32>
    %add3A_833 = arith.addf %slice3A_831, %slice3A_832 : vector<8x128xf32>
    %add3A_834 = arith.addf %get3A_818, %add3A_833 : vector<8x128xf32>
    %swap3A_835 = arith.constant 56 : index
    %swap3A_836 = arith.constant 0 : index
    %swap3A_837 = vector.load %arg4[%swap3A_835, %swap3A_836] : memref<456x128xf32, #tpu.memory_space<vmem>>, vector<8x128xf32>
    tpu.vector_store %arg4[%swap3A_835, %swap3A_836], %add3A_834 {strides = array<i32>} : memref<456x128xf32, #tpu.memory_space<vmem>>, vector<8x128xf32>,
    %get3A_838 = arith.constant 208 : index
    %get3A_839 = arith.constant 0 : index
    %get3A_840 = vector.load %arg4[%get3A_838, %get3A_839] : memref<456x128xf32, #tpu.memory_space<vmem>>, vector<8x128xf32>
    %slice3A_841 = vector.extract_strided_slice %select_n3A_811 {offsets = [0, 0], sizes = [64, 256], strides = [1, 1]} : vector<64x512xf32> to vector<64x256xf32>
    %slice3A_842 = vector.extract_strided_slice %select_n3A_811 {offsets = [0, 256], sizes = [64, 256], strides = [1, 1]} : vector<64x512xf32> to vector<64x256xf32>
    %add3A_843 = arith.addf %slice3A_841, %slice3A_842 : vector<64x256xf32>
    %slice3A_844 = vector.extract_strided_slice %add3A_843 {offsets = [0, 0], sizes = [64, 128], strides = [1, 1]} : vector<64x256xf32> to vector<64x128xf32>
    %slice3A_845 = vector.extract_strided_slice %add3A_843 {offsets = [0, 128], sizes = [64, 128], strides = [1, 1]} : vector<64x256xf32> to vector<64x128xf32>
    %add3A_846 = arith.addf %slice3A_844, %slice3A_845 : vector<64x128xf32>
    %slice3A_847 = vector.extract_strided_slice %add3A_846 {offsets = [0, 0], sizes = [32, 128], strides = [1, 1]} : vector<64x128xf32> to vector<32x128xf32>
    %slice3A_848 = vector.extract_strided_slice %add3A_846 {offsets = [32, 0], sizes = [32, 128], strides = [1, 1]} : vector<64x128xf32> to vector<32x128xf32>
    %add3A_849 = arith.addf %slice3A_847, %slice3A_848 : vector<32x128xf32>
    %slice3A_850 = vector.extract_strided_slice %add3A_849 {offsets = [0, 0], sizes = [16, 128], strides = [1, 1]} : vector<32x128xf32> to vector<16x128xf32>
    %slice3A_851 = vector.extract_strided_slice %add3A_849 {offsets = [16, 0], sizes = [16, 128], strides = [1, 1]} : vector<32x128xf32> to vector<16x128xf32>
    %add3A_852 = arith.addf %slice3A_850, %slice3A_851 : vector<16x128xf32>
    %slice3A_853 = vector.extract_strided_slice %add3A_852 {offsets = [0, 0], sizes = [8, 128], strides = [1, 1]} : vector<16x128xf32> to vector<8x128xf32>
    %slice3A_854 = vector.extract_strided_slice %add3A_852 {offsets = [8, 0], sizes = [8, 128], strides = [1, 1]} : vector<16x128xf32> to vector<8x128xf32>
    %add3A_855 = arith.addf %slice3A_853, %slice3A_854 : vector<8x128xf32>
    %add3A_856 = arith.addf %get3A_840, %add3A_855 : vector<8x128xf32>
    %swap3A_857 = arith.constant 208 : index
    %swap3A_858 = arith.constant 0 : index
    %swap3A_859 = vector.load %arg4[%swap3A_857, %swap3A_858] : memref<456x128xf32, #tpu.memory_space<vmem>>, vector<8x128xf32>
    tpu.vector_store %arg4[%swap3A_857, %swap3A_858], %add3A_856 {strides = array<i32>} : memref<456x128xf32, #tpu.memory_space<vmem>>, vector<8x128xf32>,
    %get3A_860 = arith.constant 360 : index
    %get3A_861 = arith.constant 0 : index
    %get3A_862 = vector.load %arg4[%get3A_860, %get3A_861] : memref<456x128xf32, #tpu.memory_space<vmem>>, vector<8x128xf32>
    %slice3A_863 = vector.extract_strided_slice %select_n3A_815 {offsets = [0, 0], sizes = [64, 256], strides = [1, 1]} : vector<64x512xf32> to vector<64x256xf32>
    %slice3A_864 = vector.extract_strided_slice %select_n3A_815 {offsets = [0, 256], sizes = [64, 256], strides = [1, 1]} : vector<64x512xf32> to vector<64x256xf32>
    %add3A_865 = arith.addf %slice3A_863, %slice3A_864 : vector<64x256xf32>
    %slice3A_866 = vector.extract_strided_slice %add3A_865 {offsets = [0, 0], sizes = [64, 128], strides = [1, 1]} : vector<64x256xf32> to vector<64x128xf32>
    %slice3A_867 = vector.extract_strided_slice %add3A_865 {offsets = [0, 128], sizes = [64, 128], strides = [1, 1]} : vector<64x256xf32> to vector<64x128xf32>
    %add3A_868 = arith.addf %slice3A_866, %slice3A_867 : vector<64x128xf32>
    %slice3A_869 = vector.extract_strided_slice %add3A_868 {offsets = [0, 0], sizes = [32, 128], strides = [1, 1]} : vector<64x128xf32> to vector<32x128xf32>
    %slice3A_870 = vector.extract_strided_slice %add3A_868 {offsets = [32, 0], sizes = [32, 128], strides = [1, 1]} : vector<64x128xf32> to vector<32x128xf32>
    %add3A_871 = arith.addf %slice3A_869, %slice3A_870 : vector<32x128xf32>
    %slice3A_872 = vector.extract_strided_slice %add3A_871 {offsets = [0, 0], sizes = [16, 128], strides = [1, 1]} : vector<32x128xf32> to vector<16x128xf32>
    %slice3A_873 = vector.extract_strided_slice %add3A_871 {offsets = [16, 0], sizes = [16, 128], strides = [1, 1]} : vector<32x128xf32> to vector<16x128xf32>
    %add3A_874 = arith.addf %slice3A_872, %slice3A_873 : vector<16x128xf32>
    %slice3A_875 = vector.extract_strided_slice %add3A_874 {offsets = [0, 0], sizes = [8, 128], strides = [1, 1]} : vector<16x128xf32> to vector<8x128xf32>
    %slice3A_876 = vector.extract_strided_slice %add3A_874 {offsets = [8, 0], sizes = [8, 128], strides = [1, 1]} : vector<16x128xf32> to vector<8x128xf32>
    %add3A_877 = arith.addf %slice3A_875, %slice3A_876 : vector<8x128xf32>
    %add3A_878 = arith.addf %get3A_862, %add3A_877 : vector<8x128xf32>
    %swap3A_879 = arith.constant 360 : index
    %swap3A_880 = arith.constant 0 : index
    %swap3A_881 = vector.load %arg4[%swap3A_879, %swap3A_880] : memref<456x128xf32, #tpu.memory_space<vmem>>, vector<8x128xf32>
    tpu.vector_store %arg4[%swap3A_879, %swap3A_880], %add3A_878 {strides = array<i32>} : memref<456x128xf32, #tpu.memory_space<vmem>>, vector<8x128xf32>,
    %eq3A_882 = arith.constant 8 : i32
    %eq3A_883 = vector.broadcast %eq3A_882 : i32 to vector<64x512xi32>
    %eq3A_884 = arith.cmpi eq, %get3A_11, %eq3A_883 : vector<64x512xi32>
    %jit3A_885 = arith.constant 1.000000e+00 : f32
    %jit3A_886 = arith.constant 0.000000e+00 : f32
    %broadcast_in_dim3A_887 = vector.broadcast %jit3A_885 : f32 to vector<64x512xf32>
    %broadcast_in_dim3A_888 = vector.broadcast %jit3A_886 : f32 to vector<64x512xf32>
    %select_n3A_889 = arith.select %eq3A_884, %broadcast_in_dim3A_887, %broadcast_in_dim3A_888 : vector<64x512xi1>, vector<64x512xf32>
    %jit3A_890 = arith.constant 0.000000e+00 : f32
    %broadcast_in_dim3A_891 = vector.broadcast %jit3A_890 : f32 to vector<64x512xf32>
    %select_n3A_892 = arith.select %eq3A_884, %convert_element_type3A_198, %broadcast_in_dim3A_891 : vector<64x512xi1>, vector<64x512xf32>
    %sub3A_893 = arith.subf %log3A, %squeeze3A_27 : vector<64x512xf32>
    %jit3A_894 = arith.constant 0.000000e+00 : f32
    %broadcast_in_dim3A_895 = vector.broadcast %jit3A_894 : f32 to vector<64x512xf32>
    %select_n3A_896 = arith.select %eq3A_884, %sub3A_893, %broadcast_in_dim3A_895 : vector<64x512xi1>, vector<64x512xf32>
    %get3A_897 = arith.constant 64 : index
    %get3A_898 = arith.constant 0 : index
    %get3A_899 = vector.load %arg4[%get3A_897, %get3A_898] : memref<456x128xf32, #tpu.memory_space<vmem>>, vector<8x128xf32>
    %slice3A_900 = vector.extract_strided_slice %select_n3A_889 {offsets = [0, 0], sizes = [64, 256], strides = [1, 1]} : vector<64x512xf32> to vector<64x256xf32>
    %slice3A_901 = vector.extract_strided_slice %select_n3A_889 {offsets = [0, 256], sizes = [64, 256], strides = [1, 1]} : vector<64x512xf32> to vector<64x256xf32>
    %add3A_902 = arith.addf %slice3A_900, %slice3A_901 : vector<64x256xf32>
    %slice3A_903 = vector.extract_strided_slice %add3A_902 {offsets = [0, 0], sizes = [64, 128], strides = [1, 1]} : vector<64x256xf32> to vector<64x128xf32>
    %slice3A_904 = vector.extract_strided_slice %add3A_902 {offsets = [0, 128], sizes = [64, 128], strides = [1, 1]} : vector<64x256xf32> to vector<64x128xf32>
    %add3A_905 = arith.addf %slice3A_903, %slice3A_904 : vector<64x128xf32>
    %slice3A_906 = vector.extract_strided_slice %add3A_905 {offsets = [0, 0], sizes = [32, 128], strides = [1, 1]} : vector<64x128xf32> to vector<32x128xf32>
    %slice3A_907 = vector.extract_strided_slice %add3A_905 {offsets = [32, 0], sizes = [32, 128], strides = [1, 1]} : vector<64x128xf32> to vector<32x128xf32>
    %add3A_908 = arith.addf %slice3A_906, %slice3A_907 : vector<32x128xf32>
    %slice3A_909 = vector.extract_strided_slice %add3A_908 {offsets = [0, 0], sizes = [16, 128], strides = [1, 1]} : vector<32x128xf32> to vector<16x128xf32>
    %slice3A_910 = vector.extract_strided_slice %add3A_908 {offsets = [16, 0], sizes = [16, 128], strides = [1, 1]} : vector<32x128xf32> to vector<16x128xf32>
    %add3A_911 = arith.addf %slice3A_909, %slice3A_910 : vector<16x128xf32>
    %slice3A_912 = vector.extract_strided_slice %add3A_911 {offsets = [0, 0], sizes = [8, 128], strides = [1, 1]} : vector<16x128xf32> to vector<8x128xf32>
    %slice3A_913 = vector.extract_strided_slice %add3A_911 {offsets = [8, 0], sizes = [8, 128], strides = [1, 1]} : vector<16x128xf32> to vector<8x128xf32>
    %add3A_914 = arith.addf %slice3A_912, %slice3A_913 : vector<8x128xf32>
    %add3A_915 = arith.addf %get3A_899, %add3A_914 : vector<8x128xf32>
    %swap3A_916 = arith.constant 64 : index
    %swap3A_917 = arith.constant 0 : index
    %swap3A_918 = vector.load %arg4[%swap3A_916, %swap3A_917] : memref<456x128xf32, #tpu.memory_space<vmem>>, vector<8x128xf32>
    tpu.vector_store %arg4[%swap3A_916, %swap3A_917], %add3A_915 {strides = array<i32>} : memref<456x128xf32, #tpu.memory_space<vmem>>, vector<8x128xf32>,
    %get3A_919 = arith.constant 216 : index
    %get3A_920 = arith.constant 0 : index
    %get3A_921 = vector.load %arg4[%get3A_919, %get3A_920] : memref<456x128xf32, #tpu.memory_space<vmem>>, vector<8x128xf32>
    %slice3A_922 = vector.extract_strided_slice %select_n3A_892 {offsets = [0, 0], sizes = [64, 256], strides = [1, 1]} : vector<64x512xf32> to vector<64x256xf32>
    %slice3A_923 = vector.extract_strided_slice %select_n3A_892 {offsets = [0, 256], sizes = [64, 256], strides = [1, 1]} : vector<64x512xf32> to vector<64x256xf32>
    %add3A_924 = arith.addf %slice3A_922, %slice3A_923 : vector<64x256xf32>
    %slice3A_925 = vector.extract_strided_slice %add3A_924 {offsets = [0, 0], sizes = [64, 128], strides = [1, 1]} : vector<64x256xf32> to vector<64x128xf32>
    %slice3A_926 = vector.extract_strided_slice %add3A_924 {offsets = [0, 128], sizes = [64, 128], strides = [1, 1]} : vector<64x256xf32> to vector<64x128xf32>
    %add3A_927 = arith.addf %slice3A_925, %slice3A_926 : vector<64x128xf32>
    %slice3A_928 = vector.extract_strided_slice %add3A_927 {offsets = [0, 0], sizes = [32, 128], strides = [1, 1]} : vector<64x128xf32> to vector<32x128xf32>
    %slice3A_929 = vector.extract_strided_slice %add3A_927 {offsets = [32, 0], sizes = [32, 128], strides = [1, 1]} : vector<64x128xf32> to vector<32x128xf32>
    %add3A_930 = arith.addf %slice3A_928, %slice3A_929 : vector<32x128xf32>
    %slice3A_931 = vector.extract_strided_slice %add3A_930 {offsets = [0, 0], sizes = [16, 128], strides = [1, 1]} : vector<32x128xf32> to vector<16x128xf32>
    %slice3A_932 = vector.extract_strided_slice %add3A_930 {offsets = [16, 0], sizes = [16, 128], strides = [1, 1]} : vector<32x128xf32> to vector<16x128xf32>
    %add3A_933 = arith.addf %slice3A_931, %slice3A_932 : vector<16x128xf32>
    %slice3A_934 = vector.extract_strided_slice %add3A_933 {offsets = [0, 0], sizes = [8, 128], strides = [1, 1]} : vector<16x128xf32> to vector<8x128xf32>
    %slice3A_935 = vector.extract_strided_slice %add3A_933 {offsets = [8, 0], sizes = [8, 128], strides = [1, 1]} : vector<16x128xf32> to vector<8x128xf32>
    %add3A_936 = arith.addf %slice3A_934, %slice3A_935 : vector<8x128xf32>
    %add3A_937 = arith.addf %get3A_921, %add3A_936 : vector<8x128xf32>
    %swap3A_938 = arith.constant 216 : index
    %swap3A_939 = arith.constant 0 : index
    %swap3A_940 = vector.load %arg4[%swap3A_938, %swap3A_939] : memref<456x128xf32, #tpu.memory_space<vmem>>, vector<8x128xf32>
    tpu.vector_store %arg4[%swap3A_938, %swap3A_939], %add3A_937 {strides = array<i32>} : memref<456x128xf32, #tpu.memory_space<vmem>>, vector<8x128xf32>,
    %get3A_941 = arith.constant 368 : index
    %get3A_942 = arith.constant 0 : index
    %get3A_943 = vector.load %arg4[%get3A_941, %get3A_942] : memref<456x128xf32, #tpu.memory_space<vmem>>, vector<8x128xf32>
    %slice3A_944 = vector.extract_strided_slice %select_n3A_896 {offsets = [0, 0], sizes = [64, 256], strides = [1, 1]} : vector<64x512xf32> to vector<64x256xf32>
    %slice3A_945 = vector.extract_strided_slice %select_n3A_896 {offsets = [0, 256], sizes = [64, 256], strides = [1, 1]} : vector<64x512xf32> to vector<64x256xf32>
    %add3A_946 = arith.addf %slice3A_944, %slice3A_945 : vector<64x256xf32>
    %slice3A_947 = vector.extract_strided_slice %add3A_946 {offsets = [0, 0], sizes = [64, 128], strides = [1, 1]} : vector<64x256xf32> to vector<64x128xf32>
    %slice3A_948 = vector.extract_strided_slice %add3A_946 {offsets = [0, 128], sizes = [64, 128], strides = [1, 1]} : vector<64x256xf32> to vector<64x128xf32>
    %add3A_949 = arith.addf %slice3A_947, %slice3A_948 : vector<64x128xf32>
    %slice3A_950 = vector.extract_strided_slice %add3A_949 {offsets = [0, 0], sizes = [32, 128], strides = [1, 1]} : vector<64x128xf32> to vector<32x128xf32>
    %slice3A_951 = vector.extract_strided_slice %add3A_949 {offsets = [32, 0], sizes = [32, 128], strides = [1, 1]} : vector<64x128xf32> to vector<32x128xf32>
    %add3A_952 = arith.addf %slice3A_950, %slice3A_951 : vector<32x128xf32>
    %slice3A_953 = vector.extract_strided_slice %add3A_952 {offsets = [0, 0], sizes = [16, 128], strides = [1, 1]} : vector<32x128xf32> to vector<16x128xf32>
    %slice3A_954 = vector.extract_strided_slice %add3A_952 {offsets = [16, 0], sizes = [16, 128], strides = [1, 1]} : vector<32x128xf32> to vector<16x128xf32>
    %add3A_955 = arith.addf %slice3A_953, %slice3A_954 : vector<16x128xf32>
    %slice3A_956 = vector.extract_strided_slice %add3A_955 {offsets = [0, 0], sizes = [8, 128], strides = [1, 1]} : vector<16x128xf32> to vector<8x128xf32>
    %slice3A_957 = vector.extract_strided_slice %add3A_955 {offsets = [8, 0], sizes = [8, 128], strides = [1, 1]} : vector<16x128xf32> to vector<8x128xf32>
    %add3A_958 = arith.addf %slice3A_956, %slice3A_957 : vector<8x128xf32>
    %add3A_959 = arith.addf %get3A_943, %add3A_958 : vector<8x128xf32>
    %swap3A_960 = arith.constant 368 : index
    %swap3A_961 = arith.constant 0 : index
    %swap3A_962 = vector.load %arg4[%swap3A_960, %swap3A_961] : memref<456x128xf32, #tpu.memory_space<vmem>>, vector<8x128xf32>
    tpu.vector_store %arg4[%swap3A_960, %swap3A_961], %add3A_959 {strides = array<i32>} : memref<456x128xf32, #tpu.memory_space<vmem>>, vector<8x128xf32>,
    %eq3A_963 = arith.constant 9 : i32
    %eq3A_964 = vector.broadcast %eq3A_963 : i32 to vector<64x512xi32>
    %eq3A_965 = arith.cmpi eq, %get3A_11, %eq3A_964 : vector<64x512xi32>
    %jit3A_966 = arith.constant 1.000000e+00 : f32
    %jit3A_967 = arith.constant 0.000000e+00 : f32
    %broadcast_in_dim3A_968 = vector.broadcast %jit3A_966 : f32 to vector<64x512xf32>
    %broadcast_in_dim3A_969 = vector.broadcast %jit3A_967 : f32 to vector<64x512xf32>
    %select_n3A_970 = arith.select %eq3A_965, %broadcast_in_dim3A_968, %broadcast_in_dim3A_969 : vector<64x512xi1>, vector<64x512xf32>
    %jit3A_971 = arith.constant 0.000000e+00 : f32
    %broadcast_in_dim3A_972 = vector.broadcast %jit3A_971 : f32 to vector<64x512xf32>
    %select_n3A_973 = arith.select %eq3A_965, %convert_element_type3A_198, %broadcast_in_dim3A_972 : vector<64x512xi1>, vector<64x512xf32>
    %sub3A_974 = arith.subf %log3A, %squeeze3A_29 : vector<64x512xf32>
    %jit3A_975 = arith.constant 0.000000e+00 : f32
    %broadcast_in_dim3A_976 = vector.broadcast %jit3A_975 : f32 to vector<64x512xf32>
    %select_n3A_977 = arith.select %eq3A_965, %sub3A_974, %broadcast_in_dim3A_976 : vector<64x512xi1>, vector<64x512xf32>
    %get3A_978 = arith.constant 72 : index
    %get3A_979 = arith.constant 0 : index
    %get3A_980 = vector.load %arg4[%get3A_978, %get3A_979] : memref<456x128xf32, #tpu.memory_space<vmem>>, vector<8x128xf32>
    %slice3A_981 = vector.extract_strided_slice %select_n3A_970 {offsets = [0, 0], sizes = [64, 256], strides = [1, 1]} : vector<64x512xf32> to vector<64x256xf32>
    %slice3A_982 = vector.extract_strided_slice %select_n3A_970 {offsets = [0, 256], sizes = [64, 256], strides = [1, 1]} : vector<64x512xf32> to vector<64x256xf32>
    %add3A_983 = arith.addf %slice3A_981, %slice3A_982 : vector<64x256xf32>
    %slice3A_984 = vector.extract_strided_slice %add3A_983 {offsets = [0, 0], sizes = [64, 128], strides = [1, 1]} : vector<64x256xf32> to vector<64x128xf32>
    %slice3A_985 = vector.extract_strided_slice %add3A_983 {offsets = [0, 128], sizes = [64, 128], strides = [1, 1]} : vector<64x256xf32> to vector<64x128xf32>
    %add3A_986 = arith.addf %slice3A_984, %slice3A_985 : vector<64x128xf32>
    %slice3A_987 = vector.extract_strided_slice %add3A_986 {offsets = [0, 0], sizes = [32, 128], strides = [1, 1]} : vector<64x128xf32> to vector<32x128xf32>
    %slice3A_988 = vector.extract_strided_slice %add3A_986 {offsets = [32, 0], sizes = [32, 128], strides = [1, 1]} : vector<64x128xf32> to vector<32x128xf32>
    %add3A_989 = arith.addf %slice3A_987, %slice3A_988 : vector<32x128xf32>
    %slice3A_990 = vector.extract_strided_slice %add3A_989 {offsets = [0, 0], sizes = [16, 128], strides = [1, 1]} : vector<32x128xf32> to vector<16x128xf32>
    %slice3A_991 = vector.extract_strided_slice %add3A_989 {offsets = [16, 0], sizes = [16, 128], strides = [1, 1]} : vector<32x128xf32> to vector<16x128xf32>
    %add3A_992 = arith.addf %slice3A_990, %slice3A_991 : vector<16x128xf32>
    %slice3A_993 = vector.extract_strided_slice %add3A_992 {offsets = [0, 0], sizes = [8, 128], strides = [1, 1]} : vector<16x128xf32> to vector<8x128xf32>
    %slice3A_994 = vector.extract_strided_slice %add3A_992 {offsets = [8, 0], sizes = [8, 128], strides = [1, 1]} : vector<16x128xf32> to vector<8x128xf32>
    %add3A_995 = arith.addf %slice3A_993, %slice3A_994 : vector<8x128xf32>
    %add3A_996 = arith.addf %get3A_980, %add3A_995 : vector<8x128xf32>
    %swap3A_997 = arith.constant 72 : index
    %swap3A_998 = arith.constant 0 : index
    %swap3A_999 = vector.load %arg4[%swap3A_997, %swap3A_998] : memref<456x128xf32, #tpu.memory_space<vmem>>, vector<8x128xf32>
    tpu.vector_store %arg4[%swap3A_997, %swap3A_998], %add3A_996 {strides = array<i32>} : memref<456x128xf32, #tpu.memory_space<vmem>>, vector<8x128xf32>,
    %get3A_1000 = arith.constant 224 : index
    %get3A_1001 = arith.constant 0 : index
    %get3A_1002 = vector.load %arg4[%get3A_1000, %get3A_1001] : memref<456x128xf32, #tpu.memory_space<vmem>>, vector<8x128xf32>
    %slice3A_1003 = vector.extract_strided_slice %select_n3A_973 {offsets = [0, 0], sizes = [64, 256], strides = [1, 1]} : vector<64x512xf32> to vector<64x256xf32>
    %slice3A_1004 = vector.extract_strided_slice %select_n3A_973 {offsets = [0, 256], sizes = [64, 256], strides = [1, 1]} : vector<64x512xf32> to vector<64x256xf32>
    %add3A_1005 = arith.addf %slice3A_1003, %slice3A_1004 : vector<64x256xf32>
    %slice3A_1006 = vector.extract_strided_slice %add3A_1005 {offsets = [0, 0], sizes = [64, 128], strides = [1, 1]} : vector<64x256xf32> to vector<64x128xf32>
    %slice3A_1007 = vector.extract_strided_slice %add3A_1005 {offsets = [0, 128], sizes = [64, 128], strides = [1, 1]} : vector<64x256xf32> to vector<64x128xf32>
    %add3A_1008 = arith.addf %slice3A_1006, %slice3A_1007 : vector<64x128xf32>
    %slice3A_1009 = vector.extract_strided_slice %add3A_1008 {offsets = [0, 0], sizes = [32, 128], strides = [1, 1]} : vector<64x128xf32> to vector<32x128xf32>
    %slice3A_1010 = vector.extract_strided_slice %add3A_1008 {offsets = [32, 0], sizes = [32, 128], strides = [1, 1]} : vector<64x128xf32> to vector<32x128xf32>
    %add3A_1011 = arith.addf %slice3A_1009, %slice3A_1010 : vector<32x128xf32>
    %slice3A_1012 = vector.extract_strided_slice %add3A_1011 {offsets = [0, 0], sizes = [16, 128], strides = [1, 1]} : vector<32x128xf32> to vector<16x128xf32>
    %slice3A_1013 = vector.extract_strided_slice %add3A_1011 {offsets = [16, 0], sizes = [16, 128], strides = [1, 1]} : vector<32x128xf32> to vector<16x128xf32>
    %add3A_1014 = arith.addf %slice3A_1012, %slice3A_1013 : vector<16x128xf32>
    %slice3A_1015 = vector.extract_strided_slice %add3A_1014 {offsets = [0, 0], sizes = [8, 128], strides = [1, 1]} : vector<16x128xf32> to vector<8x128xf32>
    %slice3A_1016 = vector.extract_strided_slice %add3A_1014 {offsets = [8, 0], sizes = [8, 128], strides = [1, 1]} : vector<16x128xf32> to vector<8x128xf32>
    %add3A_1017 = arith.addf %slice3A_1015, %slice3A_1016 : vector<8x128xf32>
    %add3A_1018 = arith.addf %get3A_1002, %add3A_1017 : vector<8x128xf32>
    %swap3A_1019 = arith.constant 224 : index
    %swap3A_1020 = arith.constant 0 : index
    %swap3A_1021 = vector.load %arg4[%swap3A_1019, %swap3A_1020] : memref<456x128xf32, #tpu.memory_space<vmem>>, vector<8x128xf32>
    tpu.vector_store %arg4[%swap3A_1019, %swap3A_1020], %add3A_1018 {strides = array<i32>} : memref<456x128xf32, #tpu.memory_space<vmem>>, vector<8x128xf32>,
    %get3A_1022 = arith.constant 376 : index
    %get3A_1023 = arith.constant 0 : index
    %get3A_1024 = vector.load %arg4[%get3A_1022, %get3A_1023] : memref<456x128xf32, #tpu.memory_space<vmem>>, vector<8x128xf32>
    %slice3A_1025 = vector.extract_strided_slice %select_n3A_977 {offsets = [0, 0], sizes = [64, 256], strides = [1, 1]} : vector<64x512xf32> to vector<64x256xf32>
    %slice3A_1026 = vector.extract_strided_slice %select_n3A_977 {offsets = [0, 256], sizes = [64, 256], strides = [1, 1]} : vector<64x512xf32> to vector<64x256xf32>
    %add3A_1027 = arith.addf %slice3A_1025, %slice3A_1026 : vector<64x256xf32>
    %slice3A_1028 = vector.extract_strided_slice %add3A_1027 {offsets = [0, 0], sizes = [64, 128], strides = [1, 1]} : vector<64x256xf32> to vector<64x128xf32>
    %slice3A_1029 = vector.extract_strided_slice %add3A_1027 {offsets = [0, 128], sizes = [64, 128], strides = [1, 1]} : vector<64x256xf32> to vector<64x128xf32>
    %add3A_1030 = arith.addf %slice3A_1028, %slice3A_1029 : vector<64x128xf32>
    %slice3A_1031 = vector.extract_strided_slice %add3A_1030 {offsets = [0, 0], sizes = [32, 128], strides = [1, 1]} : vector<64x128xf32> to vector<32x128xf32>
    %slice3A_1032 = vector.extract_strided_slice %add3A_1030 {offsets = [32, 0], sizes = [32, 128], strides = [1, 1]} : vector<64x128xf32> to vector<32x128xf32>
    %add3A_1033 = arith.addf %slice3A_1031, %slice3A_1032 : vector<32x128xf32>
    %slice3A_1034 = vector.extract_strided_slice %add3A_1033 {offsets = [0, 0], sizes = [16, 128], strides = [1, 1]} : vector<32x128xf32> to vector<16x128xf32>
    %slice3A_1035 = vector.extract_strided_slice %add3A_1033 {offsets = [16, 0], sizes = [16, 128], strides = [1, 1]} : vector<32x128xf32> to vector<16x128xf32>
    %add3A_1036 = arith.addf %slice3A_1034, %slice3A_1035 : vector<16x128xf32>
    %slice3A_1037 = vector.extract_strided_slice %add3A_1036 {offsets = [0, 0], sizes = [8, 128], strides = [1, 1]} : vector<16x128xf32> to vector<8x128xf32>
    %slice3A_1038 = vector.extract_strided_slice %add3A_1036 {offsets = [8, 0], sizes = [8, 128], strides = [1, 1]} : vector<16x128xf32> to vector<8x128xf32>
    %add3A_1039 = arith.addf %slice3A_1037, %slice3A_1038 : vector<8x128xf32>
    %add3A_1040 = arith.addf %get3A_1024, %add3A_1039 : vector<8x128xf32>
    %swap3A_1041 = arith.constant 376 : index
    %swap3A_1042 = arith.constant 0 : index
    %swap3A_1043 = vector.load %arg4[%swap3A_1041, %swap3A_1042] : memref<456x128xf32, #tpu.memory_space<vmem>>, vector<8x128xf32>
    tpu.vector_store %arg4[%swap3A_1041, %swap3A_1042], %add3A_1040 {strides = array<i32>} : memref<456x128xf32, #tpu.memory_space<vmem>>, vector<8x128xf32>,
    %eq3A_1044 = arith.constant 10 : i32
    %eq3A_1045 = vector.broadcast %eq3A_1044 : i32 to vector<64x512xi32>
    %eq3A_1046 = arith.cmpi eq, %get3A_11, %eq3A_1045 : vector<64x512xi32>
    %jit3A_1047 = arith.constant 1.000000e+00 : f32
    %jit3A_1048 = arith.constant 0.000000e+00 : f32
    %broadcast_in_dim3A_1049 = vector.broadcast %jit3A_1047 : f32 to vector<64x512xf32>
    %broadcast_in_dim3A_1050 = vector.broadcast %jit3A_1048 : f32 to vector<64x512xf32>
    %select_n3A_1051 = arith.select %eq3A_1046, %broadcast_in_dim3A_1049, %broadcast_in_dim3A_1050 : vector<64x512xi1>, vector<64x512xf32>
    %jit3A_1052 = arith.constant 0.000000e+00 : f32
    %broadcast_in_dim3A_1053 = vector.broadcast %jit3A_1052 : f32 to vector<64x512xf32>
    %select_n3A_1054 = arith.select %eq3A_1046, %convert_element_type3A_198, %broadcast_in_dim3A_1053 : vector<64x512xi1>, vector<64x512xf32>
    %sub3A_1055 = arith.subf %log3A, %squeeze3A_31 : vector<64x512xf32>
    %jit3A_1056 = arith.constant 0.000000e+00 : f32
    %broadcast_in_dim3A_1057 = vector.broadcast %jit3A_1056 : f32 to vector<64x512xf32>
    %select_n3A_1058 = arith.select %eq3A_1046, %sub3A_1055, %broadcast_in_dim3A_1057 : vector<64x512xi1>, vector<64x512xf32>
    %get3A_1059 = arith.constant 80 : index
    %get3A_1060 = arith.constant 0 : index
    %get3A_1061 = vector.load %arg4[%get3A_1059, %get3A_1060] : memref<456x128xf32, #tpu.memory_space<vmem>>, vector<8x128xf32>
    %slice3A_1062 = vector.extract_strided_slice %select_n3A_1051 {offsets = [0, 0], sizes = [64, 256], strides = [1, 1]} : vector<64x512xf32> to vector<64x256xf32>
    %slice3A_1063 = vector.extract_strided_slice %select_n3A_1051 {offsets = [0, 256], sizes = [64, 256], strides = [1, 1]} : vector<64x512xf32> to vector<64x256xf32>
    %add3A_1064 = arith.addf %slice3A_1062, %slice3A_1063 : vector<64x256xf32>
    %slice3A_1065 = vector.extract_strided_slice %add3A_1064 {offsets = [0, 0], sizes = [64, 128], strides = [1, 1]} : vector<64x256xf32> to vector<64x128xf32>
    %slice3A_1066 = vector.extract_strided_slice %add3A_1064 {offsets = [0, 128], sizes = [64, 128], strides = [1, 1]} : vector<64x256xf32> to vector<64x128xf32>
    %add3A_1067 = arith.addf %slice3A_1065, %slice3A_1066 : vector<64x128xf32>
    %slice3A_1068 = vector.extract_strided_slice %add3A_1067 {offsets = [0, 0], sizes = [32, 128], strides = [1, 1]} : vector<64x128xf32> to vector<32x128xf32>
    %slice3A_1069 = vector.extract_strided_slice %add3A_1067 {offsets = [32, 0], sizes = [32, 128], strides = [1, 1]} : vector<64x128xf32> to vector<32x128xf32>
    %add3A_1070 = arith.addf %slice3A_1068, %slice3A_1069 : vector<32x128xf32>
    %slice3A_1071 = vector.extract_strided_slice %add3A_1070 {offsets = [0, 0], sizes = [16, 128], strides = [1, 1]} : vector<32x128xf32> to vector<16x128xf32>
    %slice3A_1072 = vector.extract_strided_slice %add3A_1070 {offsets = [16, 0], sizes = [16, 128], strides = [1, 1]} : vector<32x128xf32> to vector<16x128xf32>
    %add3A_1073 = arith.addf %slice3A_1071, %slice3A_1072 : vector<16x128xf32>
    %slice3A_1074 = vector.extract_strided_slice %add3A_1073 {offsets = [0, 0], sizes = [8, 128], strides = [1, 1]} : vector<16x128xf32> to vector<8x128xf32>
    %slice3A_1075 = vector.extract_strided_slice %add3A_1073 {offsets = [8, 0], sizes = [8, 128], strides = [1, 1]} : vector<16x128xf32> to vector<8x128xf32>
    %add3A_1076 = arith.addf %slice3A_1074, %slice3A_1075 : vector<8x128xf32>
    %add3A_1077 = arith.addf %get3A_1061, %add3A_1076 : vector<8x128xf32>
    %swap3A_1078 = arith.constant 80 : index
    %swap3A_1079 = arith.constant 0 : index
    %swap3A_1080 = vector.load %arg4[%swap3A_1078, %swap3A_1079] : memref<456x128xf32, #tpu.memory_space<vmem>>, vector<8x128xf32>
    tpu.vector_store %arg4[%swap3A_1078, %swap3A_1079], %add3A_1077 {strides = array<i32>} : memref<456x128xf32, #tpu.memory_space<vmem>>, vector<8x128xf32>,
    %get3A_1081 = arith.constant 232 : index
    %get3A_1082 = arith.constant 0 : index
    %get3A_1083 = vector.load %arg4[%get3A_1081, %get3A_1082] : memref<456x128xf32, #tpu.memory_space<vmem>>, vector<8x128xf32>
    %slice3A_1084 = vector.extract_strided_slice %select_n3A_1054 {offsets = [0, 0], sizes = [64, 256], strides = [1, 1]} : vector<64x512xf32> to vector<64x256xf32>
    %slice3A_1085 = vector.extract_strided_slice %select_n3A_1054 {offsets = [0, 256], sizes = [64, 256], strides = [1, 1]} : vector<64x512xf32> to vector<64x256xf32>
    %add3A_1086 = arith.addf %slice3A_1084, %slice3A_1085 : vector<64x256xf32>
    %slice3A_1087 = vector.extract_strided_slice %add3A_1086 {offsets = [0, 0], sizes = [64, 128], strides = [1, 1]} : vector<64x256xf32> to vector<64x128xf32>
    %slice3A_1088 = vector.extract_strided_slice %add3A_1086 {offsets = [0, 128], sizes = [64, 128], strides = [1, 1]} : vector<64x256xf32> to vector<64x128xf32>
    %add3A_1089 = arith.addf %slice3A_1087, %slice3A_1088 : vector<64x128xf32>
    %slice3A_1090 = vector.extract_strided_slice %add3A_1089 {offsets = [0, 0], sizes = [32, 128], strides = [1, 1]} : vector<64x128xf32> to vector<32x128xf32>
    %slice3A_1091 = vector.extract_strided_slice %add3A_1089 {offsets = [32, 0], sizes = [32, 128], strides = [1, 1]} : vector<64x128xf32> to vector<32x128xf32>
    %add3A_1092 = arith.addf %slice3A_1090, %slice3A_1091 : vector<32x128xf32>
    %slice3A_1093 = vector.extract_strided_slice %add3A_1092 {offsets = [0, 0], sizes = [16, 128], strides = [1, 1]} : vector<32x128xf32> to vector<16x128xf32>
    %slice3A_1094 = vector.extract_strided_slice %add3A_1092 {offsets = [16, 0], sizes = [16, 128], strides = [1, 1]} : vector<32x128xf32> to vector<16x128xf32>
    %add3A_1095 = arith.addf %slice3A_1093, %slice3A_1094 : vector<16x128xf32>
    %slice3A_1096 = vector.extract_strided_slice %add3A_1095 {offsets = [0, 0], sizes = [8, 128], strides = [1, 1]} : vector<16x128xf32> to vector<8x128xf32>
    %slice3A_1097 = vector.extract_strided_slice %add3A_1095 {offsets = [8, 0], sizes = [8, 128], strides = [1, 1]} : vector<16x128xf32> to vector<8x128xf32>
    %add3A_1098 = arith.addf %slice3A_1096, %slice3A_1097 : vector<8x128xf32>
    %add3A_1099 = arith.addf %get3A_1083, %add3A_1098 : vector<8x128xf32>
    %swap3A_1100 = arith.constant 232 : index
    %swap3A_1101 = arith.constant 0 : index
    %swap3A_1102 = vector.load %arg4[%swap3A_1100, %swap3A_1101] : memref<456x128xf32, #tpu.memory_space<vmem>>, vector<8x128xf32>
    tpu.vector_store %arg4[%swap3A_1100, %swap3A_1101], %add3A_1099 {strides = array<i32>} : memref<456x128xf32, #tpu.memory_space<vmem>>, vector<8x128xf32>,
    %get3A_1103 = arith.constant 384 : index
    %get3A_1104 = arith.constant 0 : index
    %get3A_1105 = vector.load %arg4[%get3A_1103, %get3A_1104] : memref<456x128xf32, #tpu.memory_space<vmem>>, vector<8x128xf32>
    %slice3A_1106 = vector.extract_strided_slice %select_n3A_1058 {offsets = [0, 0], sizes = [64, 256], strides = [1, 1]} : vector<64x512xf32> to vector<64x256xf32>
    %slice3A_1107 = vector.extract_strided_slice %select_n3A_1058 {offsets = [0, 256], sizes = [64, 256], strides = [1, 1]} : vector<64x512xf32> to vector<64x256xf32>
    %add3A_1108 = arith.addf %slice3A_1106, %slice3A_1107 : vector<64x256xf32>
    %slice3A_1109 = vector.extract_strided_slice %add3A_1108 {offsets = [0, 0], sizes = [64, 128], strides = [1, 1]} : vector<64x256xf32> to vector<64x128xf32>
    %slice3A_1110 = vector.extract_strided_slice %add3A_1108 {offsets = [0, 128], sizes = [64, 128], strides = [1, 1]} : vector<64x256xf32> to vector<64x128xf32>
    %add3A_1111 = arith.addf %slice3A_1109, %slice3A_1110 : vector<64x128xf32>
    %slice3A_1112 = vector.extract_strided_slice %add3A_1111 {offsets = [0, 0], sizes = [32, 128], strides = [1, 1]} : vector<64x128xf32> to vector<32x128xf32>
    %slice3A_1113 = vector.extract_strided_slice %add3A_1111 {offsets = [32, 0], sizes = [32, 128], strides = [1, 1]} : vector<64x128xf32> to vector<32x128xf32>
    %add3A_1114 = arith.addf %slice3A_1112, %slice3A_1113 : vector<32x128xf32>
    %slice3A_1115 = vector.extract_strided_slice %add3A_1114 {offsets = [0, 0], sizes = [16, 128], strides = [1, 1]} : vector<32x128xf32> to vector<16x128xf32>
    %slice3A_1116 = vector.extract_strided_slice %add3A_1114 {offsets = [16, 0], sizes = [16, 128], strides = [1, 1]} : vector<32x128xf32> to vector<16x128xf32>
    %add3A_1117 = arith.addf %slice3A_1115, %slice3A_1116 : vector<16x128xf32>
    %slice3A_1118 = vector.extract_strided_slice %add3A_1117 {offsets = [0, 0], sizes = [8, 128], strides = [1, 1]} : vector<16x128xf32> to vector<8x128xf32>
    %slice3A_1119 = vector.extract_strided_slice %add3A_1117 {offsets = [8, 0], sizes = [8, 128], strides = [1, 1]} : vector<16x128xf32> to vector<8x128xf32>
    %add3A_1120 = arith.addf %slice3A_1118, %slice3A_1119 : vector<8x128xf32>
    %add3A_1121 = arith.addf %get3A_1105, %add3A_1120 : vector<8x128xf32>
    %swap3A_1122 = arith.constant 384 : index
    %swap3A_1123 = arith.constant 0 : index
    %swap3A_1124 = vector.load %arg4[%swap3A_1122, %swap3A_1123] : memref<456x128xf32, #tpu.memory_space<vmem>>, vector<8x128xf32>
    tpu.vector_store %arg4[%swap3A_1122, %swap3A_1123], %add3A_1121 {strides = array<i32>} : memref<456x128xf32, #tpu.memory_space<vmem>>, vector<8x128xf32>,
    %eq3A_1125 = arith.constant 11 : i32
    %eq3A_1126 = vector.broadcast %eq3A_1125 : i32 to vector<64x512xi32>
    %eq3A_1127 = arith.cmpi eq, %get3A_11, %eq3A_1126 : vector<64x512xi32>
    %jit3A_1128 = arith.constant 1.000000e+00 : f32
    %jit3A_1129 = arith.constant 0.000000e+00 : f32
    %broadcast_in_dim3A_1130 = vector.broadcast %jit3A_1128 : f32 to vector<64x512xf32>
    %broadcast_in_dim3A_1131 = vector.broadcast %jit3A_1129 : f32 to vector<64x512xf32>
    %select_n3A_1132 = arith.select %eq3A_1127, %broadcast_in_dim3A_1130, %broadcast_in_dim3A_1131 : vector<64x512xi1>, vector<64x512xf32>
    %jit3A_1133 = arith.constant 0.000000e+00 : f32
    %broadcast_in_dim3A_1134 = vector.broadcast %jit3A_1133 : f32 to vector<64x512xf32>
    %select_n3A_1135 = arith.select %eq3A_1127, %convert_element_type3A_198, %broadcast_in_dim3A_1134 : vector<64x512xi1>, vector<64x512xf32>
    %sub3A_1136 = arith.subf %log3A, %squeeze3A_33 : vector<64x512xf32>
    %jit3A_1137 = arith.constant 0.000000e+00 : f32
    %broadcast_in_dim3A_1138 = vector.broadcast %jit3A_1137 : f32 to vector<64x512xf32>
    %select_n3A_1139 = arith.select %eq3A_1127, %sub3A_1136, %broadcast_in_dim3A_1138 : vector<64x512xi1>, vector<64x512xf32>
    %get3A_1140 = arith.constant 88 : index
    %get3A_1141 = arith.constant 0 : index
    %get3A_1142 = vector.load %arg4[%get3A_1140, %get3A_1141] : memref<456x128xf32, #tpu.memory_space<vmem>>, vector<8x128xf32>
    %slice3A_1143 = vector.extract_strided_slice %select_n3A_1132 {offsets = [0, 0], sizes = [64, 256], strides = [1, 1]} : vector<64x512xf32> to vector<64x256xf32>
    %slice3A_1144 = vector.extract_strided_slice %select_n3A_1132 {offsets = [0, 256], sizes = [64, 256], strides = [1, 1]} : vector<64x512xf32> to vector<64x256xf32>
    %add3A_1145 = arith.addf %slice3A_1143, %slice3A_1144 : vector<64x256xf32>
    %slice3A_1146 = vector.extract_strided_slice %add3A_1145 {offsets = [0, 0], sizes = [64, 128], strides = [1, 1]} : vector<64x256xf32> to vector<64x128xf32>
    %slice3A_1147 = vector.extract_strided_slice %add3A_1145 {offsets = [0, 128], sizes = [64, 128], strides = [1, 1]} : vector<64x256xf32> to vector<64x128xf32>
    %add3A_1148 = arith.addf %slice3A_1146, %slice3A_1147 : vector<64x128xf32>
    %slice3A_1149 = vector.extract_strided_slice %add3A_1148 {offsets = [0, 0], sizes = [32, 128], strides = [1, 1]} : vector<64x128xf32> to vector<32x128xf32>
    %slice3A_1150 = vector.extract_strided_slice %add3A_1148 {offsets = [32, 0], sizes = [32, 128], strides = [1, 1]} : vector<64x128xf32> to vector<32x128xf32>
    %add3A_1151 = arith.addf %slice3A_1149, %slice3A_1150 : vector<32x128xf32>
    %slice3A_1152 = vector.extract_strided_slice %add3A_1151 {offsets = [0, 0], sizes = [16, 128], strides = [1, 1]} : vector<32x128xf32> to vector<16x128xf32>
    %slice3A_1153 = vector.extract_strided_slice %add3A_1151 {offsets = [16, 0], sizes = [16, 128], strides = [1, 1]} : vector<32x128xf32> to vector<16x128xf32>
    %add3A_1154 = arith.addf %slice3A_1152, %slice3A_1153 : vector<16x128xf32>
    %slice3A_1155 = vector.extract_strided_slice %add3A_1154 {offsets = [0, 0], sizes = [8, 128], strides = [1, 1]} : vector<16x128xf32> to vector<8x128xf32>
    %slice3A_1156 = vector.extract_strided_slice %add3A_1154 {offsets = [8, 0], sizes = [8, 128], strides = [1, 1]} : vector<16x128xf32> to vector<8x128xf32>
    %add3A_1157 = arith.addf %slice3A_1155, %slice3A_1156 : vector<8x128xf32>
    %add3A_1158 = arith.addf %get3A_1142, %add3A_1157 : vector<8x128xf32>
    %swap3A_1159 = arith.constant 88 : index
    %swap3A_1160 = arith.constant 0 : index
    %swap3A_1161 = vector.load %arg4[%swap3A_1159, %swap3A_1160] : memref<456x128xf32, #tpu.memory_space<vmem>>, vector<8x128xf32>
    tpu.vector_store %arg4[%swap3A_1159, %swap3A_1160], %add3A_1158 {strides = array<i32>} : memref<456x128xf32, #tpu.memory_space<vmem>>, vector<8x128xf32>,
    %get3A_1162 = arith.constant 240 : index
    %get3A_1163 = arith.constant 0 : index
    %get3A_1164 = vector.load %arg4[%get3A_1162, %get3A_1163] : memref<456x128xf32, #tpu.memory_space<vmem>>, vector<8x128xf32>
    %slice3A_1165 = vector.extract_strided_slice %select_n3A_1135 {offsets = [0, 0], sizes = [64, 256], strides = [1, 1]} : vector<64x512xf32> to vector<64x256xf32>
    %slice3A_1166 = vector.extract_strided_slice %select_n3A_1135 {offsets = [0, 256], sizes = [64, 256], strides = [1, 1]} : vector<64x512xf32> to vector<64x256xf32>
    %add3A_1167 = arith.addf %slice3A_1165, %slice3A_1166 : vector<64x256xf32>
    %slice3A_1168 = vector.extract_strided_slice %add3A_1167 {offsets = [0, 0], sizes = [64, 128], strides = [1, 1]} : vector<64x256xf32> to vector<64x128xf32>
    %slice3A_1169 = vector.extract_strided_slice %add3A_1167 {offsets = [0, 128], sizes = [64, 128], strides = [1, 1]} : vector<64x256xf32> to vector<64x128xf32>
    %add3A_1170 = arith.addf %slice3A_1168, %slice3A_1169 : vector<64x128xf32>
    %slice3A_1171 = vector.extract_strided_slice %add3A_1170 {offsets = [0, 0], sizes = [32, 128], strides = [1, 1]} : vector<64x128xf32> to vector<32x128xf32>
    %slice3A_1172 = vector.extract_strided_slice %add3A_1170 {offsets = [32, 0], sizes = [32, 128], strides = [1, 1]} : vector<64x128xf32> to vector<32x128xf32>
    %add3A_1173 = arith.addf %slice3A_1171, %slice3A_1172 : vector<32x128xf32>
    %slice3A_1174 = vector.extract_strided_slice %add3A_1173 {offsets = [0, 0], sizes = [16, 128], strides = [1, 1]} : vector<32x128xf32> to vector<16x128xf32>
    %slice3A_1175 = vector.extract_strided_slice %add3A_1173 {offsets = [16, 0], sizes = [16, 128], strides = [1, 1]} : vector<32x128xf32> to vector<16x128xf32>
    %add3A_1176 = arith.addf %slice3A_1174, %slice3A_1175 : vector<16x128xf32>
    %slice3A_1177 = vector.extract_strided_slice %add3A_1176 {offsets = [0, 0], sizes = [8, 128], strides = [1, 1]} : vector<16x128xf32> to vector<8x128xf32>
    %slice3A_1178 = vector.extract_strided_slice %add3A_1176 {offsets = [8, 0], sizes = [8, 128], strides = [1, 1]} : vector<16x128xf32> to vector<8x128xf32>
    %add3A_1179 = arith.addf %slice3A_1177, %slice3A_1178 : vector<8x128xf32>
    %add3A_1180 = arith.addf %get3A_1164, %add3A_1179 : vector<8x128xf32>
    %swap3A_1181 = arith.constant 240 : index
    %swap3A_1182 = arith.constant 0 : index
    %swap3A_1183 = vector.load %arg4[%swap3A_1181, %swap3A_1182] : memref<456x128xf32, #tpu.memory_space<vmem>>, vector<8x128xf32>
    tpu.vector_store %arg4[%swap3A_1181, %swap3A_1182], %add3A_1180 {strides = array<i32>} : memref<456x128xf32, #tpu.memory_space<vmem>>, vector<8x128xf32>,
    %get3A_1184 = arith.constant 392 : index
    %get3A_1185 = arith.constant 0 : index
    %get3A_1186 = vector.load %arg4[%get3A_1184, %get3A_1185] : memref<456x128xf32, #tpu.memory_space<vmem>>, vector<8x128xf32>
    %slice3A_1187 = vector.extract_strided_slice %select_n3A_1139 {offsets = [0, 0], sizes = [64, 256], strides = [1, 1]} : vector<64x512xf32> to vector<64x256xf32>
    %slice3A_1188 = vector.extract_strided_slice %select_n3A_1139 {offsets = [0, 256], sizes = [64, 256], strides = [1, 1]} : vector<64x512xf32> to vector<64x256xf32>
    %add3A_1189 = arith.addf %slice3A_1187, %slice3A_1188 : vector<64x256xf32>
    %slice3A_1190 = vector.extract_strided_slice %add3A_1189 {offsets = [0, 0], sizes = [64, 128], strides = [1, 1]} : vector<64x256xf32> to vector<64x128xf32>
    %slice3A_1191 = vector.extract_strided_slice %add3A_1189 {offsets = [0, 128], sizes = [64, 128], strides = [1, 1]} : vector<64x256xf32> to vector<64x128xf32>
    %add3A_1192 = arith.addf %slice3A_1190, %slice3A_1191 : vector<64x128xf32>
    %slice3A_1193 = vector.extract_strided_slice %add3A_1192 {offsets = [0, 0], sizes = [32, 128], strides = [1, 1]} : vector<64x128xf32> to vector<32x128xf32>
    %slice3A_1194 = vector.extract_strided_slice %add3A_1192 {offsets = [32, 0], sizes = [32, 128], strides = [1, 1]} : vector<64x128xf32> to vector<32x128xf32>
    %add3A_1195 = arith.addf %slice3A_1193, %slice3A_1194 : vector<32x128xf32>
    %slice3A_1196 = vector.extract_strided_slice %add3A_1195 {offsets = [0, 0], sizes = [16, 128], strides = [1, 1]} : vector<32x128xf32> to vector<16x128xf32>
    %slice3A_1197 = vector.extract_strided_slice %add3A_1195 {offsets = [16, 0], sizes = [16, 128], strides = [1, 1]} : vector<32x128xf32> to vector<16x128xf32>
    %add3A_1198 = arith.addf %slice3A_1196, %slice3A_1197 : vector<16x128xf32>
    %slice3A_1199 = vector.extract_strided_slice %add3A_1198 {offsets = [0, 0], sizes = [8, 128], strides = [1, 1]} : vector<16x128xf32> to vector<8x128xf32>
    %slice3A_1200 = vector.extract_strided_slice %add3A_1198 {offsets = [8, 0], sizes = [8, 128], strides = [1, 1]} : vector<16x128xf32> to vector<8x128xf32>
    %add3A_1201 = arith.addf %slice3A_1199, %slice3A_1200 : vector<8x128xf32>
    %add3A_1202 = arith.addf %get3A_1186, %add3A_1201 : vector<8x128xf32>
    %swap3A_1203 = arith.constant 392 : index
    %swap3A_1204 = arith.constant 0 : index
    %swap3A_1205 = vector.load %arg4[%swap3A_1203, %swap3A_1204] : memref<456x128xf32, #tpu.memory_space<vmem>>, vector<8x128xf32>
    tpu.vector_store %arg4[%swap3A_1203, %swap3A_1204], %add3A_1202 {strides = array<i32>} : memref<456x128xf32, #tpu.memory_space<vmem>>, vector<8x128xf32>,
    %eq3A_1206 = arith.constant 12 : i32
    %eq3A_1207 = vector.broadcast %eq3A_1206 : i32 to vector<64x512xi32>
    %eq3A_1208 = arith.cmpi eq, %get3A_11, %eq3A_1207 : vector<64x512xi32>
    %jit3A_1209 = arith.constant 1.000000e+00 : f32
    %jit3A_1210 = arith.constant 0.000000e+00 : f32
    %broadcast_in_dim3A_1211 = vector.broadcast %jit3A_1209 : f32 to vector<64x512xf32>
    %broadcast_in_dim3A_1212 = vector.broadcast %jit3A_1210 : f32 to vector<64x512xf32>
    %select_n3A_1213 = arith.select %eq3A_1208, %broadcast_in_dim3A_1211, %broadcast_in_dim3A_1212 : vector<64x512xi1>, vector<64x512xf32>
    %jit3A_1214 = arith.constant 0.000000e+00 : f32
    %broadcast_in_dim3A_1215 = vector.broadcast %jit3A_1214 : f32 to vector<64x512xf32>
    %select_n3A_1216 = arith.select %eq3A_1208, %convert_element_type3A_198, %broadcast_in_dim3A_1215 : vector<64x512xi1>, vector<64x512xf32>
    %sub3A_1217 = arith.subf %log3A, %squeeze3A_35 : vector<64x512xf32>
    %jit3A_1218 = arith.constant 0.000000e+00 : f32
    %broadcast_in_dim3A_1219 = vector.broadcast %jit3A_1218 : f32 to vector<64x512xf32>
    %select_n3A_1220 = arith.select %eq3A_1208, %sub3A_1217, %broadcast_in_dim3A_1219 : vector<64x512xi1>, vector<64x512xf32>
    %get3A_1221 = arith.constant 96 : index
    %get3A_1222 = arith.constant 0 : index
    %get3A_1223 = vector.load %arg4[%get3A_1221, %get3A_1222] : memref<456x128xf32, #tpu.memory_space<vmem>>, vector<8x128xf32>
    %slice3A_1224 = vector.extract_strided_slice %select_n3A_1213 {offsets = [0, 0], sizes = [64, 256], strides = [1, 1]} : vector<64x512xf32> to vector<64x256xf32>
    %slice3A_1225 = vector.extract_strided_slice %select_n3A_1213 {offsets = [0, 256], sizes = [64, 256], strides = [1, 1]} : vector<64x512xf32> to vector<64x256xf32>
    %add3A_1226 = arith.addf %slice3A_1224, %slice3A_1225 : vector<64x256xf32>
    %slice3A_1227 = vector.extract_strided_slice %add3A_1226 {offsets = [0, 0], sizes = [64, 128], strides = [1, 1]} : vector<64x256xf32> to vector<64x128xf32>
    %slice3A_1228 = vector.extract_strided_slice %add3A_1226 {offsets = [0, 128], sizes = [64, 128], strides = [1, 1]} : vector<64x256xf32> to vector<64x128xf32>
    %add3A_1229 = arith.addf %slice3A_1227, %slice3A_1228 : vector<64x128xf32>
    %slice3A_1230 = vector.extract_strided_slice %add3A_1229 {offsets = [0, 0], sizes = [32, 128], strides = [1, 1]} : vector<64x128xf32> to vector<32x128xf32>
    %slice3A_1231 = vector.extract_strided_slice %add3A_1229 {offsets = [32, 0], sizes = [32, 128], strides = [1, 1]} : vector<64x128xf32> to vector<32x128xf32>
    %add3A_1232 = arith.addf %slice3A_1230, %slice3A_1231 : vector<32x128xf32>
    %slice3A_1233 = vector.extract_strided_slice %add3A_1232 {offsets = [0, 0], sizes = [16, 128], strides = [1, 1]} : vector<32x128xf32> to vector<16x128xf32>
    %slice3A_1234 = vector.extract_strided_slice %add3A_1232 {offsets = [16, 0], sizes = [16, 128], strides = [1, 1]} : vector<32x128xf32> to vector<16x128xf32>
    %add3A_1235 = arith.addf %slice3A_1233, %slice3A_1234 : vector<16x128xf32>
    %slice3A_1236 = vector.extract_strided_slice %add3A_1235 {offsets = [0, 0], sizes = [8, 128], strides = [1, 1]} : vector<16x128xf32> to vector<8x128xf32>
    %slice3A_1237 = vector.extract_strided_slice %add3A_1235 {offsets = [8, 0], sizes = [8, 128], strides = [1, 1]} : vector<16x128xf32> to vector<8x128xf32>
    %add3A_1238 = arith.addf %slice3A_1236, %slice3A_1237 : vector<8x128xf32>
    %add3A_1239 = arith.addf %get3A_1223, %add3A_1238 : vector<8x128xf32>
    %swap3A_1240 = arith.constant 96 : index
    %swap3A_1241 = arith.constant 0 : index
    %swap3A_1242 = vector.load %arg4[%swap3A_1240, %swap3A_1241] : memref<456x128xf32, #tpu.memory_space<vmem>>, vector<8x128xf32>
    tpu.vector_store %arg4[%swap3A_1240, %swap3A_1241], %add3A_1239 {strides = array<i32>} : memref<456x128xf32, #tpu.memory_space<vmem>>, vector<8x128xf32>,
    %get3A_1243 = arith.constant 248 : index
    %get3A_1244 = arith.constant 0 : index
    %get3A_1245 = vector.load %arg4[%get3A_1243, %get3A_1244] : memref<456x128xf32, #tpu.memory_space<vmem>>, vector<8x128xf32>
    %slice3A_1246 = vector.extract_strided_slice %select_n3A_1216 {offsets = [0, 0], sizes = [64, 256], strides = [1, 1]} : vector<64x512xf32> to vector<64x256xf32>
    %slice3A_1247 = vector.extract_strided_slice %select_n3A_1216 {offsets = [0, 256], sizes = [64, 256], strides = [1, 1]} : vector<64x512xf32> to vector<64x256xf32>
    %add3A_1248 = arith.addf %slice3A_1246, %slice3A_1247 : vector<64x256xf32>
    %slice3A_1249 = vector.extract_strided_slice %add3A_1248 {offsets = [0, 0], sizes = [64, 128], strides = [1, 1]} : vector<64x256xf32> to vector<64x128xf32>
    %slice3A_1250 = vector.extract_strided_slice %add3A_1248 {offsets = [0, 128], sizes = [64, 128], strides = [1, 1]} : vector<64x256xf32> to vector<64x128xf32>
    %add3A_1251 = arith.addf %slice3A_1249, %slice3A_1250 : vector<64x128xf32>
    %slice3A_1252 = vector.extract_strided_slice %add3A_1251 {offsets = [0, 0], sizes = [32, 128], strides = [1, 1]} : vector<64x128xf32> to vector<32x128xf32>
    %slice3A_1253 = vector.extract_strided_slice %add3A_1251 {offsets = [32, 0], sizes = [32, 128], strides = [1, 1]} : vector<64x128xf32> to vector<32x128xf32>
    %add3A_1254 = arith.addf %slice3A_1252, %slice3A_1253 : vector<32x128xf32>
    %slice3A_1255 = vector.extract_strided_slice %add3A_1254 {offsets = [0, 0], sizes = [16, 128], strides = [1, 1]} : vector<32x128xf32> to vector<16x128xf32>
    %slice3A_1256 = vector.extract_strided_slice %add3A_1254 {offsets = [16, 0], sizes = [16, 128], strides = [1, 1]} : vector<32x128xf32> to vector<16x128xf32>
    %add3A_1257 = arith.addf %slice3A_1255, %slice3A_1256 : vector<16x128xf32>
    %slice3A_1258 = vector.extract_strided_slice %add3A_1257 {offsets = [0, 0], sizes = [8, 128], strides = [1, 1]} : vector<16x128xf32> to vector<8x128xf32>
    %slice3A_1259 = vector.extract_strided_slice %add3A_1257 {offsets = [8, 0], sizes = [8, 128], strides = [1, 1]} : vector<16x128xf32> to vector<8x128xf32>
    %add3A_1260 = arith.addf %slice3A_1258, %slice3A_1259 : vector<8x128xf32>
    %add3A_1261 = arith.addf %get3A_1245, %add3A_1260 : vector<8x128xf32>
    %swap3A_1262 = arith.constant 248 : index
    %swap3A_1263 = arith.constant 0 : index
    %swap3A_1264 = vector.load %arg4[%swap3A_1262, %swap3A_1263] : memref<456x128xf32, #tpu.memory_space<vmem>>, vector<8x128xf32>
    tpu.vector_store %arg4[%swap3A_1262, %swap3A_1263], %add3A_1261 {strides = array<i32>} : memref<456x128xf32, #tpu.memory_space<vmem>>, vector<8x128xf32>,
    %get3A_1265 = arith.constant 400 : index
    %get3A_1266 = arith.constant 0 : index
    %get3A_1267 = vector.load %arg4[%get3A_1265, %get3A_1266] : memref<456x128xf32, #tpu.memory_space<vmem>>, vector<8x128xf32>
    %slice3A_1268 = vector.extract_strided_slice %select_n3A_1220 {offsets = [0, 0], sizes = [64, 256], strides = [1, 1]} : vector<64x512xf32> to vector<64x256xf32>
    %slice3A_1269 = vector.extract_strided_slice %select_n3A_1220 {offsets = [0, 256], sizes = [64, 256], strides = [1, 1]} : vector<64x512xf32> to vector<64x256xf32>
    %add3A_1270 = arith.addf %slice3A_1268, %slice3A_1269 : vector<64x256xf32>
    %slice3A_1271 = vector.extract_strided_slice %add3A_1270 {offsets = [0, 0], sizes = [64, 128], strides = [1, 1]} : vector<64x256xf32> to vector<64x128xf32>
    %slice3A_1272 = vector.extract_strided_slice %add3A_1270 {offsets = [0, 128], sizes = [64, 128], strides = [1, 1]} : vector<64x256xf32> to vector<64x128xf32>
    %add3A_1273 = arith.addf %slice3A_1271, %slice3A_1272 : vector<64x128xf32>
    %slice3A_1274 = vector.extract_strided_slice %add3A_1273 {offsets = [0, 0], sizes = [32, 128], strides = [1, 1]} : vector<64x128xf32> to vector<32x128xf32>
    %slice3A_1275 = vector.extract_strided_slice %add3A_1273 {offsets = [32, 0], sizes = [32, 128], strides = [1, 1]} : vector<64x128xf32> to vector<32x128xf32>
    %add3A_1276 = arith.addf %slice3A_1274, %slice3A_1275 : vector<32x128xf32>
    %slice3A_1277 = vector.extract_strided_slice %add3A_1276 {offsets = [0, 0], sizes = [16, 128], strides = [1, 1]} : vector<32x128xf32> to vector<16x128xf32>
    %slice3A_1278 = vector.extract_strided_slice %add3A_1276 {offsets = [16, 0], sizes = [16, 128], strides = [1, 1]} : vector<32x128xf32> to vector<16x128xf32>
    %add3A_1279 = arith.addf %slice3A_1277, %slice3A_1278 : vector<16x128xf32>
    %slice3A_1280 = vector.extract_strided_slice %add3A_1279 {offsets = [0, 0], sizes = [8, 128], strides = [1, 1]} : vector<16x128xf32> to vector<8x128xf32>
    %slice3A_1281 = vector.extract_strided_slice %add3A_1279 {offsets = [8, 0], sizes = [8, 128], strides = [1, 1]} : vector<16x128xf32> to vector<8x128xf32>
    %add3A_1282 = arith.addf %slice3A_1280, %slice3A_1281 : vector<8x128xf32>
    %add3A_1283 = arith.addf %get3A_1267, %add3A_1282 : vector<8x128xf32>
    %swap3A_1284 = arith.constant 400 : index
    %swap3A_1285 = arith.constant 0 : index
    %swap3A_1286 = vector.load %arg4[%swap3A_1284, %swap3A_1285] : memref<456x128xf32, #tpu.memory_space<vmem>>, vector<8x128xf32>
    tpu.vector_store %arg4[%swap3A_1284, %swap3A_1285], %add3A_1283 {strides = array<i32>} : memref<456x128xf32, #tpu.memory_space<vmem>>, vector<8x128xf32>,
    %eq3A_1287 = arith.constant 13 : i32
    %eq3A_1288 = vector.broadcast %eq3A_1287 : i32 to vector<64x512xi32>
    %eq3A_1289 = arith.cmpi eq, %get3A_11, %eq3A_1288 : vector<64x512xi32>
    %jit3A_1290 = arith.constant 1.000000e+00 : f32
    %jit3A_1291 = arith.constant 0.000000e+00 : f32
    %broadcast_in_dim3A_1292 = vector.broadcast %jit3A_1290 : f32 to vector<64x512xf32>
    %broadcast_in_dim3A_1293 = vector.broadcast %jit3A_1291 : f32 to vector<64x512xf32>
    %select_n3A_1294 = arith.select %eq3A_1289, %broadcast_in_dim3A_1292, %broadcast_in_dim3A_1293 : vector<64x512xi1>, vector<64x512xf32>
    %jit3A_1295 = arith.constant 0.000000e+00 : f32
    %broadcast_in_dim3A_1296 = vector.broadcast %jit3A_1295 : f32 to vector<64x512xf32>
    %select_n3A_1297 = arith.select %eq3A_1289, %convert_element_type3A_198, %broadcast_in_dim3A_1296 : vector<64x512xi1>, vector<64x512xf32>
    %sub3A_1298 = arith.subf %log3A, %squeeze3A_37 : vector<64x512xf32>
    %jit3A_1299 = arith.constant 0.000000e+00 : f32
    %broadcast_in_dim3A_1300 = vector.broadcast %jit3A_1299 : f32 to vector<64x512xf32>
    %select_n3A_1301 = arith.select %eq3A_1289, %sub3A_1298, %broadcast_in_dim3A_1300 : vector<64x512xi1>, vector<64x512xf32>
    %get3A_1302 = arith.constant 104 : index
    %get3A_1303 = arith.constant 0 : index
    %get3A_1304 = vector.load %arg4[%get3A_1302, %get3A_1303] : memref<456x128xf32, #tpu.memory_space<vmem>>, vector<8x128xf32>
    %slice3A_1305 = vector.extract_strided_slice %select_n3A_1294 {offsets = [0, 0], sizes = [64, 256], strides = [1, 1]} : vector<64x512xf32> to vector<64x256xf32>
    %slice3A_1306 = vector.extract_strided_slice %select_n3A_1294 {offsets = [0, 256], sizes = [64, 256], strides = [1, 1]} : vector<64x512xf32> to vector<64x256xf32>
    %add3A_1307 = arith.addf %slice3A_1305, %slice3A_1306 : vector<64x256xf32>
    %slice3A_1308 = vector.extract_strided_slice %add3A_1307 {offsets = [0, 0], sizes = [64, 128], strides = [1, 1]} : vector<64x256xf32> to vector<64x128xf32>
    %slice3A_1309 = vector.extract_strided_slice %add3A_1307 {offsets = [0, 128], sizes = [64, 128], strides = [1, 1]} : vector<64x256xf32> to vector<64x128xf32>
    %add3A_1310 = arith.addf %slice3A_1308, %slice3A_1309 : vector<64x128xf32>
    %slice3A_1311 = vector.extract_strided_slice %add3A_1310 {offsets = [0, 0], sizes = [32, 128], strides = [1, 1]} : vector<64x128xf32> to vector<32x128xf32>
    %slice3A_1312 = vector.extract_strided_slice %add3A_1310 {offsets = [32, 0], sizes = [32, 128], strides = [1, 1]} : vector<64x128xf32> to vector<32x128xf32>
    %add3A_1313 = arith.addf %slice3A_1311, %slice3A_1312 : vector<32x128xf32>
    %slice3A_1314 = vector.extract_strided_slice %add3A_1313 {offsets = [0, 0], sizes = [16, 128], strides = [1, 1]} : vector<32x128xf32> to vector<16x128xf32>
    %slice3A_1315 = vector.extract_strided_slice %add3A_1313 {offsets = [16, 0], sizes = [16, 128], strides = [1, 1]} : vector<32x128xf32> to vector<16x128xf32>
    %add3A_1316 = arith.addf %slice3A_1314, %slice3A_1315 : vector<16x128xf32>
    %slice3A_1317 = vector.extract_strided_slice %add3A_1316 {offsets = [0, 0], sizes = [8, 128], strides = [1, 1]} : vector<16x128xf32> to vector<8x128xf32>
    %slice3A_1318 = vector.extract_strided_slice %add3A_1316 {offsets = [8, 0], sizes = [8, 128], strides = [1, 1]} : vector<16x128xf32> to vector<8x128xf32>
    %add3A_1319 = arith.addf %slice3A_1317, %slice3A_1318 : vector<8x128xf32>
    %add3A_1320 = arith.addf %get3A_1304, %add3A_1319 : vector<8x128xf32>
    %swap3A_1321 = arith.constant 104 : index
    %swap3A_1322 = arith.constant 0 : index
    %swap3A_1323 = vector.load %arg4[%swap3A_1321, %swap3A_1322] : memref<456x128xf32, #tpu.memory_space<vmem>>, vector<8x128xf32>
    tpu.vector_store %arg4[%swap3A_1321, %swap3A_1322], %add3A_1320 {strides = array<i32>} : memref<456x128xf32, #tpu.memory_space<vmem>>, vector<8x128xf32>,
    %get3A_1324 = arith.constant 256 : index
    %get3A_1325 = arith.constant 0 : index
    %get3A_1326 = vector.load %arg4[%get3A_1324, %get3A_1325] : memref<456x128xf32, #tpu.memory_space<vmem>>, vector<8x128xf32>
    %slice3A_1327 = vector.extract_strided_slice %select_n3A_1297 {offsets = [0, 0], sizes = [64, 256], strides = [1, 1]} : vector<64x512xf32> to vector<64x256xf32>
    %slice3A_1328 = vector.extract_strided_slice %select_n3A_1297 {offsets = [0, 256], sizes = [64, 256], strides = [1, 1]} : vector<64x512xf32> to vector<64x256xf32>
    %add3A_1329 = arith.addf %slice3A_1327, %slice3A_1328 : vector<64x256xf32>
    %slice3A_1330 = vector.extract_strided_slice %add3A_1329 {offsets = [0, 0], sizes = [64, 128], strides = [1, 1]} : vector<64x256xf32> to vector<64x128xf32>
    %slice3A_1331 = vector.extract_strided_slice %add3A_1329 {offsets = [0, 128], sizes = [64, 128], strides = [1, 1]} : vector<64x256xf32> to vector<64x128xf32>
    %add3A_1332 = arith.addf %slice3A_1330, %slice3A_1331 : vector<64x128xf32>
    %slice3A_1333 = vector.extract_strided_slice %add3A_1332 {offsets = [0, 0], sizes = [32, 128], strides = [1, 1]} : vector<64x128xf32> to vector<32x128xf32>
    %slice3A_1334 = vector.extract_strided_slice %add3A_1332 {offsets = [32, 0], sizes = [32, 128], strides = [1, 1]} : vector<64x128xf32> to vector<32x128xf32>
    %add3A_1335 = arith.addf %slice3A_1333, %slice3A_1334 : vector<32x128xf32>
    %slice3A_1336 = vector.extract_strided_slice %add3A_1335 {offsets = [0, 0], sizes = [16, 128], strides = [1, 1]} : vector<32x128xf32> to vector<16x128xf32>
    %slice3A_1337 = vector.extract_strided_slice %add3A_1335 {offsets = [16, 0], sizes = [16, 128], strides = [1, 1]} : vector<32x128xf32> to vector<16x128xf32>
    %add3A_1338 = arith.addf %slice3A_1336, %slice3A_1337 : vector<16x128xf32>
    %slice3A_1339 = vector.extract_strided_slice %add3A_1338 {offsets = [0, 0], sizes = [8, 128], strides = [1, 1]} : vector<16x128xf32> to vector<8x128xf32>
    %slice3A_1340 = vector.extract_strided_slice %add3A_1338 {offsets = [8, 0], sizes = [8, 128], strides = [1, 1]} : vector<16x128xf32> to vector<8x128xf32>
    %add3A_1341 = arith.addf %slice3A_1339, %slice3A_1340 : vector<8x128xf32>
    %add3A_1342 = arith.addf %get3A_1326, %add3A_1341 : vector<8x128xf32>
    %swap3A_1343 = arith.constant 256 : index
    %swap3A_1344 = arith.constant 0 : index
    %swap3A_1345 = vector.load %arg4[%swap3A_1343, %swap3A_1344] : memref<456x128xf32, #tpu.memory_space<vmem>>, vector<8x128xf32>
    tpu.vector_store %arg4[%swap3A_1343, %swap3A_1344], %add3A_1342 {strides = array<i32>} : memref<456x128xf32, #tpu.memory_space<vmem>>, vector<8x128xf32>,
    %get3A_1346 = arith.constant 408 : index
    %get3A_1347 = arith.constant 0 : index
    %get3A_1348 = vector.load %arg4[%get3A_1346, %get3A_1347] : memref<456x128xf32, #tpu.memory_space<vmem>>, vector<8x128xf32>
    %slice3A_1349 = vector.extract_strided_slice %select_n3A_1301 {offsets = [0, 0], sizes = [64, 256], strides = [1, 1]} : vector<64x512xf32> to vector<64x256xf32>
    %slice3A_1350 = vector.extract_strided_slice %select_n3A_1301 {offsets = [0, 256], sizes = [64, 256], strides = [1, 1]} : vector<64x512xf32> to vector<64x256xf32>
    %add3A_1351 = arith.addf %slice3A_1349, %slice3A_1350 : vector<64x256xf32>
    %slice3A_1352 = vector.extract_strided_slice %add3A_1351 {offsets = [0, 0], sizes = [64, 128], strides = [1, 1]} : vector<64x256xf32> to vector<64x128xf32>
    %slice3A_1353 = vector.extract_strided_slice %add3A_1351 {offsets = [0, 128], sizes = [64, 128], strides = [1, 1]} : vector<64x256xf32> to vector<64x128xf32>
    %add3A_1354 = arith.addf %slice3A_1352, %slice3A_1353 : vector<64x128xf32>
    %slice3A_1355 = vector.extract_strided_slice %add3A_1354 {offsets = [0, 0], sizes = [32, 128], strides = [1, 1]} : vector<64x128xf32> to vector<32x128xf32>
    %slice3A_1356 = vector.extract_strided_slice %add3A_1354 {offsets = [32, 0], sizes = [32, 128], strides = [1, 1]} : vector<64x128xf32> to vector<32x128xf32>
    %add3A_1357 = arith.addf %slice3A_1355, %slice3A_1356 : vector<32x128xf32>
    %slice3A_1358 = vector.extract_strided_slice %add3A_1357 {offsets = [0, 0], sizes = [16, 128], strides = [1, 1]} : vector<32x128xf32> to vector<16x128xf32>
    %slice3A_1359 = vector.extract_strided_slice %add3A_1357 {offsets = [16, 0], sizes = [16, 128], strides = [1, 1]} : vector<32x128xf32> to vector<16x128xf32>
    %add3A_1360 = arith.addf %slice3A_1358, %slice3A_1359 : vector<16x128xf32>
    %slice3A_1361 = vector.extract_strided_slice %add3A_1360 {offsets = [0, 0], sizes = [8, 128], strides = [1, 1]} : vector<16x128xf32> to vector<8x128xf32>
    %slice3A_1362 = vector.extract_strided_slice %add3A_1360 {offsets = [8, 0], sizes = [8, 128], strides = [1, 1]} : vector<16x128xf32> to vector<8x128xf32>
    %add3A_1363 = arith.addf %slice3A_1361, %slice3A_1362 : vector<8x128xf32>
    %add3A_1364 = arith.addf %get3A_1348, %add3A_1363 : vector<8x128xf32>
    %swap3A_1365 = arith.constant 408 : index
    %swap3A_1366 = arith.constant 0 : index
    %swap3A_1367 = vector.load %arg4[%swap3A_1365, %swap3A_1366] : memref<456x128xf32, #tpu.memory_space<vmem>>, vector<8x128xf32>
    tpu.vector_store %arg4[%swap3A_1365, %swap3A_1366], %add3A_1364 {strides = array<i32>} : memref<456x128xf32, #tpu.memory_space<vmem>>, vector<8x128xf32>,
    %eq3A_1368 = arith.constant 14 : i32
    %eq3A_1369 = vector.broadcast %eq3A_1368 : i32 to vector<64x512xi32>
    %eq3A_1370 = arith.cmpi eq, %get3A_11, %eq3A_1369 : vector<64x512xi32>
    %jit3A_1371 = arith.constant 1.000000e+00 : f32
    %jit3A_1372 = arith.constant 0.000000e+00 : f32
    %broadcast_in_dim3A_1373 = vector.broadcast %jit3A_1371 : f32 to vector<64x512xf32>
    %broadcast_in_dim3A_1374 = vector.broadcast %jit3A_1372 : f32 to vector<64x512xf32>
    %select_n3A_1375 = arith.select %eq3A_1370, %broadcast_in_dim3A_1373, %broadcast_in_dim3A_1374 : vector<64x512xi1>, vector<64x512xf32>
    %jit3A_1376 = arith.constant 0.000000e+00 : f32
    %broadcast_in_dim3A_1377 = vector.broadcast %jit3A_1376 : f32 to vector<64x512xf32>
    %select_n3A_1378 = arith.select %eq3A_1370, %convert_element_type3A_198, %broadcast_in_dim3A_1377 : vector<64x512xi1>, vector<64x512xf32>
    %sub3A_1379 = arith.subf %log3A, %squeeze3A_39 : vector<64x512xf32>
    %jit3A_1380 = arith.constant 0.000000e+00 : f32
    %broadcast_in_dim3A_1381 = vector.broadcast %jit3A_1380 : f32 to vector<64x512xf32>
    %select_n3A_1382 = arith.select %eq3A_1370, %sub3A_1379, %broadcast_in_dim3A_1381 : vector<64x512xi1>, vector<64x512xf32>
    %get3A_1383 = arith.constant 112 : index
    %get3A_1384 = arith.constant 0 : index
    %get3A_1385 = vector.load %arg4[%get3A_1383, %get3A_1384] : memref<456x128xf32, #tpu.memory_space<vmem>>, vector<8x128xf32>
    %slice3A_1386 = vector.extract_strided_slice %select_n3A_1375 {offsets = [0, 0], sizes = [64, 256], strides = [1, 1]} : vector<64x512xf32> to vector<64x256xf32>
    %slice3A_1387 = vector.extract_strided_slice %select_n3A_1375 {offsets = [0, 256], sizes = [64, 256], strides = [1, 1]} : vector<64x512xf32> to vector<64x256xf32>
    %add3A_1388 = arith.addf %slice3A_1386, %slice3A_1387 : vector<64x256xf32>
    %slice3A_1389 = vector.extract_strided_slice %add3A_1388 {offsets = [0, 0], sizes = [64, 128], strides = [1, 1]} : vector<64x256xf32> to vector<64x128xf32>
    %slice3A_1390 = vector.extract_strided_slice %add3A_1388 {offsets = [0, 128], sizes = [64, 128], strides = [1, 1]} : vector<64x256xf32> to vector<64x128xf32>
    %add3A_1391 = arith.addf %slice3A_1389, %slice3A_1390 : vector<64x128xf32>
    %slice3A_1392 = vector.extract_strided_slice %add3A_1391 {offsets = [0, 0], sizes = [32, 128], strides = [1, 1]} : vector<64x128xf32> to vector<32x128xf32>
    %slice3A_1393 = vector.extract_strided_slice %add3A_1391 {offsets = [32, 0], sizes = [32, 128], strides = [1, 1]} : vector<64x128xf32> to vector<32x128xf32>
    %add3A_1394 = arith.addf %slice3A_1392, %slice3A_1393 : vector<32x128xf32>
    %slice3A_1395 = vector.extract_strided_slice %add3A_1394 {offsets = [0, 0], sizes = [16, 128], strides = [1, 1]} : vector<32x128xf32> to vector<16x128xf32>
    %slice3A_1396 = vector.extract_strided_slice %add3A_1394 {offsets = [16, 0], sizes = [16, 128], strides = [1, 1]} : vector<32x128xf32> to vector<16x128xf32>
    %add3A_1397 = arith.addf %slice3A_1395, %slice3A_1396 : vector<16x128xf32>
    %slice3A_1398 = vector.extract_strided_slice %add3A_1397 {offsets = [0, 0], sizes = [8, 128], strides = [1, 1]} : vector<16x128xf32> to vector<8x128xf32>
    %slice3A_1399 = vector.extract_strided_slice %add3A_1397 {offsets = [8, 0], sizes = [8, 128], strides = [1, 1]} : vector<16x128xf32> to vector<8x128xf32>
    %add3A_1400 = arith.addf %slice3A_1398, %slice3A_1399 : vector<8x128xf32>
    %add3A_1401 = arith.addf %get3A_1385, %add3A_1400 : vector<8x128xf32>
    %swap3A_1402 = arith.constant 112 : index
    %swap3A_1403 = arith.constant 0 : index
    %swap3A_1404 = vector.load %arg4[%swap3A_1402, %swap3A_1403] : memref<456x128xf32, #tpu.memory_space<vmem>>, vector<8x128xf32>
    tpu.vector_store %arg4[%swap3A_1402, %swap3A_1403], %add3A_1401 {strides = array<i32>} : memref<456x128xf32, #tpu.memory_space<vmem>>, vector<8x128xf32>,
    %get3A_1405 = arith.constant 264 : index
    %get3A_1406 = arith.constant 0 : index
    %get3A_1407 = vector.load %arg4[%get3A_1405, %get3A_1406] : memref<456x128xf32, #tpu.memory_space<vmem>>, vector<8x128xf32>
    %slice3A_1408 = vector.extract_strided_slice %select_n3A_1378 {offsets = [0, 0], sizes = [64, 256], strides = [1, 1]} : vector<64x512xf32> to vector<64x256xf32>
    %slice3A_1409 = vector.extract_strided_slice %select_n3A_1378 {offsets = [0, 256], sizes = [64, 256], strides = [1, 1]} : vector<64x512xf32> to vector<64x256xf32>
    %add3A_1410 = arith.addf %slice3A_1408, %slice3A_1409 : vector<64x256xf32>
    %slice3A_1411 = vector.extract_strided_slice %add3A_1410 {offsets = [0, 0], sizes = [64, 128], strides = [1, 1]} : vector<64x256xf32> to vector<64x128xf32>
    %slice3A_1412 = vector.extract_strided_slice %add3A_1410 {offsets = [0, 128], sizes = [64, 128], strides = [1, 1]} : vector<64x256xf32> to vector<64x128xf32>
    %add3A_1413 = arith.addf %slice3A_1411, %slice3A_1412 : vector<64x128xf32>
    %slice3A_1414 = vector.extract_strided_slice %add3A_1413 {offsets = [0, 0], sizes = [32, 128], strides = [1, 1]} : vector<64x128xf32> to vector<32x128xf32>
    %slice3A_1415 = vector.extract_strided_slice %add3A_1413 {offsets = [32, 0], sizes = [32, 128], strides = [1, 1]} : vector<64x128xf32> to vector<32x128xf32>
    %add3A_1416 = arith.addf %slice3A_1414, %slice3A_1415 : vector<32x128xf32>
    %slice3A_1417 = vector.extract_strided_slice %add3A_1416 {offsets = [0, 0], sizes = [16, 128], strides = [1, 1]} : vector<32x128xf32> to vector<16x128xf32>
    %slice3A_1418 = vector.extract_strided_slice %add3A_1416 {offsets = [16, 0], sizes = [16, 128], strides = [1, 1]} : vector<32x128xf32> to vector<16x128xf32>
    %add3A_1419 = arith.addf %slice3A_1417, %slice3A_1418 : vector<16x128xf32>
    %slice3A_1420 = vector.extract_strided_slice %add3A_1419 {offsets = [0, 0], sizes = [8, 128], strides = [1, 1]} : vector<16x128xf32> to vector<8x128xf32>
    %slice3A_1421 = vector.extract_strided_slice %add3A_1419 {offsets = [8, 0], sizes = [8, 128], strides = [1, 1]} : vector<16x128xf32> to vector<8x128xf32>
    %add3A_1422 = arith.addf %slice3A_1420, %slice3A_1421 : vector<8x128xf32>
    %add3A_1423 = arith.addf %get3A_1407, %add3A_1422 : vector<8x128xf32>
    %swap3A_1424 = arith.constant 264 : index
    %swap3A_1425 = arith.constant 0 : index
    %swap3A_1426 = vector.load %arg4[%swap3A_1424, %swap3A_1425] : memref<456x128xf32, #tpu.memory_space<vmem>>, vector<8x128xf32>
    tpu.vector_store %arg4[%swap3A_1424, %swap3A_1425], %add3A_1423 {strides = array<i32>} : memref<456x128xf32, #tpu.memory_space<vmem>>, vector<8x128xf32>,
    %get3A_1427 = arith.constant 416 : index
    %get3A_1428 = arith.constant 0 : index
    %get3A_1429 = vector.load %arg4[%get3A_1427, %get3A_1428] : memref<456x128xf32, #tpu.memory_space<vmem>>, vector<8x128xf32>
    %slice3A_1430 = vector.extract_strided_slice %select_n3A_1382 {offsets = [0, 0], sizes = [64, 256], strides = [1, 1]} : vector<64x512xf32> to vector<64x256xf32>
    %slice3A_1431 = vector.extract_strided_slice %select_n3A_1382 {offsets = [0, 256], sizes = [64, 256], strides = [1, 1]} : vector<64x512xf32> to vector<64x256xf32>
    %add3A_1432 = arith.addf %slice3A_1430, %slice3A_1431 : vector<64x256xf32>
    %slice3A_1433 = vector.extract_strided_slice %add3A_1432 {offsets = [0, 0], sizes = [64, 128], strides = [1, 1]} : vector<64x256xf32> to vector<64x128xf32>
    %slice3A_1434 = vector.extract_strided_slice %add3A_1432 {offsets = [0, 128], sizes = [64, 128], strides = [1, 1]} : vector<64x256xf32> to vector<64x128xf32>
    %add3A_1435 = arith.addf %slice3A_1433, %slice3A_1434 : vector<64x128xf32>
    %slice3A_1436 = vector.extract_strided_slice %add3A_1435 {offsets = [0, 0], sizes = [32, 128], strides = [1, 1]} : vector<64x128xf32> to vector<32x128xf32>
    %slice3A_1437 = vector.extract_strided_slice %add3A_1435 {offsets = [32, 0], sizes = [32, 128], strides = [1, 1]} : vector<64x128xf32> to vector<32x128xf32>
    %add3A_1438 = arith.addf %slice3A_1436, %slice3A_1437 : vector<32x128xf32>
    %slice3A_1439 = vector.extract_strided_slice %add3A_1438 {offsets = [0, 0], sizes = [16, 128], strides = [1, 1]} : vector<32x128xf32> to vector<16x128xf32>
    %slice3A_1440 = vector.extract_strided_slice %add3A_1438 {offsets = [16, 0], sizes = [16, 128], strides = [1, 1]} : vector<32x128xf32> to vector<16x128xf32>
    %add3A_1441 = arith.addf %slice3A_1439, %slice3A_1440 : vector<16x128xf32>
    %slice3A_1442 = vector.extract_strided_slice %add3A_1441 {offsets = [0, 0], sizes = [8, 128], strides = [1, 1]} : vector<16x128xf32> to vector<8x128xf32>
    %slice3A_1443 = vector.extract_strided_slice %add3A_1441 {offsets = [8, 0], sizes = [8, 128], strides = [1, 1]} : vector<16x128xf32> to vector<8x128xf32>
    %add3A_1444 = arith.addf %slice3A_1442, %slice3A_1443 : vector<8x128xf32>
    %add3A_1445 = arith.addf %get3A_1429, %add3A_1444 : vector<8x128xf32>
    %swap3A_1446 = arith.constant 416 : index
    %swap3A_1447 = arith.constant 0 : index
    %swap3A_1448 = vector.load %arg4[%swap3A_1446, %swap3A_1447] : memref<456x128xf32, #tpu.memory_space<vmem>>, vector<8x128xf32>
    tpu.vector_store %arg4[%swap3A_1446, %swap3A_1447], %add3A_1445 {strides = array<i32>} : memref<456x128xf32, #tpu.memory_space<vmem>>, vector<8x128xf32>,
    %eq3A_1449 = arith.constant 15 : i32
    %eq3A_1450 = vector.broadcast %eq3A_1449 : i32 to vector<64x512xi32>
    %eq3A_1451 = arith.cmpi eq, %get3A_11, %eq3A_1450 : vector<64x512xi32>
    %jit3A_1452 = arith.constant 1.000000e+00 : f32
    %jit3A_1453 = arith.constant 0.000000e+00 : f32
    %broadcast_in_dim3A_1454 = vector.broadcast %jit3A_1452 : f32 to vector<64x512xf32>
    %broadcast_in_dim3A_1455 = vector.broadcast %jit3A_1453 : f32 to vector<64x512xf32>
    %select_n3A_1456 = arith.select %eq3A_1451, %broadcast_in_dim3A_1454, %broadcast_in_dim3A_1455 : vector<64x512xi1>, vector<64x512xf32>
    %jit3A_1457 = arith.constant 0.000000e+00 : f32
    %broadcast_in_dim3A_1458 = vector.broadcast %jit3A_1457 : f32 to vector<64x512xf32>
    %select_n3A_1459 = arith.select %eq3A_1451, %convert_element_type3A_198, %broadcast_in_dim3A_1458 : vector<64x512xi1>, vector<64x512xf32>
    %sub3A_1460 = arith.subf %log3A, %squeeze3A_41 : vector<64x512xf32>
    %jit3A_1461 = arith.constant 0.000000e+00 : f32
    %broadcast_in_dim3A_1462 = vector.broadcast %jit3A_1461 : f32 to vector<64x512xf32>
    %select_n3A_1463 = arith.select %eq3A_1451, %sub3A_1460, %broadcast_in_dim3A_1462 : vector<64x512xi1>, vector<64x512xf32>
    %get3A_1464 = arith.constant 120 : index
    %get3A_1465 = arith.constant 0 : index
    %get3A_1466 = vector.load %arg4[%get3A_1464, %get3A_1465] : memref<456x128xf32, #tpu.memory_space<vmem>>, vector<8x128xf32>
    %slice3A_1467 = vector.extract_strided_slice %select_n3A_1456 {offsets = [0, 0], sizes = [64, 256], strides = [1, 1]} : vector<64x512xf32> to vector<64x256xf32>
    %slice3A_1468 = vector.extract_strided_slice %select_n3A_1456 {offsets = [0, 256], sizes = [64, 256], strides = [1, 1]} : vector<64x512xf32> to vector<64x256xf32>
    %add3A_1469 = arith.addf %slice3A_1467, %slice3A_1468 : vector<64x256xf32>
    %slice3A_1470 = vector.extract_strided_slice %add3A_1469 {offsets = [0, 0], sizes = [64, 128], strides = [1, 1]} : vector<64x256xf32> to vector<64x128xf32>
    %slice3A_1471 = vector.extract_strided_slice %add3A_1469 {offsets = [0, 128], sizes = [64, 128], strides = [1, 1]} : vector<64x256xf32> to vector<64x128xf32>
    %add3A_1472 = arith.addf %slice3A_1470, %slice3A_1471 : vector<64x128xf32>
    %slice3A_1473 = vector.extract_strided_slice %add3A_1472 {offsets = [0, 0], sizes = [32, 128], strides = [1, 1]} : vector<64x128xf32> to vector<32x128xf32>
    %slice3A_1474 = vector.extract_strided_slice %add3A_1472 {offsets = [32, 0], sizes = [32, 128], strides = [1, 1]} : vector<64x128xf32> to vector<32x128xf32>
    %add3A_1475 = arith.addf %slice3A_1473, %slice3A_1474 : vector<32x128xf32>
    %slice3A_1476 = vector.extract_strided_slice %add3A_1475 {offsets = [0, 0], sizes = [16, 128], strides = [1, 1]} : vector<32x128xf32> to vector<16x128xf32>
    %slice3A_1477 = vector.extract_strided_slice %add3A_1475 {offsets = [16, 0], sizes = [16, 128], strides = [1, 1]} : vector<32x128xf32> to vector<16x128xf32>
    %add3A_1478 = arith.addf %slice3A_1476, %slice3A_1477 : vector<16x128xf32>
    %slice3A_1479 = vector.extract_strided_slice %add3A_1478 {offsets = [0, 0], sizes = [8, 128], strides = [1, 1]} : vector<16x128xf32> to vector<8x128xf32>
    %slice3A_1480 = vector.extract_strided_slice %add3A_1478 {offsets = [8, 0], sizes = [8, 128], strides = [1, 1]} : vector<16x128xf32> to vector<8x128xf32>
    %add3A_1481 = arith.addf %slice3A_1479, %slice3A_1480 : vector<8x128xf32>
    %add3A_1482 = arith.addf %get3A_1466, %add3A_1481 : vector<8x128xf32>
    %swap3A_1483 = arith.constant 120 : index
    %swap3A_1484 = arith.constant 0 : index
    %swap3A_1485 = vector.load %arg4[%swap3A_1483, %swap3A_1484] : memref<456x128xf32, #tpu.memory_space<vmem>>, vector<8x128xf32>
    tpu.vector_store %arg4[%swap3A_1483, %swap3A_1484], %add3A_1482 {strides = array<i32>} : memref<456x128xf32, #tpu.memory_space<vmem>>, vector<8x128xf32>,
    %get3A_1486 = arith.constant 272 : index
    %get3A_1487 = arith.constant 0 : index
    %get3A_1488 = vector.load %arg4[%get3A_1486, %get3A_1487] : memref<456x128xf32, #tpu.memory_space<vmem>>, vector<8x128xf32>
    %slice3A_1489 = vector.extract_strided_slice %select_n3A_1459 {offsets = [0, 0], sizes = [64, 256], strides = [1, 1]} : vector<64x512xf32> to vector<64x256xf32>
    %slice3A_1490 = vector.extract_strided_slice %select_n3A_1459 {offsets = [0, 256], sizes = [64, 256], strides = [1, 1]} : vector<64x512xf32> to vector<64x256xf32>
    %add3A_1491 = arith.addf %slice3A_1489, %slice3A_1490 : vector<64x256xf32>
    %slice3A_1492 = vector.extract_strided_slice %add3A_1491 {offsets = [0, 0], sizes = [64, 128], strides = [1, 1]} : vector<64x256xf32> to vector<64x128xf32>
    %slice3A_1493 = vector.extract_strided_slice %add3A_1491 {offsets = [0, 128], sizes = [64, 128], strides = [1, 1]} : vector<64x256xf32> to vector<64x128xf32>
    %add3A_1494 = arith.addf %slice3A_1492, %slice3A_1493 : vector<64x128xf32>
    %slice3A_1495 = vector.extract_strided_slice %add3A_1494 {offsets = [0, 0], sizes = [32, 128], strides = [1, 1]} : vector<64x128xf32> to vector<32x128xf32>
    %slice3A_1496 = vector.extract_strided_slice %add3A_1494 {offsets = [32, 0], sizes = [32, 128], strides = [1, 1]} : vector<64x128xf32> to vector<32x128xf32>
    %add3A_1497 = arith.addf %slice3A_1495, %slice3A_1496 : vector<32x128xf32>
    %slice3A_1498 = vector.extract_strided_slice %add3A_1497 {offsets = [0, 0], sizes = [16, 128], strides = [1, 1]} : vector<32x128xf32> to vector<16x128xf32>
    %slice3A_1499 = vector.extract_strided_slice %add3A_1497 {offsets = [16, 0], sizes = [16, 128], strides = [1, 1]} : vector<32x128xf32> to vector<16x128xf32>
    %add3A_1500 = arith.addf %slice3A_1498, %slice3A_1499 : vector<16x128xf32>
    %slice3A_1501 = vector.extract_strided_slice %add3A_1500 {offsets = [0, 0], sizes = [8, 128], strides = [1, 1]} : vector<16x128xf32> to vector<8x128xf32>
    %slice3A_1502 = vector.extract_strided_slice %add3A_1500 {offsets = [8, 0], sizes = [8, 128], strides = [1, 1]} : vector<16x128xf32> to vector<8x128xf32>
    %add3A_1503 = arith.addf %slice3A_1501, %slice3A_1502 : vector<8x128xf32>
    %add3A_1504 = arith.addf %get3A_1488, %add3A_1503 : vector<8x128xf32>
    %swap3A_1505 = arith.constant 272 : index
    %swap3A_1506 = arith.constant 0 : index
    %swap3A_1507 = vector.load %arg4[%swap3A_1505, %swap3A_1506] : memref<456x128xf32, #tpu.memory_space<vmem>>, vector<8x128xf32>
    tpu.vector_store %arg4[%swap3A_1505, %swap3A_1506], %add3A_1504 {strides = array<i32>} : memref<456x128xf32, #tpu.memory_space<vmem>>, vector<8x128xf32>,
    %get3A_1508 = arith.constant 424 : index
    %get3A_1509 = arith.constant 0 : index
    %get3A_1510 = vector.load %arg4[%get3A_1508, %get3A_1509] : memref<456x128xf32, #tpu.memory_space<vmem>>, vector<8x128xf32>
    %slice3A_1511 = vector.extract_strided_slice %select_n3A_1463 {offsets = [0, 0], sizes = [64, 256], strides = [1, 1]} : vector<64x512xf32> to vector<64x256xf32>
    %slice3A_1512 = vector.extract_strided_slice %select_n3A_1463 {offsets = [0, 256], sizes = [64, 256], strides = [1, 1]} : vector<64x512xf32> to vector<64x256xf32>
    %add3A_1513 = arith.addf %slice3A_1511, %slice3A_1512 : vector<64x256xf32>
    %slice3A_1514 = vector.extract_strided_slice %add3A_1513 {offsets = [0, 0], sizes = [64, 128], strides = [1, 1]} : vector<64x256xf32> to vector<64x128xf32>
    %slice3A_1515 = vector.extract_strided_slice %add3A_1513 {offsets = [0, 128], sizes = [64, 128], strides = [1, 1]} : vector<64x256xf32> to vector<64x128xf32>
    %add3A_1516 = arith.addf %slice3A_1514, %slice3A_1515 : vector<64x128xf32>
    %slice3A_1517 = vector.extract_strided_slice %add3A_1516 {offsets = [0, 0], sizes = [32, 128], strides = [1, 1]} : vector<64x128xf32> to vector<32x128xf32>
    %slice3A_1518 = vector.extract_strided_slice %add3A_1516 {offsets = [32, 0], sizes = [32, 128], strides = [1, 1]} : vector<64x128xf32> to vector<32x128xf32>
    %add3A_1519 = arith.addf %slice3A_1517, %slice3A_1518 : vector<32x128xf32>
    %slice3A_1520 = vector.extract_strided_slice %add3A_1519 {offsets = [0, 0], sizes = [16, 128], strides = [1, 1]} : vector<32x128xf32> to vector<16x128xf32>
    %slice3A_1521 = vector.extract_strided_slice %add3A_1519 {offsets = [16, 0], sizes = [16, 128], strides = [1, 1]} : vector<32x128xf32> to vector<16x128xf32>
    %add3A_1522 = arith.addf %slice3A_1520, %slice3A_1521 : vector<16x128xf32>
    %slice3A_1523 = vector.extract_strided_slice %add3A_1522 {offsets = [0, 0], sizes = [8, 128], strides = [1, 1]} : vector<16x128xf32> to vector<8x128xf32>
    %slice3A_1524 = vector.extract_strided_slice %add3A_1522 {offsets = [8, 0], sizes = [8, 128], strides = [1, 1]} : vector<16x128xf32> to vector<8x128xf32>
    %add3A_1525 = arith.addf %slice3A_1523, %slice3A_1524 : vector<8x128xf32>
    %add3A_1526 = arith.addf %get3A_1510, %add3A_1525 : vector<8x128xf32>
    %swap3A_1527 = arith.constant 424 : index
    %swap3A_1528 = arith.constant 0 : index
    %swap3A_1529 = vector.load %arg4[%swap3A_1527, %swap3A_1528] : memref<456x128xf32, #tpu.memory_space<vmem>>, vector<8x128xf32>
    tpu.vector_store %arg4[%swap3A_1527, %swap3A_1528], %add3A_1526 {strides = array<i32>} : memref<456x128xf32, #tpu.memory_space<vmem>>, vector<8x128xf32>,
    %eq3A_1530 = arith.constant 16 : i32
    %eq3A_1531 = vector.broadcast %eq3A_1530 : i32 to vector<64x512xi32>
    %eq3A_1532 = arith.cmpi eq, %get3A_11, %eq3A_1531 : vector<64x512xi32>
    %jit3A_1533 = arith.constant 1.000000e+00 : f32
    %jit3A_1534 = arith.constant 0.000000e+00 : f32
    %broadcast_in_dim3A_1535 = vector.broadcast %jit3A_1533 : f32 to vector<64x512xf32>
    %broadcast_in_dim3A_1536 = vector.broadcast %jit3A_1534 : f32 to vector<64x512xf32>
    %select_n3A_1537 = arith.select %eq3A_1532, %broadcast_in_dim3A_1535, %broadcast_in_dim3A_1536 : vector<64x512xi1>, vector<64x512xf32>
    %jit3A_1538 = arith.constant 0.000000e+00 : f32
    %broadcast_in_dim3A_1539 = vector.broadcast %jit3A_1538 : f32 to vector<64x512xf32>
    %select_n3A_1540 = arith.select %eq3A_1532, %convert_element_type3A_198, %broadcast_in_dim3A_1539 : vector<64x512xi1>, vector<64x512xf32>
    %sub3A_1541 = arith.subf %log3A, %squeeze3A_43 : vector<64x512xf32>
    %jit3A_1542 = arith.constant 0.000000e+00 : f32
    %broadcast_in_dim3A_1543 = vector.broadcast %jit3A_1542 : f32 to vector<64x512xf32>
    %select_n3A_1544 = arith.select %eq3A_1532, %sub3A_1541, %broadcast_in_dim3A_1543 : vector<64x512xi1>, vector<64x512xf32>
    %get3A_1545 = arith.constant 128 : index
    %get3A_1546 = arith.constant 0 : index
    %get3A_1547 = vector.load %arg4[%get3A_1545, %get3A_1546] : memref<456x128xf32, #tpu.memory_space<vmem>>, vector<8x128xf32>
    %slice3A_1548 = vector.extract_strided_slice %select_n3A_1537 {offsets = [0, 0], sizes = [64, 256], strides = [1, 1]} : vector<64x512xf32> to vector<64x256xf32>
    %slice3A_1549 = vector.extract_strided_slice %select_n3A_1537 {offsets = [0, 256], sizes = [64, 256], strides = [1, 1]} : vector<64x512xf32> to vector<64x256xf32>
    %add3A_1550 = arith.addf %slice3A_1548, %slice3A_1549 : vector<64x256xf32>
    %slice3A_1551 = vector.extract_strided_slice %add3A_1550 {offsets = [0, 0], sizes = [64, 128], strides = [1, 1]} : vector<64x256xf32> to vector<64x128xf32>
    %slice3A_1552 = vector.extract_strided_slice %add3A_1550 {offsets = [0, 128], sizes = [64, 128], strides = [1, 1]} : vector<64x256xf32> to vector<64x128xf32>
    %add3A_1553 = arith.addf %slice3A_1551, %slice3A_1552 : vector<64x128xf32>
    %slice3A_1554 = vector.extract_strided_slice %add3A_1553 {offsets = [0, 0], sizes = [32, 128], strides = [1, 1]} : vector<64x128xf32> to vector<32x128xf32>
    %slice3A_1555 = vector.extract_strided_slice %add3A_1553 {offsets = [32, 0], sizes = [32, 128], strides = [1, 1]} : vector<64x128xf32> to vector<32x128xf32>
    %add3A_1556 = arith.addf %slice3A_1554, %slice3A_1555 : vector<32x128xf32>
    %slice3A_1557 = vector.extract_strided_slice %add3A_1556 {offsets = [0, 0], sizes = [16, 128], strides = [1, 1]} : vector<32x128xf32> to vector<16x128xf32>
    %slice3A_1558 = vector.extract_strided_slice %add3A_1556 {offsets = [16, 0], sizes = [16, 128], strides = [1, 1]} : vector<32x128xf32> to vector<16x128xf32>
    %add3A_1559 = arith.addf %slice3A_1557, %slice3A_1558 : vector<16x128xf32>
    %slice3A_1560 = vector.extract_strided_slice %add3A_1559 {offsets = [0, 0], sizes = [8, 128], strides = [1, 1]} : vector<16x128xf32> to vector<8x128xf32>
    %slice3A_1561 = vector.extract_strided_slice %add3A_1559 {offsets = [8, 0], sizes = [8, 128], strides = [1, 1]} : vector<16x128xf32> to vector<8x128xf32>
    %add3A_1562 = arith.addf %slice3A_1560, %slice3A_1561 : vector<8x128xf32>
    %add3A_1563 = arith.addf %get3A_1547, %add3A_1562 : vector<8x128xf32>
    %swap3A_1564 = arith.constant 128 : index
    %swap3A_1565 = arith.constant 0 : index
    %swap3A_1566 = vector.load %arg4[%swap3A_1564, %swap3A_1565] : memref<456x128xf32, #tpu.memory_space<vmem>>, vector<8x128xf32>
    tpu.vector_store %arg4[%swap3A_1564, %swap3A_1565], %add3A_1563 {strides = array<i32>} : memref<456x128xf32, #tpu.memory_space<vmem>>, vector<8x128xf32>,
    %get3A_1567 = arith.constant 280 : index
    %get3A_1568 = arith.constant 0 : index
    %get3A_1569 = vector.load %arg4[%get3A_1567, %get3A_1568] : memref<456x128xf32, #tpu.memory_space<vmem>>, vector<8x128xf32>
    %slice3A_1570 = vector.extract_strided_slice %select_n3A_1540 {offsets = [0, 0], sizes = [64, 256], strides = [1, 1]} : vector<64x512xf32> to vector<64x256xf32>
    %slice3A_1571 = vector.extract_strided_slice %select_n3A_1540 {offsets = [0, 256], sizes = [64, 256], strides = [1, 1]} : vector<64x512xf32> to vector<64x256xf32>
    %add3A_1572 = arith.addf %slice3A_1570, %slice3A_1571 : vector<64x256xf32>
    %slice3A_1573 = vector.extract_strided_slice %add3A_1572 {offsets = [0, 0], sizes = [64, 128], strides = [1, 1]} : vector<64x256xf32> to vector<64x128xf32>
    %slice3A_1574 = vector.extract_strided_slice %add3A_1572 {offsets = [0, 128], sizes = [64, 128], strides = [1, 1]} : vector<64x256xf32> to vector<64x128xf32>
    %add3A_1575 = arith.addf %slice3A_1573, %slice3A_1574 : vector<64x128xf32>
    %slice3A_1576 = vector.extract_strided_slice %add3A_1575 {offsets = [0, 0], sizes = [32, 128], strides = [1, 1]} : vector<64x128xf32> to vector<32x128xf32>
    %slice3A_1577 = vector.extract_strided_slice %add3A_1575 {offsets = [32, 0], sizes = [32, 128], strides = [1, 1]} : vector<64x128xf32> to vector<32x128xf32>
    %add3A_1578 = arith.addf %slice3A_1576, %slice3A_1577 : vector<32x128xf32>
    %slice3A_1579 = vector.extract_strided_slice %add3A_1578 {offsets = [0, 0], sizes = [16, 128], strides = [1, 1]} : vector<32x128xf32> to vector<16x128xf32>
    %slice3A_1580 = vector.extract_strided_slice %add3A_1578 {offsets = [16, 0], sizes = [16, 128], strides = [1, 1]} : vector<32x128xf32> to vector<16x128xf32>
    %add3A_1581 = arith.addf %slice3A_1579, %slice3A_1580 : vector<16x128xf32>
    %slice3A_1582 = vector.extract_strided_slice %add3A_1581 {offsets = [0, 0], sizes = [8, 128], strides = [1, 1]} : vector<16x128xf32> to vector<8x128xf32>
    %slice3A_1583 = vector.extract_strided_slice %add3A_1581 {offsets = [8, 0], sizes = [8, 128], strides = [1, 1]} : vector<16x128xf32> to vector<8x128xf32>
    %add3A_1584 = arith.addf %slice3A_1582, %slice3A_1583 : vector<8x128xf32>
    %add3A_1585 = arith.addf %get3A_1569, %add3A_1584 : vector<8x128xf32>
    %swap3A_1586 = arith.constant 280 : index
    %swap3A_1587 = arith.constant 0 : index
    %swap3A_1588 = vector.load %arg4[%swap3A_1586, %swap3A_1587] : memref<456x128xf32, #tpu.memory_space<vmem>>, vector<8x128xf32>
    tpu.vector_store %arg4[%swap3A_1586, %swap3A_1587], %add3A_1585 {strides = array<i32>} : memref<456x128xf32, #tpu.memory_space<vmem>>, vector<8x128xf32>,
    %get3A_1589 = arith.constant 432 : index
    %get3A_1590 = arith.constant 0 : index
    %get3A_1591 = vector.load %arg4[%get3A_1589, %get3A_1590] : memref<456x128xf32, #tpu.memory_space<vmem>>, vector<8x128xf32>
    %slice3A_1592 = vector.extract_strided_slice %select_n3A_1544 {offsets = [0, 0], sizes = [64, 256], strides = [1, 1]} : vector<64x512xf32> to vector<64x256xf32>
    %slice3A_1593 = vector.extract_strided_slice %select_n3A_1544 {offsets = [0, 256], sizes = [64, 256], strides = [1, 1]} : vector<64x512xf32> to vector<64x256xf32>
    %add3A_1594 = arith.addf %slice3A_1592, %slice3A_1593 : vector<64x256xf32>
    %slice3A_1595 = vector.extract_strided_slice %add3A_1594 {offsets = [0, 0], sizes = [64, 128], strides = [1, 1]} : vector<64x256xf32> to vector<64x128xf32>
    %slice3A_1596 = vector.extract_strided_slice %add3A_1594 {offsets = [0, 128], sizes = [64, 128], strides = [1, 1]} : vector<64x256xf32> to vector<64x128xf32>
    %add3A_1597 = arith.addf %slice3A_1595, %slice3A_1596 : vector<64x128xf32>
    %slice3A_1598 = vector.extract_strided_slice %add3A_1597 {offsets = [0, 0], sizes = [32, 128], strides = [1, 1]} : vector<64x128xf32> to vector<32x128xf32>
    %slice3A_1599 = vector.extract_strided_slice %add3A_1597 {offsets = [32, 0], sizes = [32, 128], strides = [1, 1]} : vector<64x128xf32> to vector<32x128xf32>
    %add3A_1600 = arith.addf %slice3A_1598, %slice3A_1599 : vector<32x128xf32>
    %slice3A_1601 = vector.extract_strided_slice %add3A_1600 {offsets = [0, 0], sizes = [16, 128], strides = [1, 1]} : vector<32x128xf32> to vector<16x128xf32>
    %slice3A_1602 = vector.extract_strided_slice %add3A_1600 {offsets = [16, 0], sizes = [16, 128], strides = [1, 1]} : vector<32x128xf32> to vector<16x128xf32>
    %add3A_1603 = arith.addf %slice3A_1601, %slice3A_1602 : vector<16x128xf32>
    %slice3A_1604 = vector.extract_strided_slice %add3A_1603 {offsets = [0, 0], sizes = [8, 128], strides = [1, 1]} : vector<16x128xf32> to vector<8x128xf32>
    %slice3A_1605 = vector.extract_strided_slice %add3A_1603 {offsets = [8, 0], sizes = [8, 128], strides = [1, 1]} : vector<16x128xf32> to vector<8x128xf32>
    %add3A_1606 = arith.addf %slice3A_1604, %slice3A_1605 : vector<8x128xf32>
    %add3A_1607 = arith.addf %get3A_1591, %add3A_1606 : vector<8x128xf32>
    %swap3A_1608 = arith.constant 432 : index
    %swap3A_1609 = arith.constant 0 : index
    %swap3A_1610 = vector.load %arg4[%swap3A_1608, %swap3A_1609] : memref<456x128xf32, #tpu.memory_space<vmem>>, vector<8x128xf32>
    tpu.vector_store %arg4[%swap3A_1608, %swap3A_1609], %add3A_1607 {strides = array<i32>} : memref<456x128xf32, #tpu.memory_space<vmem>>, vector<8x128xf32>,
    %eq3A_1611 = arith.constant 17 : i32
    %eq3A_1612 = vector.broadcast %eq3A_1611 : i32 to vector<64x512xi32>
    %eq3A_1613 = arith.cmpi eq, %get3A_11, %eq3A_1612 : vector<64x512xi32>
    %jit3A_1614 = arith.constant 1.000000e+00 : f32
    %jit3A_1615 = arith.constant 0.000000e+00 : f32
    %broadcast_in_dim3A_1616 = vector.broadcast %jit3A_1614 : f32 to vector<64x512xf32>
    %broadcast_in_dim3A_1617 = vector.broadcast %jit3A_1615 : f32 to vector<64x512xf32>
    %select_n3A_1618 = arith.select %eq3A_1613, %broadcast_in_dim3A_1616, %broadcast_in_dim3A_1617 : vector<64x512xi1>, vector<64x512xf32>
    %jit3A_1619 = arith.constant 0.000000e+00 : f32
    %broadcast_in_dim3A_1620 = vector.broadcast %jit3A_1619 : f32 to vector<64x512xf32>
    %select_n3A_1621 = arith.select %eq3A_1613, %convert_element_type3A_198, %broadcast_in_dim3A_1620 : vector<64x512xi1>, vector<64x512xf32>
    %sub3A_1622 = arith.subf %log3A, %squeeze3A_45 : vector<64x512xf32>
    %jit3A_1623 = arith.constant 0.000000e+00 : f32
    %broadcast_in_dim3A_1624 = vector.broadcast %jit3A_1623 : f32 to vector<64x512xf32>
    %select_n3A_1625 = arith.select %eq3A_1613, %sub3A_1622, %broadcast_in_dim3A_1624 : vector<64x512xi1>, vector<64x512xf32>
    %get3A_1626 = arith.constant 136 : index
    %get3A_1627 = arith.constant 0 : index
    %get3A_1628 = vector.load %arg4[%get3A_1626, %get3A_1627] : memref<456x128xf32, #tpu.memory_space<vmem>>, vector<8x128xf32>
    %slice3A_1629 = vector.extract_strided_slice %select_n3A_1618 {offsets = [0, 0], sizes = [64, 256], strides = [1, 1]} : vector<64x512xf32> to vector<64x256xf32>
    %slice3A_1630 = vector.extract_strided_slice %select_n3A_1618 {offsets = [0, 256], sizes = [64, 256], strides = [1, 1]} : vector<64x512xf32> to vector<64x256xf32>
    %add3A_1631 = arith.addf %slice3A_1629, %slice3A_1630 : vector<64x256xf32>
    %slice3A_1632 = vector.extract_strided_slice %add3A_1631 {offsets = [0, 0], sizes = [64, 128], strides = [1, 1]} : vector<64x256xf32> to vector<64x128xf32>
    %slice3A_1633 = vector.extract_strided_slice %add3A_1631 {offsets = [0, 128], sizes = [64, 128], strides = [1, 1]} : vector<64x256xf32> to vector<64x128xf32>
    %add3A_1634 = arith.addf %slice3A_1632, %slice3A_1633 : vector<64x128xf32>
    %slice3A_1635 = vector.extract_strided_slice %add3A_1634 {offsets = [0, 0], sizes = [32, 128], strides = [1, 1]} : vector<64x128xf32> to vector<32x128xf32>
    %slice3A_1636 = vector.extract_strided_slice %add3A_1634 {offsets = [32, 0], sizes = [32, 128], strides = [1, 1]} : vector<64x128xf32> to vector<32x128xf32>
    %add3A_1637 = arith.addf %slice3A_1635, %slice3A_1636 : vector<32x128xf32>
    %slice3A_1638 = vector.extract_strided_slice %add3A_1637 {offsets = [0, 0], sizes = [16, 128], strides = [1, 1]} : vector<32x128xf32> to vector<16x128xf32>
    %slice3A_1639 = vector.extract_strided_slice %add3A_1637 {offsets = [16, 0], sizes = [16, 128], strides = [1, 1]} : vector<32x128xf32> to vector<16x128xf32>
    %add3A_1640 = arith.addf %slice3A_1638, %slice3A_1639 : vector<16x128xf32>
    %slice3A_1641 = vector.extract_strided_slice %add3A_1640 {offsets = [0, 0], sizes = [8, 128], strides = [1, 1]} : vector<16x128xf32> to vector<8x128xf32>
    %slice3A_1642 = vector.extract_strided_slice %add3A_1640 {offsets = [8, 0], sizes = [8, 128], strides = [1, 1]} : vector<16x128xf32> to vector<8x128xf32>
    %add3A_1643 = arith.addf %slice3A_1641, %slice3A_1642 : vector<8x128xf32>
    %add3A_1644 = arith.addf %get3A_1628, %add3A_1643 : vector<8x128xf32>
    %swap3A_1645 = arith.constant 136 : index
    %swap3A_1646 = arith.constant 0 : index
    %swap3A_1647 = vector.load %arg4[%swap3A_1645, %swap3A_1646] : memref<456x128xf32, #tpu.memory_space<vmem>>, vector<8x128xf32>
    tpu.vector_store %arg4[%swap3A_1645, %swap3A_1646], %add3A_1644 {strides = array<i32>} : memref<456x128xf32, #tpu.memory_space<vmem>>, vector<8x128xf32>,
    %get3A_1648 = arith.constant 288 : index
    %get3A_1649 = arith.constant 0 : index
    %get3A_1650 = vector.load %arg4[%get3A_1648, %get3A_1649] : memref<456x128xf32, #tpu.memory_space<vmem>>, vector<8x128xf32>
    %slice3A_1651 = vector.extract_strided_slice %select_n3A_1621 {offsets = [0, 0], sizes = [64, 256], strides = [1, 1]} : vector<64x512xf32> to vector<64x256xf32>
    %slice3A_1652 = vector.extract_strided_slice %select_n3A_1621 {offsets = [0, 256], sizes = [64, 256], strides = [1, 1]} : vector<64x512xf32> to vector<64x256xf32>
    %add3A_1653 = arith.addf %slice3A_1651, %slice3A_1652 : vector<64x256xf32>
    %slice3A_1654 = vector.extract_strided_slice %add3A_1653 {offsets = [0, 0], sizes = [64, 128], strides = [1, 1]} : vector<64x256xf32> to vector<64x128xf32>
    %slice3A_1655 = vector.extract_strided_slice %add3A_1653 {offsets = [0, 128], sizes = [64, 128], strides = [1, 1]} : vector<64x256xf32> to vector<64x128xf32>
    %add3A_1656 = arith.addf %slice3A_1654, %slice3A_1655 : vector<64x128xf32>
    %slice3A_1657 = vector.extract_strided_slice %add3A_1656 {offsets = [0, 0], sizes = [32, 128], strides = [1, 1]} : vector<64x128xf32> to vector<32x128xf32>
    %slice3A_1658 = vector.extract_strided_slice %add3A_1656 {offsets = [32, 0], sizes = [32, 128], strides = [1, 1]} : vector<64x128xf32> to vector<32x128xf32>
    %add3A_1659 = arith.addf %slice3A_1657, %slice3A_1658 : vector<32x128xf32>
    %slice3A_1660 = vector.extract_strided_slice %add3A_1659 {offsets = [0, 0], sizes = [16, 128], strides = [1, 1]} : vector<32x128xf32> to vector<16x128xf32>
    %slice3A_1661 = vector.extract_strided_slice %add3A_1659 {offsets = [16, 0], sizes = [16, 128], strides = [1, 1]} : vector<32x128xf32> to vector<16x128xf32>
    %add3A_1662 = arith.addf %slice3A_1660, %slice3A_1661 : vector<16x128xf32>
    %slice3A_1663 = vector.extract_strided_slice %add3A_1662 {offsets = [0, 0], sizes = [8, 128], strides = [1, 1]} : vector<16x128xf32> to vector<8x128xf32>
    %slice3A_1664 = vector.extract_strided_slice %add3A_1662 {offsets = [8, 0], sizes = [8, 128], strides = [1, 1]} : vector<16x128xf32> to vector<8x128xf32>
    %add3A_1665 = arith.addf %slice3A_1663, %slice3A_1664 : vector<8x128xf32>
    %add3A_1666 = arith.addf %get3A_1650, %add3A_1665 : vector<8x128xf32>
    %swap3A_1667 = arith.constant 288 : index
    %swap3A_1668 = arith.constant 0 : index
    %swap3A_1669 = vector.load %arg4[%swap3A_1667, %swap3A_1668] : memref<456x128xf32, #tpu.memory_space<vmem>>, vector<8x128xf32>
    tpu.vector_store %arg4[%swap3A_1667, %swap3A_1668], %add3A_1666 {strides = array<i32>} : memref<456x128xf32, #tpu.memory_space<vmem>>, vector<8x128xf32>,
    %get3A_1670 = arith.constant 440 : index
    %get3A_1671 = arith.constant 0 : index
    %get3A_1672 = vector.load %arg4[%get3A_1670, %get3A_1671] : memref<456x128xf32, #tpu.memory_space<vmem>>, vector<8x128xf32>
    %slice3A_1673 = vector.extract_strided_slice %select_n3A_1625 {offsets = [0, 0], sizes = [64, 256], strides = [1, 1]} : vector<64x512xf32> to vector<64x256xf32>
    %slice3A_1674 = vector.extract_strided_slice %select_n3A_1625 {offsets = [0, 256], sizes = [64, 256], strides = [1, 1]} : vector<64x512xf32> to vector<64x256xf32>
    %add3A_1675 = arith.addf %slice3A_1673, %slice3A_1674 : vector<64x256xf32>
    %slice3A_1676 = vector.extract_strided_slice %add3A_1675 {offsets = [0, 0], sizes = [64, 128], strides = [1, 1]} : vector<64x256xf32> to vector<64x128xf32>
    %slice3A_1677 = vector.extract_strided_slice %add3A_1675 {offsets = [0, 128], sizes = [64, 128], strides = [1, 1]} : vector<64x256xf32> to vector<64x128xf32>
    %add3A_1678 = arith.addf %slice3A_1676, %slice3A_1677 : vector<64x128xf32>
    %slice3A_1679 = vector.extract_strided_slice %add3A_1678 {offsets = [0, 0], sizes = [32, 128], strides = [1, 1]} : vector<64x128xf32> to vector<32x128xf32>
    %slice3A_1680 = vector.extract_strided_slice %add3A_1678 {offsets = [32, 0], sizes = [32, 128], strides = [1, 1]} : vector<64x128xf32> to vector<32x128xf32>
    %add3A_1681 = arith.addf %slice3A_1679, %slice3A_1680 : vector<32x128xf32>
    %slice3A_1682 = vector.extract_strided_slice %add3A_1681 {offsets = [0, 0], sizes = [16, 128], strides = [1, 1]} : vector<32x128xf32> to vector<16x128xf32>
    %slice3A_1683 = vector.extract_strided_slice %add3A_1681 {offsets = [16, 0], sizes = [16, 128], strides = [1, 1]} : vector<32x128xf32> to vector<16x128xf32>
    %add3A_1684 = arith.addf %slice3A_1682, %slice3A_1683 : vector<16x128xf32>
    %slice3A_1685 = vector.extract_strided_slice %add3A_1684 {offsets = [0, 0], sizes = [8, 128], strides = [1, 1]} : vector<16x128xf32> to vector<8x128xf32>
    %slice3A_1686 = vector.extract_strided_slice %add3A_1684 {offsets = [8, 0], sizes = [8, 128], strides = [1, 1]} : vector<16x128xf32> to vector<8x128xf32>
    %add3A_1687 = arith.addf %slice3A_1685, %slice3A_1686 : vector<8x128xf32>
    %add3A_1688 = arith.addf %get3A_1672, %add3A_1687 : vector<8x128xf32>
    %swap3A_1689 = arith.constant 440 : index
    %swap3A_1690 = arith.constant 0 : index
    %swap3A_1691 = vector.load %arg4[%swap3A_1689, %swap3A_1690] : memref<456x128xf32, #tpu.memory_space<vmem>>, vector<8x128xf32>
    tpu.vector_store %arg4[%swap3A_1689, %swap3A_1690], %add3A_1688 {strides = array<i32>} : memref<456x128xf32, #tpu.memory_space<vmem>>, vector<8x128xf32>,
    %eq3A_1692 = arith.constant 18 : i32
    %eq3A_1693 = vector.broadcast %eq3A_1692 : i32 to vector<64x512xi32>
    %eq3A_1694 = arith.cmpi eq, %get3A_11, %eq3A_1693 : vector<64x512xi32>
    %jit3A_1695 = arith.constant 1.000000e+00 : f32
    %jit3A_1696 = arith.constant 0.000000e+00 : f32
    %broadcast_in_dim3A_1697 = vector.broadcast %jit3A_1695 : f32 to vector<64x512xf32>
    %broadcast_in_dim3A_1698 = vector.broadcast %jit3A_1696 : f32 to vector<64x512xf32>
    %select_n3A_1699 = arith.select %eq3A_1694, %broadcast_in_dim3A_1697, %broadcast_in_dim3A_1698 : vector<64x512xi1>, vector<64x512xf32>
    %jit3A_1700 = arith.constant 0.000000e+00 : f32
    %broadcast_in_dim3A_1701 = vector.broadcast %jit3A_1700 : f32 to vector<64x512xf32>
    %select_n3A_1702 = arith.select %eq3A_1694, %convert_element_type3A_198, %broadcast_in_dim3A_1701 : vector<64x512xi1>, vector<64x512xf32>
    %sub3A_1703 = arith.subf %log3A, %squeeze3A_47 : vector<64x512xf32>
    %jit3A_1704 = arith.constant 0.000000e+00 : f32
    %broadcast_in_dim3A_1705 = vector.broadcast %jit3A_1704 : f32 to vector<64x512xf32>
    %select_n3A_1706 = arith.select %eq3A_1694, %sub3A_1703, %broadcast_in_dim3A_1705 : vector<64x512xi1>, vector<64x512xf32>
    %get3A_1707 = arith.constant 144 : index
    %get3A_1708 = arith.constant 0 : index
    %get3A_1709 = vector.load %arg4[%get3A_1707, %get3A_1708] : memref<456x128xf32, #tpu.memory_space<vmem>>, vector<8x128xf32>
    %slice3A_1710 = vector.extract_strided_slice %select_n3A_1699 {offsets = [0, 0], sizes = [64, 256], strides = [1, 1]} : vector<64x512xf32> to vector<64x256xf32>
    %slice3A_1711 = vector.extract_strided_slice %select_n3A_1699 {offsets = [0, 256], sizes = [64, 256], strides = [1, 1]} : vector<64x512xf32> to vector<64x256xf32>
    %add3A_1712 = arith.addf %slice3A_1710, %slice3A_1711 : vector<64x256xf32>
    %slice3A_1713 = vector.extract_strided_slice %add3A_1712 {offsets = [0, 0], sizes = [64, 128], strides = [1, 1]} : vector<64x256xf32> to vector<64x128xf32>
    %slice3A_1714 = vector.extract_strided_slice %add3A_1712 {offsets = [0, 128], sizes = [64, 128], strides = [1, 1]} : vector<64x256xf32> to vector<64x128xf32>
    %add3A_1715 = arith.addf %slice3A_1713, %slice3A_1714 : vector<64x128xf32>
    %slice3A_1716 = vector.extract_strided_slice %add3A_1715 {offsets = [0, 0], sizes = [32, 128], strides = [1, 1]} : vector<64x128xf32> to vector<32x128xf32>
    %slice3A_1717 = vector.extract_strided_slice %add3A_1715 {offsets = [32, 0], sizes = [32, 128], strides = [1, 1]} : vector<64x128xf32> to vector<32x128xf32>
    %add3A_1718 = arith.addf %slice3A_1716, %slice3A_1717 : vector<32x128xf32>
    %slice3A_1719 = vector.extract_strided_slice %add3A_1718 {offsets = [0, 0], sizes = [16, 128], strides = [1, 1]} : vector<32x128xf32> to vector<16x128xf32>
    %slice3A_1720 = vector.extract_strided_slice %add3A_1718 {offsets = [16, 0], sizes = [16, 128], strides = [1, 1]} : vector<32x128xf32> to vector<16x128xf32>
    %add3A_1721 = arith.addf %slice3A_1719, %slice3A_1720 : vector<16x128xf32>
    %slice3A_1722 = vector.extract_strided_slice %add3A_1721 {offsets = [0, 0], sizes = [8, 128], strides = [1, 1]} : vector<16x128xf32> to vector<8x128xf32>
    %slice3A_1723 = vector.extract_strided_slice %add3A_1721 {offsets = [8, 0], sizes = [8, 128], strides = [1, 1]} : vector<16x128xf32> to vector<8x128xf32>
    %add3A_1724 = arith.addf %slice3A_1722, %slice3A_1723 : vector<8x128xf32>
    %add3A_1725 = arith.addf %get3A_1709, %add3A_1724 : vector<8x128xf32>
    %swap3A_1726 = arith.constant 144 : index
    %swap3A_1727 = arith.constant 0 : index
    %swap3A_1728 = vector.load %arg4[%swap3A_1726, %swap3A_1727] : memref<456x128xf32, #tpu.memory_space<vmem>>, vector<8x128xf32>
    tpu.vector_store %arg4[%swap3A_1726, %swap3A_1727], %add3A_1725 {strides = array<i32>} : memref<456x128xf32, #tpu.memory_space<vmem>>, vector<8x128xf32>,
    %get3A_1729 = arith.constant 296 : index
    %get3A_1730 = arith.constant 0 : index
    %get3A_1731 = vector.load %arg4[%get3A_1729, %get3A_1730] : memref<456x128xf32, #tpu.memory_space<vmem>>, vector<8x128xf32>
    %slice3A_1732 = vector.extract_strided_slice %select_n3A_1702 {offsets = [0, 0], sizes = [64, 256], strides = [1, 1]} : vector<64x512xf32> to vector<64x256xf32>
    %slice3A_1733 = vector.extract_strided_slice %select_n3A_1702 {offsets = [0, 256], sizes = [64, 256], strides = [1, 1]} : vector<64x512xf32> to vector<64x256xf32>
    %add3A_1734 = arith.addf %slice3A_1732, %slice3A_1733 : vector<64x256xf32>
    %slice3A_1735 = vector.extract_strided_slice %add3A_1734 {offsets = [0, 0], sizes = [64, 128], strides = [1, 1]} : vector<64x256xf32> to vector<64x128xf32>
    %slice3A_1736 = vector.extract_strided_slice %add3A_1734 {offsets = [0, 128], sizes = [64, 128], strides = [1, 1]} : vector<64x256xf32> to vector<64x128xf32>
    %add3A_1737 = arith.addf %slice3A_1735, %slice3A_1736 : vector<64x128xf32>
    %slice3A_1738 = vector.extract_strided_slice %add3A_1737 {offsets = [0, 0], sizes = [32, 128], strides = [1, 1]} : vector<64x128xf32> to vector<32x128xf32>
    %slice3A_1739 = vector.extract_strided_slice %add3A_1737 {offsets = [32, 0], sizes = [32, 128], strides = [1, 1]} : vector<64x128xf32> to vector<32x128xf32>
    %add3A_1740 = arith.addf %slice3A_1738, %slice3A_1739 : vector<32x128xf32>
    %slice3A_1741 = vector.extract_strided_slice %add3A_1740 {offsets = [0, 0], sizes = [16, 128], strides = [1, 1]} : vector<32x128xf32> to vector<16x128xf32>
    %slice3A_1742 = vector.extract_strided_slice %add3A_1740 {offsets = [16, 0], sizes = [16, 128], strides = [1, 1]} : vector<32x128xf32> to vector<16x128xf32>
    %add3A_1743 = arith.addf %slice3A_1741, %slice3A_1742 : vector<16x128xf32>
    %slice3A_1744 = vector.extract_strided_slice %add3A_1743 {offsets = [0, 0], sizes = [8, 128], strides = [1, 1]} : vector<16x128xf32> to vector<8x128xf32>
    %slice3A_1745 = vector.extract_strided_slice %add3A_1743 {offsets = [8, 0], sizes = [8, 128], strides = [1, 1]} : vector<16x128xf32> to vector<8x128xf32>
    %add3A_1746 = arith.addf %slice3A_1744, %slice3A_1745 : vector<8x128xf32>
    %add3A_1747 = arith.addf %get3A_1731, %add3A_1746 : vector<8x128xf32>
    %swap3A_1748 = arith.constant 296 : index
    %swap3A_1749 = arith.constant 0 : index
    %swap3A_1750 = vector.load %arg4[%swap3A_1748, %swap3A_1749] : memref<456x128xf32, #tpu.memory_space<vmem>>, vector<8x128xf32>
    tpu.vector_store %arg4[%swap3A_1748, %swap3A_1749], %add3A_1747 {strides = array<i32>} : memref<456x128xf32, #tpu.memory_space<vmem>>, vector<8x128xf32>,
    %get3A_1751 = arith.constant 448 : index
    %get3A_1752 = arith.constant 0 : index
    %get3A_1753 = vector.load %arg4[%get3A_1751, %get3A_1752] : memref<456x128xf32, #tpu.memory_space<vmem>>, vector<8x128xf32>
    %slice3A_1754 = vector.extract_strided_slice %select_n3A_1706 {offsets = [0, 0], sizes = [64, 256], strides = [1, 1]} : vector<64x512xf32> to vector<64x256xf32>
    %slice3A_1755 = vector.extract_strided_slice %select_n3A_1706 {offsets = [0, 256], sizes = [64, 256], strides = [1, 1]} : vector<64x512xf32> to vector<64x256xf32>
    %add3A_1756 = arith.addf %slice3A_1754, %slice3A_1755 : vector<64x256xf32>
    %slice3A_1757 = vector.extract_strided_slice %add3A_1756 {offsets = [0, 0], sizes = [64, 128], strides = [1, 1]} : vector<64x256xf32> to vector<64x128xf32>
    %slice3A_1758 = vector.extract_strided_slice %add3A_1756 {offsets = [0, 128], sizes = [64, 128], strides = [1, 1]} : vector<64x256xf32> to vector<64x128xf32>
    %add3A_1759 = arith.addf %slice3A_1757, %slice3A_1758 : vector<64x128xf32>
    %slice3A_1760 = vector.extract_strided_slice %add3A_1759 {offsets = [0, 0], sizes = [32, 128], strides = [1, 1]} : vector<64x128xf32> to vector<32x128xf32>
    %slice3A_1761 = vector.extract_strided_slice %add3A_1759 {offsets = [32, 0], sizes = [32, 128], strides = [1, 1]} : vector<64x128xf32> to vector<32x128xf32>
    %add3A_1762 = arith.addf %slice3A_1760, %slice3A_1761 : vector<32x128xf32>
    %slice3A_1763 = vector.extract_strided_slice %add3A_1762 {offsets = [0, 0], sizes = [16, 128], strides = [1, 1]} : vector<32x128xf32> to vector<16x128xf32>
    %slice3A_1764 = vector.extract_strided_slice %add3A_1762 {offsets = [16, 0], sizes = [16, 128], strides = [1, 1]} : vector<32x128xf32> to vector<16x128xf32>
    %add3A_1765 = arith.addf %slice3A_1763, %slice3A_1764 : vector<16x128xf32>
    %slice3A_1766 = vector.extract_strided_slice %add3A_1765 {offsets = [0, 0], sizes = [8, 128], strides = [1, 1]} : vector<16x128xf32> to vector<8x128xf32>
    %slice3A_1767 = vector.extract_strided_slice %add3A_1765 {offsets = [8, 0], sizes = [8, 128], strides = [1, 1]} : vector<16x128xf32> to vector<8x128xf32>
    %add3A_1768 = arith.addf %slice3A_1766, %slice3A_1767 : vector<8x128xf32>
    %add3A_1769 = arith.addf %get3A_1753, %add3A_1768 : vector<8x128xf32>
    %swap3A_1770 = arith.constant 448 : index
    %swap3A_1771 = arith.constant 0 : index
    %swap3A_1772 = vector.load %arg4[%swap3A_1770, %swap3A_1771] : memref<456x128xf32, #tpu.memory_space<vmem>>, vector<8x128xf32>
    tpu.vector_store %arg4[%swap3A_1770, %swap3A_1771], %add3A_1769 {strides = array<i32>} : memref<456x128xf32, #tpu.memory_space<vmem>>, vector<8x128xf32>,
    %eq3A_1773 = arith.constant 127 : i32
    %eq3A_1774 = arith.cmpi eq, %arg0, %eq3A_1773 : i32
    %convert_element_type3A_1775 = arith.extui %eq3A_1774 : i1 to i32
    %cond3A_1776 = arith.constant 0 : i32
    %cond3A_1777 = arith.cmpi ne, %convert_element_type3A_1775, %cond3A_1776 : i32
    scf.if %cond3A_1777 {
      %get3A_1778 = arith.constant 0 : index
      %get3A_1779 = arith.constant 0 : index
      %get3A_1780 = vector.load %arg4[%get3A_1778, %get3A_1779] : memref<456x128xf32, #tpu.memory_space<vmem>>, vector<152x128xf32>
      %reshape3A = vector.shape_cast %get3A_1780 : vector<152x128xf32> to vector<19x8x128xf32>
      %reduce_sum3A = arith.constant dense<0.000000e+00> : vector<19xf32>
      %reduce_sum3A_1781 = vector.multi_reduction <add>, %reshape3A, %reduce_sum3A [1, 2] : vector<19x8x128xf32> to vector<19xf32>
      %broadcast_in_dim3A_1782 = vector.shape_cast %reduce_sum3A_1781 : vector<19xf32> to vector<19x1x1xf32>
      %squeeze3A_1783 = vector.shape_cast %broadcast_in_dim3A_1782 : vector<19x1x1xf32> to vector<19x1xf32>
      %get3A_1784 = arith.constant 152 : index
      %get3A_1785 = arith.constant 0 : index
      %get3A_1786 = vector.load %arg4[%get3A_1784, %get3A_1785] : memref<456x128xf32, #tpu.memory_space<vmem>>, vector<152x128xf32>
      %reshape3A_1787 = vector.shape_cast %get3A_1786 : vector<152x128xf32> to vector<19x8x128xf32>
      %reduce_sum3A_1788 = arith.constant dense<0.000000e+00> : vector<19xf32>
      %reduce_sum3A_1789 = vector.multi_reduction <add>, %reshape3A_1787, %reduce_sum3A_1788 [1, 2] : vector<19x8x128xf32> to vector<19xf32>
      %broadcast_in_dim3A_1790 = vector.shape_cast %reduce_sum3A_1789 : vector<19xf32> to vector<19x1x1xf32>
      %squeeze3A_1791 = vector.shape_cast %broadcast_in_dim3A_1790 : vector<19x1x1xf32> to vector<19x1xf32>
      %get3A_1792 = arith.constant 304 : index
      %get3A_1793 = arith.constant 0 : index
      %get3A_1794 = vector.load %arg4[%get3A_1792, %get3A_1793] : memref<456x128xf32, #tpu.memory_space<vmem>>, vector<152x128xf32>
      %reshape3A_1795 = vector.shape_cast %get3A_1794 : vector<152x128xf32> to vector<19x8x128xf32>
      %reduce_sum3A_1796 = arith.constant dense<0.000000e+00> : vector<19xf32>
      %reduce_sum3A_1797 = vector.multi_reduction <add>, %reshape3A_1795, %reduce_sum3A_1796 [1, 2] : vector<19x8x128xf32> to vector<19xf32>
      %broadcast_in_dim3A_1798 = vector.shape_cast %reduce_sum3A_1797 : vector<19xf32> to vector<19x1x1xf32>
      %squeeze3A_1799 = vector.shape_cast %broadcast_in_dim3A_1798 : vector<19x1x1xf32> to vector<19x1xf32>
      %concatenate3A = tpu.concatenate %squeeze3A_1783, %squeeze3A_1791, %squeeze3A_1799 in 1 : vector<19x1xf32>, vector<19x1xf32>, vector<19x1xf32> -> vector<19x3xf32>
      %transpose3A = tpu.transpose %concatenate3A, [1, 0] : vector<19x3xf32> -> vector<3x19xf32>
      %broadcast_in_dim3A_1800 = arith.constant 0.000000e+00 : f32
      %broadcast_in_dim3A_1801 = vector.broadcast %broadcast_in_dim3A_1800 : f32 to vector<3x13xf32>
      %concatenate3A_1802 = tpu.concatenate %transpose3A, %broadcast_in_dim3A_1801 in 1 : vector<3x19xf32>, vector<3x13xf32> -> vector<3x32xf32>
      %swap3A_1803 = arith.constant 0 : index
      %swap3A_1804 = arith.constant 0 : index
      %swap3A_1805 = vector.load %arg3[%swap3A_1803, %swap3A_1804] : memref<3x32xf32, #tpu.memory_space<vmem>>, vector<3x32xf32>
      tpu.vector_store %arg3[%swap3A_1803, %swap3A_1804], %concatenate3A_1802 {strides = array<i32>} : memref<3x32xf32, #tpu.memory_space<vmem>>, vector<3x32xf32>,
    } else {
    }
    return
  }
  func.func @transform_0(%arg0: i32) -> (i32, i32, i32, i32) {
    %jit3A = arith.constant 8 : i32
    %div3A = arith.divsi %arg0, %jit3A : i32
    %sign3A = arith.constant 0 : i32
    %sign3A_0 = arith.cmpi sgt, %arg0, %sign3A : i32
    %sign3A_1 = arith.extui %sign3A_0 : i1 to i32
    %sign3A_2 = arith.constant 0 : i32
    %sign3A_3 = arith.cmpi slt, %arg0, %sign3A_2 : i32
    %sign3A_4 = arith.extui %sign3A_3 : i1 to i32
    %sign3A_5 = arith.subi %sign3A_1, %sign3A_4 : i32
    %sign3A_6 = arith.constant 0 : i32
    %sign3A_7 = arith.cmpi sgt, %jit3A, %sign3A_6 : i32
    %sign3A_8 = arith.extui %sign3A_7 : i1 to i32
    %sign3A_9 = arith.constant 0 : i32
    %sign3A_10 = arith.cmpi slt, %jit3A, %sign3A_9 : i32
    %sign3A_11 = arith.extui %sign3A_10 : i1 to i32
    %sign3A_12 = arith.subi %sign3A_8, %sign3A_11 : i32
    %ne3A = arith.cmpi ne, %sign3A_5, %sign3A_12 : i32
    %rem3A = arith.remsi %arg0, %jit3A : i32
    %ne3A_13 = arith.constant 0 : i32
    %ne3A_14 = arith.cmpi ne, %rem3A, %ne3A_13 : i32
    %and3A = arith.andi %ne3A, %ne3A_14 : i1
    %sub3A = arith.constant 1 : i32
    %sub3A_15 = arith.subi %div3A, %sub3A : i32
    %select_n3A = arith.select %and3A, %sub3A_15, %div3A : i32
    %jit3A_16 = arith.constant 8 : i32
    %eq3A = arith.constant 0 : i32
    %eq3A_17 = arith.cmpi eq, %jit3A_16, %eq3A : i32
    %jit3A_18 = arith.constant 1 : i32
    %select_n3A_19 = arith.select %eq3A_17, %jit3A_18, %jit3A_16 : i32
    %rem3A_20 = arith.remsi %arg0, %select_n3A_19 : i32
    %ne3A_21 = arith.constant 0 : i32
    %ne3A_22 = arith.cmpi ne, %rem3A_20, %ne3A_21 : i32
    %lt3A = arith.constant 0 : i32
    %lt3A_23 = arith.cmpi slt, %rem3A_20, %lt3A : i32
    %lt3A_24 = arith.constant 0 : i32
    %lt3A_25 = arith.cmpi slt, %select_n3A_19, %lt3A_24 : i32
    %ne3A_26 = arith.xori %lt3A_23, %lt3A_25 : i1
    %and3A_27 = arith.andi %ne3A_26, %ne3A_22 : i1
    %add3A = arith.addi %rem3A_20, %select_n3A_19 : i32
    %select_n3A_28 = arith.select %and3A_27, %add3A, %rem3A_20 : i32
    %c0_i32 = arith.constant 0 : i32
    %c0_i32_29 = arith.constant 0 : i32
    %c0_i32_30 = arith.constant 0 : i32
    return %select_n3A, %c0_i32, %select_n3A_28, %c0_i32_29 : i32, i32, i32, i32
  }
  func.func @transform_1(%arg0: i32) -> (i32, i32, i32) {
    %jit3A = arith.constant 8 : i32
    %div3A = arith.divsi %arg0, %jit3A : i32
    %sign3A = arith.constant 0 : i32
    %sign3A_0 = arith.cmpi sgt, %arg0, %sign3A : i32
    %sign3A_1 = arith.extui %sign3A_0 : i1 to i32
    %sign3A_2 = arith.constant 0 : i32
    %sign3A_3 = arith.cmpi slt, %arg0, %sign3A_2 : i32
    %sign3A_4 = arith.extui %sign3A_3 : i1 to i32
    %sign3A_5 = arith.subi %sign3A_1, %sign3A_4 : i32
    %sign3A_6 = arith.constant 0 : i32
    %sign3A_7 = arith.cmpi sgt, %jit3A, %sign3A_6 : i32
    %sign3A_8 = arith.extui %sign3A_7 : i1 to i32
    %sign3A_9 = arith.constant 0 : i32
    %sign3A_10 = arith.cmpi slt, %jit3A, %sign3A_9 : i32
    %sign3A_11 = arith.extui %sign3A_10 : i1 to i32
    %sign3A_12 = arith.subi %sign3A_8, %sign3A_11 : i32
    %ne3A = arith.cmpi ne, %sign3A_5, %sign3A_12 : i32
    %rem3A = arith.remsi %arg0, %jit3A : i32
    %ne3A_13 = arith.constant 0 : i32
    %ne3A_14 = arith.cmpi ne, %rem3A, %ne3A_13 : i32
    %and3A = arith.andi %ne3A, %ne3A_14 : i1
    %sub3A = arith.constant 1 : i32
    %sub3A_15 = arith.subi %div3A, %sub3A : i32
    %select_n3A = arith.select %and3A, %sub3A_15, %div3A : i32
    %jit3A_16 = arith.constant 8 : i32
    %eq3A = arith.constant 0 : i32
    %eq3A_17 = arith.cmpi eq, %jit3A_16, %eq3A : i32
    %jit3A_18 = arith.constant 1 : i32
    %select_n3A_19 = arith.select %eq3A_17, %jit3A_18, %jit3A_16 : i32
    %rem3A_20 = arith.remsi %arg0, %select_n3A_19 : i32
    %ne3A_21 = arith.constant 0 : i32
    %ne3A_22 = arith.cmpi ne, %rem3A_20, %ne3A_21 : i32
    %lt3A = arith.constant 0 : i32
    %lt3A_23 = arith.cmpi slt, %rem3A_20, %lt3A : i32
    %lt3A_24 = arith.constant 0 : i32
    %lt3A_25 = arith.cmpi slt, %select_n3A_19, %lt3A_24 : i32
    %ne3A_26 = arith.xori %lt3A_23, %lt3A_25 : i1
    %and3A_27 = arith.andi %ne3A_26, %ne3A_22 : i1
    %add3A = arith.addi %rem3A_20, %select_n3A_19 : i32
    %select_n3A_28 = arith.select %and3A_27, %add3A, %rem3A_20 : i32
    %c0_i32 = arith.constant 0 : i32
    %c0_i32_29 = arith.constant 0 : i32
    return %select_n3A, %select_n3A_28, %c0_i32 : i32, i32, i32
  }
  func.func @transform_2(%arg0: i32) -> (i32, i32) {
    %c0_i32 = arith.constant 0 : i32
    %c0_i32_0 = arith.constant 0 : i32
    %c0_i32_1 = arith.constant 0 : i32
    return %c0_i32, %c0_i32_0 : i32, i32
  }
}

</mosaic_0001>

<sc_bundles>
// kernel: kernel.4.cloned.1.call-start
scs
__scs_entry_jumppad:
0x0: {  	(pc) =	sbr.rel $0x88, $3  }
0x1: {  	(tag) =	ssettag $0x0;
	lr =	simm.s32 $0x1  }
0x2: {  	[smem:$0x3F9F] =	sst lr;
	_ =	strace $0xD0000000  }
0x3: {  	_ = 	snop  }
0x4: {  	_ = 	snop  }
0x5: {  	_ = 	snop  }
0x6: {  	_ = 	snop  }
0x7: {  	_ = 	snop  }
__scs_overlays_trampoline_lowered:
0x8: {  	[smem:$0x3FAE] =	sst s0  }
0x9: {  	[smem:$0x3FAF] =	sst s1  }
0xa: {  	[smem:$0x3FB0] =	sst s2  }
0xb: {  	[smem:$0x3FB1] =	sst s3  }
0xc: {  	[smem:$0x3FB2] =	sst s4  }
0xd: {  	[smem:$0x3FB3] =	sst s5  }
0xe: {  	[smem:$0x3FB4] =	sst s6  }
0xf: {  	[smem:$0x3FB5] =	sst s7  }
0x10: {  	[smem:$0x3FB6] =	sst s8  }
0x11: {  	[smem:$0x3FB7] =	sst s9;
	s0 =	simm.s32 @!p0 $0x0  }
0x12: {  	s1 =	sld [smem:$0x3F9D];
	s0 =	simm.s32 @p0 $0x1  }
0x13: {  	[smem:$0x3FB8] =	sst s0;
	s0 =	simm.s32 @!p1 $0x0  }
0x14: {  	s2 =	sld [smem:$0x3F9C];
	s0 =	simm.s32 @p1 $0x1  }
0x15: {  	[smem:$0x3FB9] =	sst s0;
	s0 =	simm.s32 @!p2 $0x0  }
0x16: {  	s3 =	sld [smem:$0x3FDB];
	s0 =	simm.s32 @p2 $0x1  }
0x17: {  	s4 =	simm.s32 $0x1BF5;
	[smem:$0x3FBB] =	sst s0  }
0x18: {  	s0 =	sld [smem:$0x3F9E];
	_ =	swait.ge [sflag:s4], $0x0  }
0x19: {  	s7 =	sld [smem:$0x3F9F]  }
0x1a: {  	s8 =	sadd.s32 $0xFFFFE003, lr  }
0x1b: {  	s9 =	sadd.s32 $0xFFFFFEF7, lr;
	s5 =	simm.s32 $0xFFFFFFFF;
	p2 =	slt.u32 s8, $0xFFFFF086  }
0x1c: {  	p1 =	slt.u32 s9, $0xF7A;
	s5 =	simm.s32 @!p2 $0x0  }
0x1d: {  	s5 =	simm.s32 @p1 $0x1;
	p0 =	seq.s32 s7, s2  }
0x1e: {  	s7 =	smul.u32 @!p0 $0xF7A, s2;
	p2 =	seq.s32 @!p0 s5, $0x0  }
0x1f: {  	s9 =	smul.u32 $0xF7A, s1;
	s8 =	simm.s32 @!p0 $0x1BF5;
	p2 =	por !p2, p0  }
0x20: {  	[sflag:s8] =	ssyncset.s32 @!p0 $0xFFFFF086;
	s6 =	sadd.s32 @!p0 s3, s7;
	s7 =	simm.s32 @!p0 $0x108  }
0x21: {  	s3 =	sadd.s32 s3, s9;
	s6 =	sadd.s32 @!p0 $0x88, s6;
	s7 =	simm.s32 @p2 $0x1082  }
0x22: {  	[simem:s7], [sflag:s8] =	dma.local @!p0 [hbm:s6], $0xF7A  }
0x23: {  	s9 =	sor.u32 $0xD0000000, s2;
	s6 =	simm.s32 $0x108;
	_ =	swait.ge @!p0 [sflag:s8], $0x0  }
0x24: {  	s3 =	sadd.s32 $0x88, s3;
	s6 =	simm.s32 @!p1 $0x1082;
	[sflag:s4] =	ssyncset.s32 $0xFFFFF086  }
0x25: {  	[simem:s6], [sflag:s4] =	dma.local [hbm:s3], $0xF7A  }
0x26: {  	[smem:$0x3F9F] =	sst s1;
	(tag) =	ssettag s2;
	_ =	strace s9  }
0x27: {  	s1 =	sld [smem:$0x3FAF]  }
0x28: {  	s2 =	sld [smem:$0x3FB0]  }
0x29: {  	s4 =	sld [smem:$0x3FB2]  }
0x2a: {  	p0 =	seq.s32 s5, $0x0;
	s5 =	sld [smem:$0x3FB3]  }
0x2b: {  	s6 =	sld [smem:$0x3FB4]  }
0x2c: {  	s7 =	sld [smem:$0x3FB5]  }
0x2d: {  	s3 =	simm.s32 $0x108;
	s8 =	sld [smem:$0x3FB6]  }
0x2e: {  	s3 =	simm.s32 @!p0 $0x1082;
	s9 =	sld [smem:$0x3FB7]  }
0x2f: {  	lr =	sadd.s32 s0, s3;
	s0 =	sld [smem:$0x3FAE]  }
0x30: {  	s3 =	sld [smem:$0x3FB1]  }
0x31: {  	[smem:$0x3FBA] =	sst s10  }
0x32: {  	s10 =	sld [smem:$0x3FB8];
	_ =	sdelay $0x3  }
0x33: {  	p0 =	seq.s32 s10, $0x1;
	s10 =	sld [smem:$0x3FBA];
	_ =	sdelay $0x3  }
0x34: {  	[smem:$0x3FBA] =	sst s10  }
0x35: {  	s10 =	sld [smem:$0x3FB9];
	_ =	sdelay $0x3  }
0x36: {  	p1 =	seq.s32 s10, $0x1;
	s10 =	sld [smem:$0x3FBA];
	_ =	sdelay $0x3  }
0x37: {  	[smem:$0x3FBA] =	sst s10  }
0x38: {  	s10 =	sld [smem:$0x3FBB]  }
0x39: {  	_ = 	snop;
	(pc) =	sbr.ind lr, $3  }
0x3a: {  	_ = 	snop  }
0x3b: {  	_ = 	snop  }
0x3c: {  	p2 =	seq.s32 s10, $0x1;
	s10 =	sld [smem:$0x3FBA]  }
0x3d: {  	_ =	shalt  }
0x3e: {  	_ =	shalt  }
0x3f: {  	_ =	shalt  }
0x40: {  	_ =	shalt  }
0x41: {  	_ =	shalt  }
0x42: {  	_ =	shalt  }
0x43: {  	_ =	shalt  }
0x44: {  	_ =	shalt  }
0x45: {  	_ =	shalt  }
0x46: {  	_ =	shalt  }
0x47: {  	_ =	shalt  }
0x48: {  	_ =	shalt  }
0x49: {  	_ =	shalt  }
0x4a: {  	_ =	shalt  }
0x4b: {  	_ =	shalt  }
0x4c: {  	_ =	shalt  }
0x4d: {  	_ =	shalt  }
0x4e: {  	_ =	shalt  }
0x4f: {  	_ =	shalt  }
0x50: {  	_ =	shalt  }
0x51: {  	_ =	shalt  }
0x52: {  	_ =	shalt  }
0x53: {  	_ =	shalt  }
0x54: {  	_ =	shalt  }
0x55: {  	_ =	shalt  }
0x56: {  	_ =	shalt  }
0x57: {  	_ =	shalt  }
0x58: {  	_ =	shalt  }
0x59: {  	_ =	shalt  }
0x5a: {  	_ =	shalt  }
0x5b: {  	_ =	shalt  }
0x5c: {  	_ =	shalt  }
0x5d: {  	_ =	shalt  }
0x5e: {  	_ =	shalt  }
0x5f: {  	_ =	shalt  }
0x60: {  	_ =	shalt  }
0x61: {  	_ =	shalt  }
0x62: {  	_ =	shalt  }
0x63: {  	_ =	shalt  }
0x64: {  	_ =	shalt  }
0x65: {  	_ =	shalt  }
0x66: {  	_ =	shalt  }
0x67: {  	_ =	shalt  }
0x68: {  	_ =	shalt  }
0x69: {  	_ =	shalt  }
0x6a: {  	_ =	shalt  }
0x6b: {  	_ =	shalt  }
0x6c: {  	_ =	shalt  }
0x6d: {  	_ =	shalt  }
0x6e: {  	_ =	shalt  }
0x6f: {  	_ =	shalt  }
0x70: {  	_ =	shalt  }
0x71: {  	_ =	shalt  }
0x72: {  	_ =	shalt  }
0x73: {  	_ =	shalt  }
0x74: {  	_ =	shalt  }
0x75: {  	_ =	shalt  }
0x76: {  	_ =	shalt  }
0x77: {  	_ =	shalt  }
0x78: {  	_ =	shalt  }
0x79: {  	_ =	shalt  }
0x7a: {  	_ =	shalt  }
0x7b: {  	_ =	shalt  }
0x7c: {  	_ =	shalt  }
0x7d: {  	_ =	shalt  }
0x7e: {  	_ =	shalt  }
0x7f: {  	_ =	shalt  }
0x80: {  	_ =	shalt  }
0x81: {  	_ =	shalt  }
0x82: {  	_ =	shalt  }
0x83: {  	_ =	shalt  }
0x84: {  	_ =	shalt  }
0x85: {  	_ =	shalt  }
0x86: {  	_ =	shalt  }
0x87: {  	_ =	shalt  }
.Lfunc_end0:
.L_simem_size_0:
called_computation_lowered:
.L_overlay_start_0:
0x88: {  	s2 =	sld [smem:$0x3FD9]  }
0x89: {  	s3 =	sld [smem:$0x3FFE];
	_ =	sdelay $0x1  }
0x8a: {  	s1 =	srdreg.scid  }
0x8b: {  	s0 =	sand.u32 $0x1, s1  }
0x8c: {  	s17 =	sshll.u32 s0, $0xA;
	s2 =	sadd.s32 s3, s2  }
0x8d: {  	s2 =	sadd.s32 s2, s17  }
0x8e: {  	[smem:$0x3FC6] =	sst s2  }
0x8f: {  	_ = 	snop  }
0x90: {  	s2 =	sld [smem:$0x3FD0];
	(tm) =	ssettm $0x1  }
0x91: {  	s18 =	sld [smem:$0x3FFB];
	_ =	sdelay $0x3  }
0x92: {  	_ =	strace s18  }
0x93: {  	s3 =	sld [smem:$0x3FFC];
	_ =	sdelay $0x3  }
0x94: {  	_ =	strace s3  }
0x95: {  	s3 =	sld [smem:$0x3FFD];
	_ =	sdelay $0x3  }
0x96: {  	_ =	strace s3  }
0x97: {  	_ =	strace $0x8FFFFFFF  }
0x98: {  	s19 =	sld [smem:$0x3FDB];
	_ =	sdelay $0x1  }
0x99: {  	s4 =	simm.s32 $_scs_section_size  }
0x9a: {  	s5 =	simm.s32 $_size__tile_overlayer_lowered;
	s6 =	simm.s32 $_tile_overlayer_lowered  }
0x9b: {  	s22 =	simm.s32 $0x1BFF;
	s21 =	sshll.u32 s6, $0x1;
	s3 =	sadd.s32 s4, s19  }
0x9c: {  	s7 =	simm.s32 $0x0;
	s20 =	sshll.u32 s5, $0x1;
	s5 =	sadd.s32 s21, s3  }
0x9d: {  	[timem:s7], [sflag:s22] =	dma.local [hbm:s5], s20  }
0x9e: {  	_ =	swait.ge [sflag:s22], s20  }
0x9f: {  	s4 =	ssub.s32 $0x0, s20;
	[sflag:s22] =	ssyncset.done $0x0  }
0xa0: {  	[sflag:s22] =	ssyncadd.s32 s4;
	_ =	sdelay $0x1  }
0xa1: {  	s23 =	simm.s32 $0x1B8B  }
0xa2: {  	_ =	swait.ge [sflag:s23], $0x1  }
0xa3: {  	[sflag:s23] =	ssyncset.done $0x0  }
0xa4: {  	s25 =	simm.s32 $0x1B8E;
	s24 =	sld [smem:$0x3FFE];
	[sflag:s23] =	ssyncadd.s32 $0xFFFFFFFF  }
0xa5: {  	s26 =	simm.s32 $execute0_lowered;
	[smem:$0x3FD2] =	sst s25  }
0xa6: {  	s5 =	sshll.u32 s26, $0x1;
	_ =	strace $0x80000046;
	[dreg:$0x1] =	wrdreg $0xFFFFFFFF  }
0xa7: {  	s28 =	simm.s32 $_size_execute0_lowered;
	s3 =	sadd.s32 s3, s5;
	[dreg:$0x0] =	wrdreg $0x0  }
0xa8: {  	s5 =	sshll.u32 s28, $0x1;
	[dreg:$0x2] =	wrdreg s3  }
0xa9: {  	[dreg:$0x3] =	wrdreg s5  }
0xaa: {  	[dreg:$0x4] =	wrdreg $0xC0  }
0xab: {  	_ =	task [dreg:s7], $0x5FFFF  }
0xac: {  	[dreg:$0x1] =	wrdreg $0xFFFFFFFF  }
0xad: {  	[dreg:$0x0] =	wrdreg $0x60  }
0xae: {  	[dreg:$0x2] =	wrdreg s24  }
0xaf: {  	[dreg:$0x3] =	wrdreg s2  }
0xb0: {  	[dreg:$0x4] =	wrdreg $0x9  }
0xb1: {  	_ =	task.clear_ibuf [dreg:s7], $0x5FFFF;
	_ =	strace $0x90000046  }
0xb2: {  	s29 =	simm.s32 $0x9;
	_ =	strace $0x80000048  }
0xb3: {  	_ =	swait.ge [sflag:s29], $0x1  }
0xb4: {  	[sflag:s29] =	ssyncadd.s32 $0xFFFFFFFF  }
0xb5: {  	_ =	strace $0x90000048  }
0xb6: {  	_ =	sfence  }
0xb7: {  	s30 =	sld [smem:$0x0];
	_ =	sdelay $0x2  }
0xb8: {  	s31 =	sshll.u32 s1, $0xD;
	s1 =	sshrl.u32 s1, $0x2  }
0xb9: {  	s3 =	sand.u32 $0x4000, s31;
	s1 =	sadd.s32 s1, s30  }
0xba: {  	s0 =	sor.u32 s3, s0;
	s1 =	sshll.u32 s1, $0x11  }
0xbb: {  	s0 =	sor.u32 s1, s0  }
0xbc: {  	s0 =	sadd.s32 $0x8F2B, s0  }
0xbd: {  	[sflag:s0] =	ssyncadd.remote.s32 $0x1  }
0xbe: {  	_ =	sfence.sel $0xFFFF  }
0xbf: {  	[dreg:$0x0] =	wrdreg $0xFFFFFFFF;
	(pc) =	sbr.abs _section_cstart, $3  }
0xc0: {  	[dreg:$0x1] =	wrdreg $0xFFFFFFFF  }
0xc1: {  	_ =	task.clear_ibuf [dreg:s7], $0x2FFFF;
	_ =	strace $0x9FFFFFFF  }
0xc2: {  	(tm) =	ssettm $0x7FFFFFFF  }
0xc3: {  	_ =	shalt  }
tec
execute0_lowered:
.L_overlay_start_1:
0x0: {  	(tag) =	ssettag $0x1  }
0x1: {  	s3 =	rddreg [dreg:$0x0]  }
0x2: {  	s2 =	rddreg [dreg:$0x1]  }
0x3: {  	s0 =	rddreg [dreg:$0x2];
	_ =	strace $0x80000047;
	v0 =	vimm.f32 $4.194304000e+06  }
0x4: {  	(erf) = vrcp.f32 v0  }
0x5: {  	s1 =	srdreg.scid  }
0x6: {  	s6 =	sand.u32 $0x1, s1;
	s1 =	stileid.u32  }
0x7: {  	s4 =	sor.u32 s1, s6  }
0x8: {  	p0 =	sne.s32 s4, $0x0  }
.Ltmp0:
0x9: {  	_ = 	snop;
	(pc) =	sbr.rel @p0 .LBB2_4-.Ltmp0, $2  }
0xa: {  	_ =	sdelay $0x2  }
0xb: {  	v0 =	vpop (erf)  }
0xc: {  	s3 =	sadd.s32 $0x800, s3;
	s5 =	simm.s32 $0x0;
	s4 =	simm.s32 $0x1  }
0xd: {  	[tilespmem:s5], [sflag:$0x1] =	stream.linear.gather [hbm4b:s3+s5], $0x180, $0x38;
	[tilespmem:$0x280] =	vst v63  }
0xe: {  	_ =	swait.ge [sflag:s4], $0x180  }
0xf: {  	[sflag:s4] =	ssyncset.done $0x0  }
0x10: {  	[sflag:s4] =	ssyncadd.s32 $0xFFFFFE80  }
0x11: {  	v1 =	vld [tilespmem:$0x0];
	_ =	sdelay $0x1  }
0x12: {  	v2 =	vld [tilespmem:$0x10];
	_ =	sdelay $0x2  }
0x13: {  	vm0 =	vgt.f32 v1, $0.0e+00  }
0x14: {  	v1 =	vnsel vm0, $0x3F800000, v1  }
0x15: {  	vm13 =	vgt.f32 v2, $0.0e+00;
	(erf) = vrcp.f32 v1  }
0x16: {  	v1 =	vnsel vm13, $0x3F800000, v2  }
0x17: {  	(erf) = vrcp.f32 v1  }
0x18: {  	v1 =	vld [tilespmem:$0x80];
	_ =	sdelay $0x1  }
0x19: {  	v2 =	vld [tilespmem:$0x90];
	_ =	sdelay $0x1  }
0x1a: {  	v3 =	vld [tilespmem:$0x100]  }
0x1b: {  	v7 =	vimm.s32 $0xFEDCBA98;
	vm14 =	vgt.f32 v1, $0.0e+00  }
0x1c: {  	v5 =	vld [tilespmem:$0x110];
	v1 =	vnsel vm14, $0x3F800000, v1;
	v6 =	vpop (erf)  }
0x1d: {  	v4 =	vimm.s32 $0x76543210;
	vm15 =	vgt.f32 v2, $0.0e+00;
	v1 =	vmul.f32 v6, v1  }
0x1e: {  	v4 =	vunpack.c.l.s4.s8 v4;
	v2 =	vnsel vm15, $0x3F800000, v2;
	v6 =	vunpack.c.l.s4.s8 v7;
	v7 =	vpop (erf)  }
0x1f: {  	v2 =	vmul.f32 v7, v2;
	v1 =	vmul.f32 v1, v3  }
0x20: {  	v3 =	vunpack.c.0.s8.s32 v4;
	v4 =	vunpack.c.0.s8.s32 v6  }
0x21: {  	v6 =	vimm.s32 $0xBA98FEDC;
	v2 =	vmul.f32 v2, v5;
	v8 =	vadd.f32 $0.0e+00, v1  }
0x22: {  	v7 =	vimm.s32 $0x32107654;
	v1 =	vand.u32 $0xF, v4;
	v4 =	vunpack.c.l.s4.s8 v6  }
0x23: {  	v5 =	vunpack.c.l.s4.s8 v7;
	v1 =	vcombine.low v1, v3;
	v3 =	vadd.f32 v2, v8  }
0x24: {  	v6 =	vimm.s32 $0x54761032;
	v2 =	vunpack.c.0.s8.s32 v4  }
0x25: {  	v4 =	vunpack.c.0.s8.s32 v5;
	v5 =	vimm.s32 $0xDCFE98BA;
	v7 =	vperm.xlane v3, v1  }
0x26: {  	v6 =	vunpack.c.l.s4.s8 v6;
	v5 =	vunpack.c.l.s4.s8 v5  }
0x27: {  	v2 =	vcombine.low v4, v2;
	v4 =	vadd.f32 v3, v7  }
0x28: {  	v3 =	vunpack.c.0.s8.s32 v5;
	v5 =	vunpack.c.0.s8.s32 v6  }
0x29: {  	v6 =	vperm.xlane v4, v2  }
0x2a: {  	v7 =	vimm.s32 $0x67452301;
	v3 =	vcombine.low v5, v3;
	v5 =	vimm.s32 $0xEFCDAB89  }
0x2b: {  	v7 =	vunpack.c.l.s4.s8 v7;
	v5 =	vunpack.c.l.s4.s8 v5;
	v6 =	vadd.f32 v4, v6;
	_ =	sdelay $0x1  }
0x2c: {  	v4 =	vunpack.c.0.s8.s32 v5;
	v5 =	vunpack.c.0.s8.s32 v7;
	v7 =	vperm.xlane v6, v3;
	_ =	sdelay $0x1  }
0x2d: {  	v4 =	vcombine.low v5, v4;
	v5 =	vadd.f32 v6, v7;
	_ =	sdelay $0x1  }
0x2e: {  	v6 =	vperm.xlane v5, v4;
	_ =	sdelay $0x1  }
0x2f: {  	v5 =	vadd.f32 v5, v6  }
0x30: {  	s6 =	ssub.s32 $0x2, s6  }
0x31: {  	s7 =	sshrl.u32 s6, $0x1;
	v5 =	vmul.f32 v5, v0  }
0x32: {  	s7 =	ssub.s32 s6, s7  }
0x33: {  	p0 =	sne.s32 s7, $0x1;
	v5 =	vadd.f32 $9.999999770e-03, v5  }
.Ltmp1:
0x34: {  	_ = 	snop;
	(pc) =	sbr.rel @!p0 .LBB2_3-.Ltmp1, $4  }
0x35: {  	s6 =	simm.s32 $0x200;
	[tilespmem:$0x200] =	vst v5  }
0x36: {  	[hbm4b:s2+s5] =	stream.linear.scatter [tilespmem:s6], [sflag:$0x1], $0x80, $0x38;
	[tilespmem:$0x280] =	vst v63  }
0x37: {  	_ =	swait.ge [sflag:s4], $0x80  }
0x38: {  	s7 =	sadd.s32 $0xFFFFFFFF, s7;
	[sflag:s4] =	ssyncset.done $0x0  }
.LBB2_2:
0x39: {  	p0 =	sne.s32 s7, $0x1;
	s7 =	sadd.s32 $0xFFFFFFFF, s7;
	[sflag:s4] =	ssyncadd.s32 $0xFFFFFF80  }
0x3a: {  	[tilespmem:s5], [sflag:$0x1] =	stream.linear.gather [hbm4b:s3+s5], $0x180, $0x38;
	[tilespmem:$0x280] =	vst v63  }
0x3b: {  	_ =	swait.ge [sflag:s4], $0x180  }
0x3c: {  	[sflag:s4] =	ssyncset.done $0x0  }
0x3d: {  	[sflag:s4] =	ssyncadd.s32 $0xFFFFFE80  }
0x3e: {  	v5 =	vld [tilespmem:$0x0]  }
0x3f: {  	v6 =	vld [tilespmem:$0x10]  }
0x40: {  	v7 =	vld [tilespmem:$0x80]  }
0x41: {  	v8 =	vld [tilespmem:$0x90];
	_ =	sdelay $0x1  }
0x42: {  	vm0 =	vgt.f32 v5, $0.0e+00  }
0x43: {  	v5 =	vnsel vm0, $0x3F800000, v5;
	vm0 =	vgt.f32 v6, $0.0e+00  }
0x44: {  	vm1 =	vgt.f32 v7, $0.0e+00;
	v6 =	vnsel vm0, $0x3F800000, v6;
	(erf) = vrcp.f32 v5  }
0x45: {  	v5 =	vnsel vm1, $0x3F800000, v7;
	vm0 =	vgt.f32 v8, $0.0e+00;
	(erf) = vrcp.f32 v6  }
0x46: {  	v6 =	vnsel vm0, $0x3F800000, v8;
	_ =	sdelay $0x4  }
0x47: {  	v7 =	vld [tilespmem:$0x100];
	_ =	sdelay $0x1  }
0x48: {  	v8 =	vld [tilespmem:$0x110];
	v9 =	vpop (erf)  }
0x49: {  	v5 =	vmul.f32 v9, v5;
	v9 =	vpop (erf)  }
0x4a: {  	v6 =	vmul.f32 v9, v6  }
0x4b: {  	v5 =	vmul.f32 v5, v7;
	_ =	sdelay $0x1  }
0x4c: {  	v5 =	vadd.f32 $0.0e+00, v5;
	v6 =	vmul.f32 v6, v8;
	_ =	sdelay $0x1  }
0x4d: {  	v5 =	vadd.f32 v6, v5;
	_ =	sdelay $0x1  }
0x4e: {  	v6 =	vperm.xlane v5, v1;
	_ =	sdelay $0x1  }
0x4f: {  	v5 =	vadd.f32 v5, v6;
	_ =	sdelay $0x1  }
0x50: {  	v6 =	vperm.xlane v5, v2;
	_ =	sdelay $0x1  }
0x51: {  	v5 =	vadd.f32 v5, v6;
	_ =	sdelay $0x1  }
0x52: {  	v6 =	vperm.xlane v5, v3;
	_ =	sdelay $0x1  }
0x53: {  	v5 =	vadd.f32 v5, v6;
	_ =	sdelay $0x1  }
0x54: {  	v6 =	vperm.xlane v5, v4;
	_ =	sdelay $0x1  }
0x55: {  	v5 =	vadd.f32 v5, v6;
	_ =	sdelay $0x1  }
0x56: {  	v5 =	vmul.f32 v5, v0;
	_ =	sdelay $0x1  }
0x57: {  	v5 =	vadd.f32 $9.999999770e-03, v5  }
.Ltmp2:
0x58: {  	(pc) =	sbr.rel @p0 .LBB2_2-.Ltmp2, $4  }
0x59: {  	[tilespmem:$0x200] =	vst v5  }
0x5a: {  	[hbm4b:s2+s5] =	stream.linear.scatter [tilespmem:s6], [sflag:$0x1], $0x80, $0x38;
	[tilespmem:$0x280] =	vst v63  }
0x5b: {  	_ =	swait.ge [sflag:s4], $0x80  }
0x5c: {  	[sflag:s4] =	ssyncset.done $0x0  }
.LBB2_3:
0x5d: {  	[sflag:s4] =	ssyncadd.s32 $0xFFFFFF80  }
.LBB2_4:
0x5e: {  	_ =	sfence.sel $0x180000  }
0x5f: {  	[bflag:$0x0] =	sbarrier.arrive $0xFFFF  }
0x60: {  	p0 =	sne.s32 s1, $0x0;
	_ =	strace $0x90000047  }
0x61: {  	s0 =	sadd.s32 @!p0 $0x100000, s0;
	[bflag:$0x2] =	sbarrier.arrive $0xFFFF  }
0x62: {  	[sflag:s0] =	ssyncadd.tile.s32 @!p0 $0x1;
	_ =	shalt  }
.Lfunc_end2:
_tile_overlayer_lowered:
.L_overlay_start_2:
0x63: {  	(tag) =	ssettag $0x2  }
0x64: {  	s0 =	rddreg [dreg:$0x0];
	s2 =	stileid.u32  }
0x65: {  	s1 =	rddreg [dreg:$0x1];
	p0 =	sne.s32 s2, $0x0  }
0x66: {  	s3 =	rddreg [dreg:$0x2];
	[bflag:$0x3] =	sbarrier.arrive $0xFFFF;
	s2 =	simm.s32 @!p0 $0x1C01  }
0x67: {  	[timem:s3], [sflag:s2] =	dma.local @!p0 [hbm:s0], s1  }
0x68: {  	s0 =	simm.s32 @!p0 $0x1  }
0x69: {  	_ =	swait.ge @!p0 [sflag:s0], s1  }
0x6a: {  	s1 =	ssub.s32 @!p0 $0x0, s1;
	[sflag:s0] =	ssyncset.done @!p0 $0x0  }
0x6b: {  	[sflag:s0] =	ssyncadd.s32 @!p0 s1  }
0x6c: {  	[bflag:$0x3] =	sbarrier.arrive $0xFFFF  }
0x6d: {  	_ =	shalt  }

</sc_bundles>
